<compile_context>
chip_gen: v7x
topology: tpu7x:2x2x1
jax: 0.10.2.dev20260603
libtpu: 0.0.44.dev20260713+nightly
codegen_flags: <defaults>
</compile_context>

<pallas_src>
import functools

import jax
import jax.numpy as jnp
from jax import lax
from jax.experimental import pallas as pl
from jax.experimental.pallas import tpu as pltpu
from jax.experimental.pallas import tpu_sc as plsc

NBX = 512
NBY = 512
BSX = 1.0 / NBX
BSY = 1.0 / NBY
THX = BSX
THY = BSY
TARGET_DENSITY = 0.8
BIN_AREA = BSX * BSY
INV_BIN_AREA = float(NBX * NBY)

PADW = 516
MTOT = 294912

NC = 2
NS = 16
NW = NC * NS
CHUNK = 2048
CPW = 16
NPAD = NW * CHUNK * CPW


def _compute_group(px, py, sx, sy):
    cx = px + 0.5 * sx
    cy = py + 0.5 * sy
    g = (sx * sy) * 0.25

    tx = (cx - THX) * float(NBX)
    ty = (cy - THY) * float(NBY)
    ixt = tx.astype(jnp.int32)
    iyt = ty.astype(jnp.int32)
    lox = jnp.where(ixt.astype(jnp.float32) > tx, ixt - 1, ixt)
    loy = jnp.where(iyt.astype(jnp.float32) > ty, iyt - 1, iyt)
    fx = tx - lox.astype(jnp.float32)
    fy = ty - loy.astype(jnp.float32)

    gfx = g * fx
    wx = [g - gfx, g, gfx]
    oy0 = 1.0 - fy
    oy2 = fy

    col0 = (lox + 1) * PADW
    col = [col0, col0 + PADW, col0 + 2 * PADW]
    row0 = loy + 1
    row = [row0, row0 + 1, row0 + 2]
    return wx, col, oy0, oy2, row


@functools.partial(
    pl.kernel,
    out_type=jax.ShapeDtypeStruct((NC, MTOT), jnp.float32),
    mesh=plsc.VectorSubcoreMesh(core_axis_name="c", subcore_axis_name="s"),
    scratch_types=[
        [pltpu.VMEM((CHUNK,), jnp.float32) for _ in range(2)],
        [pltpu.VMEM((CHUNK,), jnp.float32) for _ in range(2)],
        [pltpu.VMEM((CHUNK,), jnp.float32) for _ in range(2)],
        [pltpu.VMEM((CHUNK,), jnp.float32) for _ in range(2)],
        [pltpu.VMEM((9 * CHUNK,), jnp.int32) for _ in range(2)],
        [pltpu.VMEM((9 * CHUNK,), jnp.float32) for _ in range(2)],
        pltpu.VMEM_SHARED((MTOT,), jnp.float32),
        [pltpu.SemaphoreType.DMA for _ in range(2)],
        [pltpu.SemaphoreType.DMA for _ in range(2)],
    ],
)
def _sc_scatter(px_hbm, py_hbm, sx_hbm, sy_hbm, zeros_hbm, out_hbm,
                px_v, py_v, sx_v, sy_v, idx_v, val_v, map_sh,
                sem_in, sem_sc):
    c = lax.axis_index("c")
    s = lax.axis_index("s")
    wid = c * NS + s
    wbase = wid * (CHUNK * CPW)

    seg = MTOT // NS
    pltpu.sync_copy(zeros_hbm.at[pl.ds(s * seg, seg)],
                    map_sh.at[pl.ds(s * seg, seg)])
    plsc.subcore_barrier()

    def start_loads(chunk_idx, b):
        base = wbase + chunk_idx * CHUNK
        pltpu.async_copy(px_hbm.at[pl.ds(base, CHUNK)], px_v[b], sem_in[b])
        pltpu.async_copy(py_hbm.at[pl.ds(base, CHUNK)], py_v[b], sem_in[b])
        pltpu.async_copy(sx_hbm.at[pl.ds(base, CHUNK)], sx_v[b], sem_in[b])
        pltpu.async_copy(sy_hbm.at[pl.ds(base, CHUNK)], sy_v[b], sem_in[b])

    def wait_loads(b):
        for dst in (px_v[b], py_v[b], sx_v[b], sy_v[b]):
            pltpu.make_async_copy(px_hbm.at[pl.ds(0, CHUNK)], dst,
                                  sem_in[b]).wait()

    def wait_scatter(b):
        pltpu.make_async_copy(val_v[b], map_sh.at[idx_v[b]],
                              sem_sc[b]).wait()

    def compute_chunk(b):
        def group_body(j, carry2):
            o16 = j * 16
            px = px_v[b][pl.ds(o16, 16)]
            py = py_v[b][pl.ds(o16, 16)]
            sx = sx_v[b][pl.ds(o16, 16)]
            sy = sy_v[b][pl.ds(o16, 16)]
            wx, col, oy0, oy2, row = _compute_group(px, py, sx, sy)
            for kx in range(3):
                for ky in range(3):
                    off = (kx * 3 + ky) * CHUNK + o16
                    idx_v[b][pl.ds(off, 16)] = col[kx] + row[ky]
                    if ky == 0:
                        v = wx[kx] * oy0
                    elif ky == 1:
                        v = wx[kx]
                    else:
                        v = wx[kx] * oy2
                    val_v[b][pl.ds(off, 16)] = v
            return carry2

        lax.fori_loop(0, CHUNK // 16, group_body, 0, unroll=4)

    start_loads(0, 0)

    def pair_body(ip, carry):
        for b in range(2):
            i = ip * 2 + b
            wait_loads(b)

            @pl.when(i + 1 < CPW)
            def _():
                start_loads(i + 1, 1 - b)

            @pl.when(i >= 2)
            def _():
                wait_scatter(b)

            compute_chunk(b)
            pltpu.async_copy(val_v[b], map_sh.at[idx_v[b]], sem_sc[b],
                             add=True)
        return carry

    lax.fori_loop(0, CPW // 2, pair_body, 0, unroll=False)
    wait_scatter(0)
    wait_scatter(1)
    plsc.subcore_barrier()

    @pl.when(s == 0)
    def _():
        pltpu.sync_copy(map_sh, out_hbm.at[c])


def _reduce_body(parts_ref, init_ref, cost_ref, maxd_ref):
    d = (parts_ref[0, 1:1 + NBX, 1:1 + NBY]
         + parts_ref[1, 1:1 + NBX, 1:1 + NBY]
         + init_ref[...])
    cost_ref[...] = jnp.sum(jnp.maximum(d - TARGET_DENSITY * BIN_AREA, 0.0)).reshape(1, 1)
    maxd_ref[...] = (jnp.max(d) * INV_BIN_AREA).reshape(1, 1)


def kernel(pos, node_size_x, node_size_y, initial_density_map):
    n = node_size_x.shape[0]
    pad = NPAD - n
    i = jnp.arange(pad, dtype=jnp.int32)
    hx = ((i * 1103515245 + 12345) & 0x7FFFFF).astype(jnp.float32)
    hy = ((i * 134775813 + 1) & 0x7FFFFF).astype(jnp.float32)
    px = jnp.concatenate([pos[:n], hx * (0.97 / float(1 << 23))])
    py = jnp.concatenate([pos[n:], hy * (0.97 / float(1 << 23))])
    sx = jnp.concatenate([node_size_x, jnp.zeros((pad,), jnp.float32)])
    sy = jnp.concatenate([node_size_y, jnp.zeros((pad,), jnp.float32)])
    zeros = jnp.zeros((MTOT,), jnp.float32)

    parts = _sc_scatter(px, py, sx, sy, zeros)

    cost, maxd = pl.pallas_call(
        _reduce_body,
        out_shape=(
            jax.ShapeDtypeStruct((1, 1), jnp.float32),
            jax.ShapeDtypeStruct((1, 1), jnp.float32),
        ),
    )(parts[:, :PADW * PADW].reshape(NC, PADW, PADW), initial_density_map)
    return (cost.reshape(1), maxd.reshape(1))

# --- scband reference (transcript-rebuilt; emitter-appended) ---
"""Pipeline reference for scband-electric-overflow-69879117906279 (READ-ONLY COPY).

The authoritative reference and input builder live on the scoring server;
editing this copy changes nothing except your own understanding.
"""

import jax, jax.numpy as jnp
import numpy as np

NUM_MOVABLE = 500000
NUM_FILLER = 500000
N = NUM_MOVABLE + NUM_FILLER
XL, YL, XH, YH = 0.0, 0.0, 1.0, 1.0
NUM_BINS_X = 512
NUM_BINS_Y = 512
BIN_SIZE_X = (XH - XL) / NUM_BINS_X
BIN_SIZE_Y = (YH - YL) / NUM_BINS_Y
STRETCH_RATIO = 2.0
TARGET_DENSITY = 0.8
K = int(np.ceil(STRETCH_RATIO)) + 1  # impacted bins per dim = 3


def setup_inputs(seed: int = 0) -> dict:
    key = jax.random.key(seed)
    k1, k2, k3 = jax.random.split(key, 3)
    # pos: x coords then y coords, inside the die
    pos = jax.random.uniform(k1, (2 * N,), dtype=jnp.float32) * 0.98
    # node sizes: fractions of a bin (typical FPGA LUT/FF sizes)
    node_size_x = jax.random.uniform(k2, (N,), dtype=jnp.float32, minval=0.25, maxval=1.0) * BIN_SIZE_X
    node_size_y = jax.random.uniform(k3, (N,), dtype=jnp.float32, minval=0.25, maxval=1.0) * BIN_SIZE_Y
    # initial density map from fixed cells (none here)
    initial_density_map = jnp.zeros((NUM_BINS_X, NUM_BINS_Y), dtype=jnp.float32)
    return {"pos": pos, "node_size_x": node_size_x, "node_size_y": node_size_y,
            "initial_density_map": initial_density_map}


def _density_map(pos, node_size_x, node_size_y, initial_density_map):
    n = node_size_x.shape[0]
    px = pos[:n]
    py = pos[n:]
    # reset(): offset = 0.5 * node_size; ratio = sx * sy
    cx = px + 0.5 * node_size_x
    cy = py + 0.5 * node_size_y
    thx = 0.5 * STRETCH_RATIO * BIN_SIZE_X  # targetHalfSizeX
    thy = 0.5 * STRETCH_RATIO * BIN_SIZE_Y  # targetHalfSizeY
    # ratio.mul(0.25): cell area spread over the stretched rect (area conservation)
    dens = (node_size_x * node_size_y * 0.25) / (thx * thy)
    lo_x = jnp.floor((cx - thx - XL) / BIN_SIZE_X).astype(jnp.int32)
    lo_y = jnp.floor((cy - thy - YL) / BIN_SIZE_Y).astype(jnp.int32)
    offs = jnp.arange(K, dtype=jnp.int32)
    bx = lo_x[:, None] + offs[None, :]  # [n, K]
    by = lo_y[:, None] + offs[None, :]  # [n, K]
    bin_lx = XL + bx.astype(jnp.float32) * BIN_SIZE_X
    bin_ly = YL + by.astype(jnp.float32) * BIN_SIZE_Y
    ox = jnp.minimum(cx[:, None] + thx, bin_lx + BIN_SIZE_X) - jnp.maximum(cx[:, None] - thx, bin_lx)
    oy = jnp.minimum(cy[:, None] + thy, bin_ly + BIN_SIZE_Y) - jnp.maximum(cy[:, None] - thy, bin_ly)
    ox = jnp.where((bx >= 0) & (bx < NUM_BINS_X), jnp.maximum(ox, 0.0), 0.0)
    oy = jnp.where((by >= 0) & (by < NUM_BINS_Y), jnp.maximum(oy, 0.0), 0.0)
    bxc = jnp.clip(bx, 0, NUM_BINS_X - 1)
    byc = jnp.clip(by, 0, NUM_BINS_Y - 1)
    contrib = (ox[:, :, None] * oy[:, None, :]) * dens[:, None, None]  # [n, K, K]
    flat_idx = bxc[:, :, None] * NUM_BINS_Y + byc[:, None, :]          # [n, K, K]
    dmap = initial_density_map.reshape(-1)
    dmap = dmap.at[flat_idx.reshape(-1)].add(contrib.reshape(-1))
    return dmap.reshape(NUM_BINS_X, NUM_BINS_Y)


def reference(pos, node_size_x, node_size_y, initial_density_map):
    density_map = _density_map(pos, node_size_x, node_size_y, initial_density_map)
    bin_area = BIN_SIZE_X * BIN_SIZE_Y
    density_cost = jnp.maximum(density_map - TARGET_DENSITY * bin_area, 0.0).sum()[None]
    max_density = (density_map.max() / bin_area)[None]
    return (density_cost, max_density)

if __name__ == "__main__":
    import jax
    _d = setup_inputs()
    print(jax.jit(kernel)(*tuple(_d.values())))

</pallas_src>

<mosaic_0001>
#map = affine_map<(d0, d1) -> (0)>
#map1 = affine_map<(d0, d1) -> (0, 0)>
module attributes {stable_mosaic.version = 14 : i64} {
  func.func @_sc_scatter(%arg0: i32, %arg1: i32, %arg2: memref<1048576xf32, #tpu.memory_space<hbm>>, %arg3: memref<1048576xf32, #tpu.memory_space<hbm>>, %arg4: memref<1048576xf32, #tpu.memory_space<hbm>>, %arg5: memref<1048576xf32, #tpu.memory_space<hbm>>, %arg6: memref<294912xf32, #tpu.memory_space<hbm>>, %arg7: memref<2x294912xf32, #tpu.memory_space<hbm>>, %arg8: memref<2048xf32, #tpu.memory_space<vmem>>, %arg9: memref<2048xf32, #tpu.memory_space<vmem>>, %arg10: memref<2048xf32, #tpu.memory_space<vmem>>, %arg11: memref<2048xf32, #tpu.memory_space<vmem>>, %arg12: memref<2048xf32, #tpu.memory_space<vmem>>, %arg13: memref<2048xf32, #tpu.memory_space<vmem>>, %arg14: memref<2048xf32, #tpu.memory_space<vmem>>, %arg15: memref<2048xf32, #tpu.memory_space<vmem>>, %arg16: memref<18432xi32, #tpu.memory_space<vmem>>, %arg17: memref<18432xi32, #tpu.memory_space<vmem>>, %arg18: memref<18432xf32, #tpu.memory_space<vmem>>, %arg19: memref<18432xf32, #tpu.memory_space<vmem>>, %arg20: memref<294912xf32, #tpu.memory_space<vmem_shared>>, %arg21: memref<!tpu.dma_semaphore, #tpu.memory_space<semaphore_mem>>, %arg22: memref<!tpu.dma_semaphore, #tpu.memory_space<semaphore_mem>>, %arg23: memref<!tpu.dma_semaphore, #tpu.memory_space<semaphore_mem>>, %arg24: memref<!tpu.dma_semaphore, #tpu.memory_space<semaphore_mem>>) attributes {dimension_semantics = [#tpu.dimension_semantics<core_parallel>, #tpu.dimension_semantics<subcore_parallel>], iteration_bounds = array<i64: 2, 16>, scalar_prefetch = 0 : i64, scratch_operands = 17 : i64, tpu.core_type = #tpu.core_type<sc_vector_subcore>, window_params = [{transform_indices = #map}, {transform_indices = #map}, {transform_indices = #map}, {transform_indices = #map}, {transform_indices = #map}, {transform_indices = #map1}]} {
    %mul3A = arith.constant 16 : i32
    %mul3A_0 = arith.muli %arg0, %mul3A : i32
    %add3A = arith.addi %mul3A_0, %arg1 : i32
    %mul3A_1 = arith.constant 32768 : i32
    %mul3A_2 = arith.muli %add3A, %mul3A_1 : i32
    %mul3A_3 = arith.constant 18432 : i32
    %mul3A_4 = arith.muli %arg1, %mul3A_3 : i32
    %mul3A_5 = arith.constant 18432 : i32
    %mul3A_6 = arith.muli %arg1, %mul3A_5 : i32
    "tpu.region"() ({
      %run_scoped3A = tpu.sem_alloc : memref<!tpu.dma_semaphore, #tpu.memory_space<semaphore_mem>>
      %dma_start3A_27 = tpu.memref_slice %arg20[%mul3A_6] : memref<294912xf32, #tpu.memory_space<vmem_shared>> -> memref<18432xf32, #tpu.memory_space<vmem_shared>>
      %dma_start3A_28 = tpu.memref_slice %arg6[%mul3A_4] : memref<294912xf32, #tpu.memory_space<hbm>> -> memref<18432xf32, #tpu.memory_space<hbm>>
      tpu.enqueue_dma source(%dma_start3A_28 : memref<18432xf32, #tpu.memory_space<hbm>>) target(%dma_start3A_27 : memref<18432xf32, #tpu.memory_space<vmem_shared>>) target_semaphore(%run_scoped3A : memref<!tpu.dma_semaphore, #tpu.memory_space<semaphore_mem>>)
      %dma_wait3A_29 = tpu.memref_slice %arg20[%mul3A_6] : memref<294912xf32, #tpu.memory_space<vmem_shared>> -> memref<18432xf32, #tpu.memory_space<vmem_shared>>
      %dma_wait3A_30 = tpu.memref_slice %arg6[%mul3A_4] : memref<294912xf32, #tpu.memory_space<hbm>> -> memref<18432xf32, #tpu.memory_space<hbm>>
      tpu.wait_dma2 semaphore(%run_scoped3A : memref<!tpu.dma_semaphore, #tpu.memory_space<semaphore_mem>>) src(%dma_wait3A_30 : memref<18432xf32, #tpu.memory_space<hbm>>) dst(%dma_wait3A_29 : memref<18432xf32, #tpu.memory_space<vmem_shared>>)
      tpu.yield
    }) : () -> ()
    %barrier3A = arith.constant 0 : index
    tpu.barrier barrier_id(%barrier3A)
    %add3A_7 = arith.constant 0 : i32
    %add3A_8 = arith.addi %mul3A_2, %add3A_7 : i32
    %dma_start3A = tpu.memref_slice %arg2[%add3A_8] : memref<1048576xf32, #tpu.memory_space<hbm>> -> memref<2048xf32, #tpu.memory_space<hbm>>
    %dma_start3A_9 = tpu.memref_slice %arg2[%add3A_8] : memref<1048576xf32, #tpu.memory_space<hbm>> -> memref<2048xf32, #tpu.memory_space<hbm>>
    tpu.enqueue_dma source(%dma_start3A_9 : memref<2048xf32, #tpu.memory_space<hbm>>) target(%arg8 : memref<2048xf32, #tpu.memory_space<vmem>>) target_semaphore(%arg21 : memref<!tpu.dma_semaphore, #tpu.memory_space<semaphore_mem>>)
    %dma_start3A_10 = tpu.memref_slice %arg3[%add3A_8] : memref<1048576xf32, #tpu.memory_space<hbm>> -> memref<2048xf32, #tpu.memory_space<hbm>>
    %dma_start3A_11 = tpu.memref_slice %arg3[%add3A_8] : memref<1048576xf32, #tpu.memory_space<hbm>> -> memref<2048xf32, #tpu.memory_space<hbm>>
    tpu.enqueue_dma source(%dma_start3A_11 : memref<2048xf32, #tpu.memory_space<hbm>>) target(%arg10 : memref<2048xf32, #tpu.memory_space<vmem>>) target_semaphore(%arg21 : memref<!tpu.dma_semaphore, #tpu.memory_space<semaphore_mem>>)
    %dma_start3A_12 = tpu.memref_slice %arg4[%add3A_8] : memref<1048576xf32, #tpu.memory_space<hbm>> -> memref<2048xf32, #tpu.memory_space<hbm>>
    %dma_start3A_13 = tpu.memref_slice %arg4[%add3A_8] : memref<1048576xf32, #tpu.memory_space<hbm>> -> memref<2048xf32, #tpu.memory_space<hbm>>
    tpu.enqueue_dma source(%dma_start3A_13 : memref<2048xf32, #tpu.memory_space<hbm>>) target(%arg12 : memref<2048xf32, #tpu.memory_space<vmem>>) target_semaphore(%arg21 : memref<!tpu.dma_semaphore, #tpu.memory_space<semaphore_mem>>)
    %dma_start3A_14 = tpu.memref_slice %arg5[%add3A_8] : memref<1048576xf32, #tpu.memory_space<hbm>> -> memref<2048xf32, #tpu.memory_space<hbm>>
    %dma_start3A_15 = tpu.memref_slice %arg5[%add3A_8] : memref<1048576xf32, #tpu.memory_space<hbm>> -> memref<2048xf32, #tpu.memory_space<hbm>>
    tpu.enqueue_dma source(%dma_start3A_15 : memref<2048xf32, #tpu.memory_space<hbm>>) target(%arg14 : memref<2048xf32, #tpu.memory_space<vmem>>) target_semaphore(%arg21 : memref<!tpu.dma_semaphore, #tpu.memory_space<semaphore_mem>>)
    %scan3A = arith.constant 0 : i32
    %scan3A_16 = arith.constant 0 : i32
    %scan3A_17 = arith.constant 8 : i32
    %scan3A_18 = arith.addi %scan3A_16, %scan3A_17 : i32
    %scan3A_19 = arith.constant 1 : i32
    scf.for %scan3A_27 = %scan3A_16 to %scan3A_18 step %scan3A_19  : i32 {
      %mul3A_28 = arith.constant 2 : i32
      %mul3A_29 = arith.muli %scan3A_27, %mul3A_28 : i32
      %add3A_30 = arith.constant 0 : i32
      %add3A_31 = arith.addi %mul3A_29, %add3A_30 : i32
      %dma_wait3A_32 = arith.constant 0 : i32
      %dma_wait3A_33 = tpu.memref_slice %arg2[%dma_wait3A_32] : memref<1048576xf32, #tpu.memory_space<hbm>> -> memref<2048xf32, #tpu.memory_space<hbm>>
      %dma_wait3A_34 = arith.constant 0 : i32
      %dma_wait3A_35 = tpu.memref_slice %arg2[%dma_wait3A_34] : memref<1048576xf32, #tpu.memory_space<hbm>> -> memref<2048xf32, #tpu.memory_space<hbm>>
      tpu.wait_dma2 semaphore(%arg21 : memref<!tpu.dma_semaphore, #tpu.memory_space<semaphore_mem>>) src(%dma_wait3A_35 : memref<2048xf32, #tpu.memory_space<hbm>>) dst(%arg8 : memref<2048xf32, #tpu.memory_space<vmem>>)
      %dma_wait3A_36 = arith.constant 0 : i32
      %dma_wait3A_37 = tpu.memref_slice %arg2[%dma_wait3A_36] : memref<1048576xf32, #tpu.memory_space<hbm>> -> memref<2048xf32, #tpu.memory_space<hbm>>
      %dma_wait3A_38 = arith.constant 0 : i32
      %dma_wait3A_39 = tpu.memref_slice %arg2[%dma_wait3A_38] : memref<1048576xf32, #tpu.memory_space<hbm>> -> memref<2048xf32, #tpu.memory_space<hbm>>
      tpu.wait_dma2 semaphore(%arg21 : memref<!tpu.dma_semaphore, #tpu.memory_space<semaphore_mem>>) src(%dma_wait3A_39 : memref<2048xf32, #tpu.memory_space<hbm>>) dst(%arg10 : memref<2048xf32, #tpu.memory_space<vmem>>)
      %dma_wait3A_40 = arith.constant 0 : i32
      %dma_wait3A_41 = tpu.memref_slice %arg2[%dma_wait3A_40] : memref<1048576xf32, #tpu.memory_space<hbm>> -> memref<2048xf32, #tpu.memory_space<hbm>>
      %dma_wait3A_42 = arith.constant 0 : i32
      %dma_wait3A_43 = tpu.memref_slice %arg2[%dma_wait3A_42] : memref<1048576xf32, #tpu.memory_space<hbm>> -> memref<2048xf32, #tpu.memory_space<hbm>>
      tpu.wait_dma2 semaphore(%arg21 : memref<!tpu.dma_semaphore, #tpu.memory_space<semaphore_mem>>) src(%dma_wait3A_43 : memref<2048xf32, #tpu.memory_space<hbm>>) dst(%arg12 : memref<2048xf32, #tpu.memory_space<vmem>>)
      %dma_wait3A_44 = arith.constant 0 : i32
      %dma_wait3A_45 = tpu.memref_slice %arg2[%dma_wait3A_44] : memref<1048576xf32, #tpu.memory_space<hbm>> -> memref<2048xf32, #tpu.memory_space<hbm>>
      %dma_wait3A_46 = arith.constant 0 : i32
      %dma_wait3A_47 = tpu.memref_slice %arg2[%dma_wait3A_46] : memref<1048576xf32, #tpu.memory_space<hbm>> -> memref<2048xf32, #tpu.memory_space<hbm>>
      tpu.wait_dma2 semaphore(%arg21 : memref<!tpu.dma_semaphore, #tpu.memory_space<semaphore_mem>>) src(%dma_wait3A_47 : memref<2048xf32, #tpu.memory_space<hbm>>) dst(%arg14 : memref<2048xf32, #tpu.memory_space<vmem>>)
      %add3A_48 = arith.constant 1 : i32
      %add3A_49 = arith.addi %add3A_31, %add3A_48 : i32
      %lt3A = arith.constant 16 : i32
      %lt3A_50 = arith.cmpi slt, %add3A_49, %lt3A : i32
      %convert_element_type3A_51 = arith.extui %lt3A_50 : i1 to i32
      %cond3A_52 = arith.constant 0 : i32
      %cond3A_53 = arith.cmpi ne, %convert_element_type3A_51, %cond3A_52 : i32
      scf.if %cond3A_53 {
        %add3A_106 = arith.constant 1 : i32
        %add3A_107 = arith.addi %add3A_31, %add3A_106 : i32
        %mul3A_108 = arith.constant 2048 : i32
        %mul3A_109 = arith.muli %add3A_107, %mul3A_108 : i32
        %add3A_110 = arith.addi %mul3A_2, %mul3A_109 : i32
        %dma_start3A_111 = tpu.memref_slice %arg2[%add3A_110] : memref<1048576xf32, #tpu.memory_space<hbm>> -> memref<2048xf32, #tpu.memory_space<hbm>>
        %dma_start3A_112 = tpu.memref_slice %arg2[%add3A_110] : memref<1048576xf32, #tpu.memory_space<hbm>> -> memref<2048xf32, #tpu.memory_space<hbm>>
        tpu.enqueue_dma source(%dma_start3A_112 : memref<2048xf32, #tpu.memory_space<hbm>>) target(%arg9 : memref<2048xf32, #tpu.memory_space<vmem>>) target_semaphore(%arg22 : memref<!tpu.dma_semaphore, #tpu.memory_space<semaphore_mem>>)
        %dma_start3A_113 = tpu.memref_slice %arg3[%add3A_110] : memref<1048576xf32, #tpu.memory_space<hbm>> -> memref<2048xf32, #tpu.memory_space<hbm>>
        %dma_start3A_114 = tpu.memref_slice %arg3[%add3A_110] : memref<1048576xf32, #tpu.memory_space<hbm>> -> memref<2048xf32, #tpu.memory_space<hbm>>
        tpu.enqueue_dma source(%dma_start3A_114 : memref<2048xf32, #tpu.memory_space<hbm>>) target(%arg11 : memref<2048xf32, #tpu.memory_space<vmem>>) target_semaphore(%arg22 : memref<!tpu.dma_semaphore, #tpu.memory_space<semaphore_mem>>)
        %dma_start3A_115 = tpu.memref_slice %arg4[%add3A_110] : memref<1048576xf32, #tpu.memory_space<hbm>> -> memref<2048xf32, #tpu.memory_space<hbm>>
        %dma_start3A_116 = tpu.memref_slice %arg4[%add3A_110] : memref<1048576xf32, #tpu.memory_space<hbm>> -> memref<2048xf32, #tpu.memory_space<hbm>>
        tpu.enqueue_dma source(%dma_start3A_116 : memref<2048xf32, #tpu.memory_space<hbm>>) target(%arg13 : memref<2048xf32, #tpu.memory_space<vmem>>) target_semaphore(%arg22 : memref<!tpu.dma_semaphore, #tpu.memory_space<semaphore_mem>>)
        %dma_start3A_117 = tpu.memref_slice %arg5[%add3A_110] : memref<1048576xf32, #tpu.memory_space<hbm>> -> memref<2048xf32, #tpu.memory_space<hbm>>
        %dma_start3A_118 = tpu.memref_slice %arg5[%add3A_110] : memref<1048576xf32, #tpu.memory_space<hbm>> -> memref<2048xf32, #tpu.memory_space<hbm>>
        tpu.enqueue_dma source(%dma_start3A_118 : memref<2048xf32, #tpu.memory_space<hbm>>) target(%arg15 : memref<2048xf32, #tpu.memory_space<vmem>>) target_semaphore(%arg22 : memref<!tpu.dma_semaphore, #tpu.memory_space<semaphore_mem>>)
      } else {
      }
      %ge3A = arith.constant 2 : i32
      %ge3A_54 = arith.cmpi sge, %add3A_31, %ge3A : i32
      %convert_element_type3A_55 = arith.extui %ge3A_54 : i1 to i32
      %cond3A_56 = arith.constant 0 : i32
      %cond3A_57 = arith.cmpi ne, %convert_element_type3A_55, %cond3A_56 : i32
      scf.if %cond3A_57 {
        %dma_wait3A_106 = arith.constant 0 : i32
        %dma_wait3A_107 = tpu.memref_slice %arg20[%dma_wait3A_106] : memref<294912xf32, #tpu.memory_space<vmem_shared>> -> memref<294912xf32, #tpu.memory_space<vmem_shared>>
        tpu.wait_indirect_dma semaphore(%arg23 : memref<!tpu.dma_semaphore, #tpu.memory_space<semaphore_mem>>) src(%arg18 : memref<18432xf32, #tpu.memory_space<vmem>>) dst(%dma_wait3A_107 : memref<294912xf32, #tpu.memory_space<vmem_shared>>)
      } else {
      }
      %scan3A_58 = arith.constant 0 : i32
      %scan3A_59 = arith.constant 0 : i32
      %scan3A_60 = arith.constant 128 : i32
      %scan3A_61 = arith.addi %scan3A_59, %scan3A_60 : i32
      %scan3A_62 = arith.constant 4 : i32
      scf.for %scan3A_106 = %scan3A_59 to %scan3A_61 step %scan3A_62  : i32 {
        %mul3A_107 = arith.constant 16 : i32
        %mul3A_108 = arith.muli %scan3A_106, %mul3A_107 : i32
        %get3A = arith.index_cast %mul3A_108 : i32 to index
        %get3A_109 = tpu.vector_load %arg8[%get3A] {strides = array<i32>} : memref<2048xf32, #tpu.memory_space<vmem>>, vector<16xf32>,
        %get3A_110 = vector.shape_cast %get3A_109 : vector<16xf32> to vector<16xf32>
        %get3A_111 = arith.index_cast %mul3A_108 : i32 to index
        %get3A_112 = tpu.vector_load %arg10[%get3A_111] {strides = array<i32>} : memref<2048xf32, #tpu.memory_space<vmem>>, vector<16xf32>,
        %get3A_113 = vector.shape_cast %get3A_112 : vector<16xf32> to vector<16xf32>
        %get3A_114 = arith.index_cast %mul3A_108 : i32 to index
        %get3A_115 = tpu.vector_load %arg12[%get3A_114] {strides = array<i32>} : memref<2048xf32, #tpu.memory_space<vmem>>, vector<16xf32>,
        %get3A_116 = vector.shape_cast %get3A_115 : vector<16xf32> to vector<16xf32>
        %get3A_117 = arith.index_cast %mul3A_108 : i32 to index
        %get3A_118 = tpu.vector_load %arg14[%get3A_117] {strides = array<i32>} : memref<2048xf32, #tpu.memory_space<vmem>>, vector<16xf32>,
        %get3A_119 = vector.shape_cast %get3A_118 : vector<16xf32> to vector<16xf32>
        %mul3A_120 = arith.constant 5.000000e-01 : f32
        %mul3A_121 = vector.broadcast %mul3A_120 : f32 to vector<16xf32>
        %mul3A_122 = arith.mulf %mul3A_121, %get3A_116 : vector<16xf32>
        %add3A_123 = arith.addf %get3A_110, %mul3A_122 : vector<16xf32>
        %mul3A_124 = arith.constant 5.000000e-01 : f32
        %mul3A_125 = vector.broadcast %mul3A_124 : f32 to vector<16xf32>
        %mul3A_126 = arith.mulf %mul3A_125, %get3A_119 : vector<16xf32>
        %add3A_127 = arith.addf %get3A_113, %mul3A_126 : vector<16xf32>
        %mul3A_128 = arith.mulf %get3A_116, %get3A_119 : vector<16xf32>
        %mul3A_129 = arith.constant 2.500000e-01 : f32
        %mul3A_130 = vector.broadcast %mul3A_129 : f32 to vector<16xf32>
        %mul3A_131 = arith.mulf %mul3A_128, %mul3A_130 : vector<16xf32>
        %sub3A = arith.constant 0.001953125 : f32
        %sub3A_132 = vector.broadcast %sub3A : f32 to vector<16xf32>
        %sub3A_133 = arith.subf %add3A_123, %sub3A_132 : vector<16xf32>
        %mul3A_134 = arith.constant 5.120000e+02 : f32
        %mul3A_135 = vector.broadcast %mul3A_134 : f32 to vector<16xf32>
        %mul3A_136 = arith.mulf %sub3A_133, %mul3A_135 : vector<16xf32>
        %sub3A_137 = arith.constant 0.001953125 : f32
        %sub3A_138 = vector.broadcast %sub3A_137 : f32 to vector<16xf32>
        %sub3A_139 = arith.subf %add3A_127, %sub3A_138 : vector<16xf32>
        %mul3A_140 = arith.constant 5.120000e+02 : f32
        %mul3A_141 = vector.broadcast %mul3A_140 : f32 to vector<16xf32>
        %mul3A_142 = arith.mulf %sub3A_139, %mul3A_141 : vector<16xf32>
        %convert_element_type3A_143 = arith.fptosi %mul3A_136 : vector<16xf32> to vector<16xi32>
        %convert_element_type3A_144 = arith.fptosi %mul3A_142 : vector<16xf32> to vector<16xi32>
        %convert_element_type3A_145 = arith.sitofp %convert_element_type3A_143 : vector<16xi32> to vector<16xf32>
        %gt3A = arith.cmpf ogt, %convert_element_type3A_145, %mul3A_136 : vector<16xf32>
        %sub3A_146 = arith.constant 1 : i32
        %sub3A_147 = vector.broadcast %sub3A_146 : i32 to vector<16xi32>
        %sub3A_148 = arith.subi %convert_element_type3A_143, %sub3A_147 : vector<16xi32>
        %select_n3A = arith.select %gt3A, %sub3A_148, %convert_element_type3A_143 : vector<16xi1>, vector<16xi32>
        %convert_element_type3A_149 = arith.sitofp %convert_element_type3A_144 : vector<16xi32> to vector<16xf32>
        %gt3A_150 = arith.cmpf ogt, %convert_element_type3A_149, %mul3A_142 : vector<16xf32>
        %sub3A_151 = arith.constant 1 : i32
        %sub3A_152 = vector.broadcast %sub3A_151 : i32 to vector<16xi32>
        %sub3A_153 = arith.subi %convert_element_type3A_144, %sub3A_152 : vector<16xi32>
        %select_n3A_154 = arith.select %gt3A_150, %sub3A_153, %convert_element_type3A_144 : vector<16xi1>, vector<16xi32>
        %convert_element_type3A_155 = arith.sitofp %select_n3A : vector<16xi32> to vector<16xf32>
        %sub3A_156 = arith.subf %mul3A_136, %convert_element_type3A_155 : vector<16xf32>
        %convert_element_type3A_157 = arith.sitofp %select_n3A_154 : vector<16xi32> to vector<16xf32>
        %sub3A_158 = arith.subf %mul3A_142, %convert_element_type3A_157 : vector<16xf32>
        %mul3A_159 = arith.mulf %mul3A_131, %sub3A_156 : vector<16xf32>
        %sub3A_160 = arith.subf %mul3A_131, %mul3A_159 : vector<16xf32>
        %sub3A_161 = arith.constant 1.000000e+00 : f32
        %sub3A_162 = vector.broadcast %sub3A_161 : f32 to vector<16xf32>
        %sub3A_163 = arith.subf %sub3A_162, %sub3A_158 : vector<16xf32>
        %add3A_164 = arith.constant 1 : i32
        %add3A_165 = vector.broadcast %add3A_164 : i32 to vector<16xi32>
        %add3A_166 = arith.addi %select_n3A, %add3A_165 : vector<16xi32>
        %mul3A_167 = arith.constant 516 : i32
        %mul3A_168 = vector.broadcast %mul3A_167 : i32 to vector<16xi32>
        %mul3A_169 = arith.muli %add3A_166, %mul3A_168 : vector<16xi32>
        %add3A_170 = arith.constant 516 : i32
        %add3A_171 = vector.broadcast %add3A_170 : i32 to vector<16xi32>
        %add3A_172 = arith.addi %mul3A_169, %add3A_171 : vector<16xi32>
        %add3A_173 = arith.constant 1032 : i32
        %add3A_174 = vector.broadcast %add3A_173 : i32 to vector<16xi32>
        %add3A_175 = arith.addi %mul3A_169, %add3A_174 : vector<16xi32>
        %add3A_176 = arith.constant 1 : i32
        %add3A_177 = vector.broadcast %add3A_176 : i32 to vector<16xi32>
        %add3A_178 = arith.addi %select_n3A_154, %add3A_177 : vector<16xi32>
        %add3A_179 = arith.constant 1 : i32
        %add3A_180 = vector.broadcast %add3A_179 : i32 to vector<16xi32>
        %add3A_181 = arith.addi %add3A_178, %add3A_180 : vector<16xi32>
        %add3A_182 = arith.constant 2 : i32
        %add3A_183 = vector.broadcast %add3A_182 : i32 to vector<16xi32>
        %add3A_184 = arith.addi %add3A_178, %add3A_183 : vector<16xi32>
        %add3A_185 = arith.constant 0 : i32
        %add3A_186 = arith.addi %add3A_185, %mul3A_108 : i32
        %add3A_187 = arith.addi %mul3A_169, %add3A_178 : vector<16xi32>
        %swap3A = arith.index_cast %add3A_186 : i32 to index
        %swap3A_188 = tpu.vector_load %arg16[%swap3A] {strides = array<i32>} : memref<18432xi32, #tpu.memory_space<vmem>>, vector<16xi32>,
        %swap3A_189 = vector.shape_cast %swap3A_188 : vector<16xi32> to vector<16xi32>
        %swap3A_190 = vector.shape_cast %add3A_187 : vector<16xi32> to vector<16xi32>
        tpu.vector_store %arg16[%swap3A], %swap3A_190 {strides = array<i32>} : memref<18432xi32, #tpu.memory_space<vmem>>, vector<16xi32>,
        %mul3A_191 = arith.mulf %sub3A_160, %sub3A_163 : vector<16xf32>
        %swap3A_192 = arith.index_cast %add3A_186 : i32 to index
        %swap3A_193 = tpu.vector_load %arg18[%swap3A_192] {strides = array<i32>} : memref<18432xf32, #tpu.memory_space<vmem>>, vector<16xf32>,
        %swap3A_194 = vector.shape_cast %swap3A_193 : vector<16xf32> to vector<16xf32>
        %swap3A_195 = vector.shape_cast %mul3A_191 : vector<16xf32> to vector<16xf32>
        tpu.vector_store %arg18[%swap3A_192], %swap3A_195 {strides = array<i32>} : memref<18432xf32, #tpu.memory_space<vmem>>, vector<16xf32>,
        %add3A_196 = arith.constant 2048 : i32
        %add3A_197 = arith.addi %add3A_196, %mul3A_108 : i32
        %add3A_198 = arith.addi %mul3A_169, %add3A_181 : vector<16xi32>
        %swap3A_199 = arith.index_cast %add3A_197 : i32 to index
        %swap3A_200 = tpu.vector_load %arg16[%swap3A_199] {strides = array<i32>} : memref<18432xi32, #tpu.memory_space<vmem>>, vector<16xi32>,
        %swap3A_201 = vector.shape_cast %swap3A_200 : vector<16xi32> to vector<16xi32>
        %swap3A_202 = vector.shape_cast %add3A_198 : vector<16xi32> to vector<16xi32>
        tpu.vector_store %arg16[%swap3A_199], %swap3A_202 {strides = array<i32>} : memref<18432xi32, #tpu.memory_space<vmem>>, vector<16xi32>,
        %swap3A_203 = arith.index_cast %add3A_197 : i32 to index
        %swap3A_204 = tpu.vector_load %arg18[%swap3A_203] {strides = array<i32>} : memref<18432xf32, #tpu.memory_space<vmem>>, vector<16xf32>,
        %swap3A_205 = vector.shape_cast %swap3A_204 : vector<16xf32> to vector<16xf32>
        %swap3A_206 = vector.shape_cast %sub3A_160 : vector<16xf32> to vector<16xf32>
        tpu.vector_store %arg18[%swap3A_203], %swap3A_206 {strides = array<i32>} : memref<18432xf32, #tpu.memory_space<vmem>>, vector<16xf32>,
        %add3A_207 = arith.constant 4096 : i32
        %add3A_208 = arith.addi %add3A_207, %mul3A_108 : i32
        %add3A_209 = arith.addi %mul3A_169, %add3A_184 : vector<16xi32>
        %swap3A_210 = arith.index_cast %add3A_208 : i32 to index
        %swap3A_211 = tpu.vector_load %arg16[%swap3A_210] {strides = array<i32>} : memref<18432xi32, #tpu.memory_space<vmem>>, vector<16xi32>,
        %swap3A_212 = vector.shape_cast %swap3A_211 : vector<16xi32> to vector<16xi32>
        %swap3A_213 = vector.shape_cast %add3A_209 : vector<16xi32> to vector<16xi32>
        tpu.vector_store %arg16[%swap3A_210], %swap3A_213 {strides = array<i32>} : memref<18432xi32, #tpu.memory_space<vmem>>, vector<16xi32>,
        %mul3A_214 = arith.mulf %sub3A_160, %sub3A_158 : vector<16xf32>
        %swap3A_215 = arith.index_cast %add3A_208 : i32 to index
        %swap3A_216 = tpu.vector_load %arg18[%swap3A_215] {strides = array<i32>} : memref<18432xf32, #tpu.memory_space<vmem>>, vector<16xf32>,
        %swap3A_217 = vector.shape_cast %swap3A_216 : vector<16xf32> to vector<16xf32>
        %swap3A_218 = vector.shape_cast %mul3A_214 : vector<16xf32> to vector<16xf32>
        tpu.vector_store %arg18[%swap3A_215], %swap3A_218 {strides = array<i32>} : memref<18432xf32, #tpu.memory_space<vmem>>, vector<16xf32>,
        %add3A_219 = arith.constant 6144 : i32
        %add3A_220 = arith.addi %add3A_219, %mul3A_108 : i32
        %add3A_221 = arith.addi %add3A_172, %add3A_178 : vector<16xi32>
        %swap3A_222 = arith.index_cast %add3A_220 : i32 to index
        %swap3A_223 = tpu.vector_load %arg16[%swap3A_222] {strides = array<i32>} : memref<18432xi32, #tpu.memory_space<vmem>>, vector<16xi32>,
        %swap3A_224 = vector.shape_cast %swap3A_223 : vector<16xi32> to vector<16xi32>
        %swap3A_225 = vector.shape_cast %add3A_221 : vector<16xi32> to vector<16xi32>
        tpu.vector_store %arg16[%swap3A_222], %swap3A_225 {strides = array<i32>} : memref<18432xi32, #tpu.memory_space<vmem>>, vector<16xi32>,
        %mul3A_226 = arith.mulf %mul3A_131, %sub3A_163 : vector<16xf32>
        %swap3A_227 = arith.index_cast %add3A_220 : i32 to index
        %swap3A_228 = tpu.vector_load %arg18[%swap3A_227] {strides = array<i32>} : memref<18432xf32, #tpu.memory_space<vmem>>, vector<16xf32>,
        %swap3A_229 = vector.shape_cast %swap3A_228 : vector<16xf32> to vector<16xf32>
        %swap3A_230 = vector.shape_cast %mul3A_226 : vector<16xf32> to vector<16xf32>
        tpu.vector_store %arg18[%swap3A_227], %swap3A_230 {strides = array<i32>} : memref<18432xf32, #tpu.memory_space<vmem>>, vector<16xf32>,
        %add3A_231 = arith.constant 8192 : i32
        %add3A_232 = arith.addi %add3A_231, %mul3A_108 : i32
        %add3A_233 = arith.addi %add3A_172, %add3A_181 : vector<16xi32>
        %swap3A_234 = arith.index_cast %add3A_232 : i32 to index
        %swap3A_235 = tpu.vector_load %arg16[%swap3A_234] {strides = array<i32>} : memref<18432xi32, #tpu.memory_space<vmem>>, vector<16xi32>,
        %swap3A_236 = vector.shape_cast %swap3A_235 : vector<16xi32> to vector<16xi32>
        %swap3A_237 = vector.shape_cast %add3A_233 : vector<16xi32> to vector<16xi32>
        tpu.vector_store %arg16[%swap3A_234], %swap3A_237 {strides = array<i32>} : memref<18432xi32, #tpu.memory_space<vmem>>, vector<16xi32>,
        %swap3A_238 = arith.index_cast %add3A_232 : i32 to index
        %swap3A_239 = tpu.vector_load %arg18[%swap3A_238] {strides = array<i32>} : memref<18432xf32, #tpu.memory_space<vmem>>, vector<16xf32>,
        %swap3A_240 = vector.shape_cast %swap3A_239 : vector<16xf32> to vector<16xf32>
        %swap3A_241 = vector.shape_cast %mul3A_131 : vector<16xf32> to vector<16xf32>
        tpu.vector_store %arg18[%swap3A_238], %swap3A_241 {strides = array<i32>} : memref<18432xf32, #tpu.memory_space<vmem>>, vector<16xf32>,
        %add3A_242 = arith.constant 10240 : i32
        %add3A_243 = arith.addi %add3A_242, %mul3A_108 : i32
        %add3A_244 = arith.addi %add3A_172, %add3A_184 : vector<16xi32>
        %swap3A_245 = arith.index_cast %add3A_243 : i32 to index
        %swap3A_246 = tpu.vector_load %arg16[%swap3A_245] {strides = array<i32>} : memref<18432xi32, #tpu.memory_space<vmem>>, vector<16xi32>,
        %swap3A_247 = vector.shape_cast %swap3A_246 : vector<16xi32> to vector<16xi32>
        %swap3A_248 = vector.shape_cast %add3A_244 : vector<16xi32> to vector<16xi32>
        tpu.vector_store %arg16[%swap3A_245], %swap3A_248 {strides = array<i32>} : memref<18432xi32, #tpu.memory_space<vmem>>, vector<16xi32>,
        %mul3A_249 = arith.mulf %mul3A_131, %sub3A_158 : vector<16xf32>
        %swap3A_250 = arith.index_cast %add3A_243 : i32 to index
        %swap3A_251 = tpu.vector_load %arg18[%swap3A_250] {strides = array<i32>} : memref<18432xf32, #tpu.memory_space<vmem>>, vector<16xf32>,
        %swap3A_252 = vector.shape_cast %swap3A_251 : vector<16xf32> to vector<16xf32>
        %swap3A_253 = vector.shape_cast %mul3A_249 : vector<16xf32> to vector<16xf32>
        tpu.vector_store %arg18[%swap3A_250], %swap3A_253 {strides = array<i32>} : memref<18432xf32, #tpu.memory_space<vmem>>, vector<16xf32>,
        %add3A_254 = arith.constant 12288 : i32
        %add3A_255 = arith.addi %add3A_254, %mul3A_108 : i32
        %add3A_256 = arith.addi %add3A_175, %add3A_178 : vector<16xi32>
        %swap3A_257 = arith.index_cast %add3A_255 : i32 to index
        %swap3A_258 = tpu.vector_load %arg16[%swap3A_257] {strides = array<i32>} : memref<18432xi32, #tpu.memory_space<vmem>>, vector<16xi32>,
        %swap3A_259 = vector.shape_cast %swap3A_258 : vector<16xi32> to vector<16xi32>
        %swap3A_260 = vector.shape_cast %add3A_256 : vector<16xi32> to vector<16xi32>
        tpu.vector_store %arg16[%swap3A_257], %swap3A_260 {strides = array<i32>} : memref<18432xi32, #tpu.memory_space<vmem>>, vector<16xi32>,
        %mul3A_261 = arith.mulf %mul3A_159, %sub3A_163 : vector<16xf32>
        %swap3A_262 = arith.index_cast %add3A_255 : i32 to index
        %swap3A_263 = tpu.vector_load %arg18[%swap3A_262] {strides = array<i32>} : memref<18432xf32, #tpu.memory_space<vmem>>, vector<16xf32>,
        %swap3A_264 = vector.shape_cast %swap3A_263 : vector<16xf32> to vector<16xf32>
        %swap3A_265 = vector.shape_cast %mul3A_261 : vector<16xf32> to vector<16xf32>
        tpu.vector_store %arg18[%swap3A_262], %swap3A_265 {strides = array<i32>} : memref<18432xf32, #tpu.memory_space<vmem>>, vector<16xf32>,
        %add3A_266 = arith.constant 14336 : i32
        %add3A_267 = arith.addi %add3A_266, %mul3A_108 : i32
        %add3A_268 = arith.addi %add3A_175, %add3A_181 : vector<16xi32>
        %swap3A_269 = arith.index_cast %add3A_267 : i32 to index
        %swap3A_270 = tpu.vector_load %arg16[%swap3A_269] {strides = array<i32>} : memref<18432xi32, #tpu.memory_space<vmem>>, vector<16xi32>,
        %swap3A_271 = vector.shape_cast %swap3A_270 : vector<16xi32> to vector<16xi32>
        %swap3A_272 = vector.shape_cast %add3A_268 : vector<16xi32> to vector<16xi32>
        tpu.vector_store %arg16[%swap3A_269], %swap3A_272 {strides = array<i32>} : memref<18432xi32, #tpu.memory_space<vmem>>, vector<16xi32>,
        %swap3A_273 = arith.index_cast %add3A_267 : i32 to index
        %swap3A_274 = tpu.vector_load %arg18[%swap3A_273] {strides = array<i32>} : memref<18432xf32, #tpu.memory_space<vmem>>, vector<16xf32>,
        %swap3A_275 = vector.shape_cast %swap3A_274 : vector<16xf32> to vector<16xf32>
        %swap3A_276 = vector.shape_cast %mul3A_159 : vector<16xf32> to vector<16xf32>
        tpu.vector_store %arg18[%swap3A_273], %swap3A_276 {strides = array<i32>} : memref<18432xf32, #tpu.memory_space<vmem>>, vector<16xf32>,
        %add3A_277 = arith.constant 16384 : i32
        %add3A_278 = arith.addi %add3A_277, %mul3A_108 : i32
        %add3A_279 = arith.addi %add3A_175, %add3A_184 : vector<16xi32>
        %swap3A_280 = arith.index_cast %add3A_278 : i32 to index
        %swap3A_281 = tpu.vector_load %arg16[%swap3A_280] {strides = array<i32>} : memref<18432xi32, #tpu.memory_space<vmem>>, vector<16xi32>,
        %swap3A_282 = vector.shape_cast %swap3A_281 : vector<16xi32> to vector<16xi32>
        %swap3A_283 = vector.shape_cast %add3A_279 : vector<16xi32> to vector<16xi32>
        tpu.vector_store %arg16[%swap3A_280], %swap3A_283 {strides = array<i32>} : memref<18432xi32, #tpu.memory_space<vmem>>, vector<16xi32>,
        %mul3A_284 = arith.mulf %mul3A_159, %sub3A_158 : vector<16xf32>
        %swap3A_285 = arith.index_cast %add3A_278 : i32 to index
        %swap3A_286 = tpu.vector_load %arg18[%swap3A_285] {strides = array<i32>} : memref<18432xf32, #tpu.memory_space<vmem>>, vector<16xf32>,
        %swap3A_287 = vector.shape_cast %swap3A_286 : vector<16xf32> to vector<16xf32>
        %swap3A_288 = vector.shape_cast %mul3A_284 : vector<16xf32> to vector<16xf32>
        tpu.vector_store %arg18[%swap3A_285], %swap3A_288 {strides = array<i32>} : memref<18432xf32, #tpu.memory_space<vmem>>, vector<16xf32>,
        %scan3A_289 = arith.constant 1 : i32
        %scan3A_290 = arith.addi %scan3A_106, %scan3A_289 : i32
        %mul3A_291 = arith.constant 16 : i32
        %mul3A_292 = arith.muli %scan3A_290, %mul3A_291 : i32
        %get3A_293 = arith.index_cast %mul3A_292 : i32 to index
        %get3A_294 = tpu.vector_load %arg8[%get3A_293] {strides = array<i32>} : memref<2048xf32, #tpu.memory_space<vmem>>, vector<16xf32>,
        %get3A_295 = vector.shape_cast %get3A_294 : vector<16xf32> to vector<16xf32>
        %get3A_296 = arith.index_cast %mul3A_292 : i32 to index
        %get3A_297 = tpu.vector_load %arg10[%get3A_296] {strides = array<i32>} : memref<2048xf32, #tpu.memory_space<vmem>>, vector<16xf32>,
        %get3A_298 = vector.shape_cast %get3A_297 : vector<16xf32> to vector<16xf32>
        %get3A_299 = arith.index_cast %mul3A_292 : i32 to index
        %get3A_300 = tpu.vector_load %arg12[%get3A_299] {strides = array<i32>} : memref<2048xf32, #tpu.memory_space<vmem>>, vector<16xf32>,
        %get3A_301 = vector.shape_cast %get3A_300 : vector<16xf32> to vector<16xf32>
        %get3A_302 = arith.index_cast %mul3A_292 : i32 to index
        %get3A_303 = tpu.vector_load %arg14[%get3A_302] {strides = array<i32>} : memref<2048xf32, #tpu.memory_space<vmem>>, vector<16xf32>,
        %get3A_304 = vector.shape_cast %get3A_303 : vector<16xf32> to vector<16xf32>
        %mul3A_305 = arith.constant 5.000000e-01 : f32
        %mul3A_306 = vector.broadcast %mul3A_305 : f32 to vector<16xf32>
        %mul3A_307 = arith.mulf %mul3A_306, %get3A_301 : vector<16xf32>
        %add3A_308 = arith.addf %get3A_295, %mul3A_307 : vector<16xf32>
        %mul3A_309 = arith.constant 5.000000e-01 : f32
        %mul3A_310 = vector.broadcast %mul3A_309 : f32 to vector<16xf32>
        %mul3A_311 = arith.mulf %mul3A_310, %get3A_304 : vector<16xf32>
        %add3A_312 = arith.addf %get3A_298, %mul3A_311 : vector<16xf32>
        %mul3A_313 = arith.mulf %get3A_301, %get3A_304 : vector<16xf32>
        %mul3A_314 = arith.constant 2.500000e-01 : f32
        %mul3A_315 = vector.broadcast %mul3A_314 : f32 to vector<16xf32>
        %mul3A_316 = arith.mulf %mul3A_313, %mul3A_315 : vector<16xf32>
        %sub3A_317 = arith.constant 0.001953125 : f32
        %sub3A_318 = vector.broadcast %sub3A_317 : f32 to vector<16xf32>
        %sub3A_319 = arith.subf %add3A_308, %sub3A_318 : vector<16xf32>
        %mul3A_320 = arith.constant 5.120000e+02 : f32
        %mul3A_321 = vector.broadcast %mul3A_320 : f32 to vector<16xf32>
        %mul3A_322 = arith.mulf %sub3A_319, %mul3A_321 : vector<16xf32>
        %sub3A_323 = arith.constant 0.001953125 : f32
        %sub3A_324 = vector.broadcast %sub3A_323 : f32 to vector<16xf32>
        %sub3A_325 = arith.subf %add3A_312, %sub3A_324 : vector<16xf32>
        %mul3A_326 = arith.constant 5.120000e+02 : f32
        %mul3A_327 = vector.broadcast %mul3A_326 : f32 to vector<16xf32>
        %mul3A_328 = arith.mulf %sub3A_325, %mul3A_327 : vector<16xf32>
        %convert_element_type3A_329 = arith.fptosi %mul3A_322 : vector<16xf32> to vector<16xi32>
        %convert_element_type3A_330 = arith.fptosi %mul3A_328 : vector<16xf32> to vector<16xi32>
        %convert_element_type3A_331 = arith.sitofp %convert_element_type3A_329 : vector<16xi32> to vector<16xf32>
        %gt3A_332 = arith.cmpf ogt, %convert_element_type3A_331, %mul3A_322 : vector<16xf32>
        %sub3A_333 = arith.constant 1 : i32
        %sub3A_334 = vector.broadcast %sub3A_333 : i32 to vector<16xi32>
        %sub3A_335 = arith.subi %convert_element_type3A_329, %sub3A_334 : vector<16xi32>
        %select_n3A_336 = arith.select %gt3A_332, %sub3A_335, %convert_element_type3A_329 : vector<16xi1>, vector<16xi32>
        %convert_element_type3A_337 = arith.sitofp %convert_element_type3A_330 : vector<16xi32> to vector<16xf32>
        %gt3A_338 = arith.cmpf ogt, %convert_element_type3A_337, %mul3A_328 : vector<16xf32>
        %sub3A_339 = arith.constant 1 : i32
        %sub3A_340 = vector.broadcast %sub3A_339 : i32 to vector<16xi32>
        %sub3A_341 = arith.subi %convert_element_type3A_330, %sub3A_340 : vector<16xi32>
        %select_n3A_342 = arith.select %gt3A_338, %sub3A_341, %convert_element_type3A_330 : vector<16xi1>, vector<16xi32>
        %convert_element_type3A_343 = arith.sitofp %select_n3A_336 : vector<16xi32> to vector<16xf32>
        %sub3A_344 = arith.subf %mul3A_322, %convert_element_type3A_343 : vector<16xf32>
        %convert_element_type3A_345 = arith.sitofp %select_n3A_342 : vector<16xi32> to vector<16xf32>
        %sub3A_346 = arith.subf %mul3A_328, %convert_element_type3A_345 : vector<16xf32>
        %mul3A_347 = arith.mulf %mul3A_316, %sub3A_344 : vector<16xf32>
        %sub3A_348 = arith.subf %mul3A_316, %mul3A_347 : vector<16xf32>
        %sub3A_349 = arith.constant 1.000000e+00 : f32
        %sub3A_350 = vector.broadcast %sub3A_349 : f32 to vector<16xf32>
        %sub3A_351 = arith.subf %sub3A_350, %sub3A_346 : vector<16xf32>
        %add3A_352 = arith.constant 1 : i32
        %add3A_353 = vector.broadcast %add3A_352 : i32 to vector<16xi32>
        %add3A_354 = arith.addi %select_n3A_336, %add3A_353 : vector<16xi32>
        %mul3A_355 = arith.constant 516 : i32
        %mul3A_356 = vector.broadcast %mul3A_355 : i32 to vector<16xi32>
        %mul3A_357 = arith.muli %add3A_354, %mul3A_356 : vector<16xi32>
        %add3A_358 = arith.constant 516 : i32
        %add3A_359 = vector.broadcast %add3A_358 : i32 to vector<16xi32>
        %add3A_360 = arith.addi %mul3A_357, %add3A_359 : vector<16xi32>
        %add3A_361 = arith.constant 1032 : i32
        %add3A_362 = vector.broadcast %add3A_361 : i32 to vector<16xi32>
        %add3A_363 = arith.addi %mul3A_357, %add3A_362 : vector<16xi32>
        %add3A_364 = arith.constant 1 : i32
        %add3A_365 = vector.broadcast %add3A_364 : i32 to vector<16xi32>
        %add3A_366 = arith.addi %select_n3A_342, %add3A_365 : vector<16xi32>
        %add3A_367 = arith.constant 1 : i32
        %add3A_368 = vector.broadcast %add3A_367 : i32 to vector<16xi32>
        %add3A_369 = arith.addi %add3A_366, %add3A_368 : vector<16xi32>
        %add3A_370 = arith.constant 2 : i32
        %add3A_371 = vector.broadcast %add3A_370 : i32 to vector<16xi32>
        %add3A_372 = arith.addi %add3A_366, %add3A_371 : vector<16xi32>
        %add3A_373 = arith.constant 0 : i32
        %add3A_374 = arith.addi %add3A_373, %mul3A_292 : i32
        %add3A_375 = arith.addi %mul3A_357, %add3A_366 : vector<16xi32>
        %swap3A_376 = arith.index_cast %add3A_374 : i32 to index
        %swap3A_377 = tpu.vector_load %arg16[%swap3A_376] {strides = array<i32>} : memref<18432xi32, #tpu.memory_space<vmem>>, vector<16xi32>,
        %swap3A_378 = vector.shape_cast %swap3A_377 : vector<16xi32> to vector<16xi32>
        %swap3A_379 = vector.shape_cast %add3A_375 : vector<16xi32> to vector<16xi32>
        tpu.vector_store %arg16[%swap3A_376], %swap3A_379 {strides = array<i32>} : memref<18432xi32, #tpu.memory_space<vmem>>, vector<16xi32>,
        %mul3A_380 = arith.mulf %sub3A_348, %sub3A_351 : vector<16xf32>
        %swap3A_381 = arith.index_cast %add3A_374 : i32 to index
        %swap3A_382 = tpu.vector_load %arg18[%swap3A_381] {strides = array<i32>} : memref<18432xf32, #tpu.memory_space<vmem>>, vector<16xf32>,
        %swap3A_383 = vector.shape_cast %swap3A_382 : vector<16xf32> to vector<16xf32>
        %swap3A_384 = vector.shape_cast %mul3A_380 : vector<16xf32> to vector<16xf32>
        tpu.vector_store %arg18[%swap3A_381], %swap3A_384 {strides = array<i32>} : memref<18432xf32, #tpu.memory_space<vmem>>, vector<16xf32>,
        %add3A_385 = arith.constant 2048 : i32
        %add3A_386 = arith.addi %add3A_385, %mul3A_292 : i32
        %add3A_387 = arith.addi %mul3A_357, %add3A_369 : vector<16xi32>
        %swap3A_388 = arith.index_cast %add3A_386 : i32 to index
        %swap3A_389 = tpu.vector_load %arg16[%swap3A_388] {strides = array<i32>} : memref<18432xi32, #tpu.memory_space<vmem>>, vector<16xi32>,
        %swap3A_390 = vector.shape_cast %swap3A_389 : vector<16xi32> to vector<16xi32>
        %swap3A_391 = vector.shape_cast %add3A_387 : vector<16xi32> to vector<16xi32>
        tpu.vector_store %arg16[%swap3A_388], %swap3A_391 {strides = array<i32>} : memref<18432xi32, #tpu.memory_space<vmem>>, vector<16xi32>,
        %swap3A_392 = arith.index_cast %add3A_386 : i32 to index
        %swap3A_393 = tpu.vector_load %arg18[%swap3A_392] {strides = array<i32>} : memref<18432xf32, #tpu.memory_space<vmem>>, vector<16xf32>,
        %swap3A_394 = vector.shape_cast %swap3A_393 : vector<16xf32> to vector<16xf32>
        %swap3A_395 = vector.shape_cast %sub3A_348 : vector<16xf32> to vector<16xf32>
        tpu.vector_store %arg18[%swap3A_392], %swap3A_395 {strides = array<i32>} : memref<18432xf32, #tpu.memory_space<vmem>>, vector<16xf32>,
        %add3A_396 = arith.constant 4096 : i32
        %add3A_397 = arith.addi %add3A_396, %mul3A_292 : i32
        %add3A_398 = arith.addi %mul3A_357, %add3A_372 : vector<16xi32>
        %swap3A_399 = arith.index_cast %add3A_397 : i32 to index
        %swap3A_400 = tpu.vector_load %arg16[%swap3A_399] {strides = array<i32>} : memref<18432xi32, #tpu.memory_space<vmem>>, vector<16xi32>,
        %swap3A_401 = vector.shape_cast %swap3A_400 : vector<16xi32> to vector<16xi32>
        %swap3A_402 = vector.shape_cast %add3A_398 : vector<16xi32> to vector<16xi32>
        tpu.vector_store %arg16[%swap3A_399], %swap3A_402 {strides = array<i32>} : memref<18432xi32, #tpu.memory_space<vmem>>, vector<16xi32>,
        %mul3A_403 = arith.mulf %sub3A_348, %sub3A_346 : vector<16xf32>
        %swap3A_404 = arith.index_cast %add3A_397 : i32 to index
        %swap3A_405 = tpu.vector_load %arg18[%swap3A_404] {strides = array<i32>} : memref<18432xf32, #tpu.memory_space<vmem>>, vector<16xf32>,
        %swap3A_406 = vector.shape_cast %swap3A_405 : vector<16xf32> to vector<16xf32>
        %swap3A_407 = vector.shape_cast %mul3A_403 : vector<16xf32> to vector<16xf32>
        tpu.vector_store %arg18[%swap3A_404], %swap3A_407 {strides = array<i32>} : memref<18432xf32, #tpu.memory_space<vmem>>, vector<16xf32>,
        %add3A_408 = arith.constant 6144 : i32
        %add3A_409 = arith.addi %add3A_408, %mul3A_292 : i32
        %add3A_410 = arith.addi %add3A_360, %add3A_366 : vector<16xi32>
        %swap3A_411 = arith.index_cast %add3A_409 : i32 to index
        %swap3A_412 = tpu.vector_load %arg16[%swap3A_411] {strides = array<i32>} : memref<18432xi32, #tpu.memory_space<vmem>>, vector<16xi32>,
        %swap3A_413 = vector.shape_cast %swap3A_412 : vector<16xi32> to vector<16xi32>
        %swap3A_414 = vector.shape_cast %add3A_410 : vector<16xi32> to vector<16xi32>
        tpu.vector_store %arg16[%swap3A_411], %swap3A_414 {strides = array<i32>} : memref<18432xi32, #tpu.memory_space<vmem>>, vector<16xi32>,
        %mul3A_415 = arith.mulf %mul3A_316, %sub3A_351 : vector<16xf32>
        %swap3A_416 = arith.index_cast %add3A_409 : i32 to index
        %swap3A_417 = tpu.vector_load %arg18[%swap3A_416] {strides = array<i32>} : memref<18432xf32, #tpu.memory_space<vmem>>, vector<16xf32>,
        %swap3A_418 = vector.shape_cast %swap3A_417 : vector<16xf32> to vector<16xf32>
        %swap3A_419 = vector.shape_cast %mul3A_415 : vector<16xf32> to vector<16xf32>
        tpu.vector_store %arg18[%swap3A_416], %swap3A_419 {strides = array<i32>} : memref<18432xf32, #tpu.memory_space<vmem>>, vector<16xf32>,
        %add3A_420 = arith.constant 8192 : i32
        %add3A_421 = arith.addi %add3A_420, %mul3A_292 : i32
        %add3A_422 = arith.addi %add3A_360, %add3A_369 : vector<16xi32>
        %swap3A_423 = arith.index_cast %add3A_421 : i32 to index
        %swap3A_424 = tpu.vector_load %arg16[%swap3A_423] {strides = array<i32>} : memref<18432xi32, #tpu.memory_space<vmem>>, vector<16xi32>,
        %swap3A_425 = vector.shape_cast %swap3A_424 : vector<16xi32> to vector<16xi32>
        %swap3A_426 = vector.shape_cast %add3A_422 : vector<16xi32> to vector<16xi32>
        tpu.vector_store %arg16[%swap3A_423], %swap3A_426 {strides = array<i32>} : memref<18432xi32, #tpu.memory_space<vmem>>, vector<16xi32>,
        %swap3A_427 = arith.index_cast %add3A_421 : i32 to index
        %swap3A_428 = tpu.vector_load %arg18[%swap3A_427] {strides = array<i32>} : memref<18432xf32, #tpu.memory_space<vmem>>, vector<16xf32>,
        %swap3A_429 = vector.shape_cast %swap3A_428 : vector<16xf32> to vector<16xf32>
        %swap3A_430 = vector.shape_cast %mul3A_316 : vector<16xf32> to vector<16xf32>
        tpu.vector_store %arg18[%swap3A_427], %swap3A_430 {strides = array<i32>} : memref<18432xf32, #tpu.memory_space<vmem>>, vector<16xf32>,
        %add3A_431 = arith.constant 10240 : i32
        %add3A_432 = arith.addi %add3A_431, %mul3A_292 : i32
        %add3A_433 = arith.addi %add3A_360, %add3A_372 : vector<16xi32>
        %swap3A_434 = arith.index_cast %add3A_432 : i32 to index
        %swap3A_435 = tpu.vector_load %arg16[%swap3A_434] {strides = array<i32>} : memref<18432xi32, #tpu.memory_space<vmem>>, vector<16xi32>,
        %swap3A_436 = vector.shape_cast %swap3A_435 : vector<16xi32> to vector<16xi32>
        %swap3A_437 = vector.shape_cast %add3A_433 : vector<16xi32> to vector<16xi32>
        tpu.vector_store %arg16[%swap3A_434], %swap3A_437 {strides = array<i32>} : memref<18432xi32, #tpu.memory_space<vmem>>, vector<16xi32>,
        %mul3A_438 = arith.mulf %mul3A_316, %sub3A_346 : vector<16xf32>
        %swap3A_439 = arith.index_cast %add3A_432 : i32 to index
        %swap3A_440 = tpu.vector_load %arg18[%swap3A_439] {strides = array<i32>} : memref<18432xf32, #tpu.memory_space<vmem>>, vector<16xf32>,
        %swap3A_441 = vector.shape_cast %swap3A_440 : vector<16xf32> to vector<16xf32>
        %swap3A_442 = vector.shape_cast %mul3A_438 : vector<16xf32> to vector<16xf32>
        tpu.vector_store %arg18[%swap3A_439], %swap3A_442 {strides = array<i32>} : memref<18432xf32, #tpu.memory_space<vmem>>, vector<16xf32>,
        %add3A_443 = arith.constant 12288 : i32
        %add3A_444 = arith.addi %add3A_443, %mul3A_292 : i32
        %add3A_445 = arith.addi %add3A_363, %add3A_366 : vector<16xi32>
        %swap3A_446 = arith.index_cast %add3A_444 : i32 to index
        %swap3A_447 = tpu.vector_load %arg16[%swap3A_446] {strides = array<i32>} : memref<18432xi32, #tpu.memory_space<vmem>>, vector<16xi32>,
        %swap3A_448 = vector.shape_cast %swap3A_447 : vector<16xi32> to vector<16xi32>
        %swap3A_449 = vector.shape_cast %add3A_445 : vector<16xi32> to vector<16xi32>
        tpu.vector_store %arg16[%swap3A_446], %swap3A_449 {strides = array<i32>} : memref<18432xi32, #tpu.memory_space<vmem>>, vector<16xi32>,
        %mul3A_450 = arith.mulf %mul3A_347, %sub3A_351 : vector<16xf32>
        %swap3A_451 = arith.index_cast %add3A_444 : i32 to index
        %swap3A_452 = tpu.vector_load %arg18[%swap3A_451] {strides = array<i32>} : memref<18432xf32, #tpu.memory_space<vmem>>, vector<16xf32>,
        %swap3A_453 = vector.shape_cast %swap3A_452 : vector<16xf32> to vector<16xf32>
        %swap3A_454 = vector.shape_cast %mul3A_450 : vector<16xf32> to vector<16xf32>
        tpu.vector_store %arg18[%swap3A_451], %swap3A_454 {strides = array<i32>} : memref<18432xf32, #tpu.memory_space<vmem>>, vector<16xf32>,
        %add3A_455 = arith.constant 14336 : i32
        %add3A_456 = arith.addi %add3A_455, %mul3A_292 : i32
        %add3A_457 = arith.addi %add3A_363, %add3A_369 : vector<16xi32>
        %swap3A_458 = arith.index_cast %add3A_456 : i32 to index
        %swap3A_459 = tpu.vector_load %arg16[%swap3A_458] {strides = array<i32>} : memref<18432xi32, #tpu.memory_space<vmem>>, vector<16xi32>,
        %swap3A_460 = vector.shape_cast %swap3A_459 : vector<16xi32> to vector<16xi32>
        %swap3A_461 = vector.shape_cast %add3A_457 : vector<16xi32> to vector<16xi32>
        tpu.vector_store %arg16[%swap3A_458], %swap3A_461 {strides = array<i32>} : memref<18432xi32, #tpu.memory_space<vmem>>, vector<16xi32>,
        %swap3A_462 = arith.index_cast %add3A_456 : i32 to index
        %swap3A_463 = tpu.vector_load %arg18[%swap3A_462] {strides = array<i32>} : memref<18432xf32, #tpu.memory_space<vmem>>, vector<16xf32>,
        %swap3A_464 = vector.shape_cast %swap3A_463 : vector<16xf32> to vector<16xf32>
        %swap3A_465 = vector.shape_cast %mul3A_347 : vector<16xf32> to vector<16xf32>
        tpu.vector_store %arg18[%swap3A_462], %swap3A_465 {strides = array<i32>} : memref<18432xf32, #tpu.memory_space<vmem>>, vector<16xf32>,
        %add3A_466 = arith.constant 16384 : i32
        %add3A_467 = arith.addi %add3A_466, %mul3A_292 : i32
        %add3A_468 = arith.addi %add3A_363, %add3A_372 : vector<16xi32>
        %swap3A_469 = arith.index_cast %add3A_467 : i32 to index
        %swap3A_470 = tpu.vector_load %arg16[%swap3A_469] {strides = array<i32>} : memref<18432xi32, #tpu.memory_space<vmem>>, vector<16xi32>,
        %swap3A_471 = vector.shape_cast %swap3A_470 : vector<16xi32> to vector<16xi32>
        %swap3A_472 = vector.shape_cast %add3A_468 : vector<16xi32> to vector<16xi32>
        tpu.vector_store %arg16[%swap3A_469], %swap3A_472 {strides = array<i32>} : memref<18432xi32, #tpu.memory_space<vmem>>, vector<16xi32>,
        %mul3A_473 = arith.mulf %mul3A_347, %sub3A_346 : vector<16xf32>
        %swap3A_474 = arith.index_cast %add3A_467 : i32 to index
        %swap3A_475 = tpu.vector_load %arg18[%swap3A_474] {strides = array<i32>} : memref<18432xf32, #tpu.memory_space<vmem>>, vector<16xf32>,
        %swap3A_476 = vector.shape_cast %swap3A_475 : vector<16xf32> to vector<16xf32>
        %swap3A_477 = vector.shape_cast %mul3A_473 : vector<16xf32> to vector<16xf32>
        tpu.vector_store %arg18[%swap3A_474], %swap3A_477 {strides = array<i32>} : memref<18432xf32, #tpu.memory_space<vmem>>, vector<16xf32>,
        %scan3A_478 = arith.constant 2 : i32
        %scan3A_479 = arith.addi %scan3A_106, %scan3A_478 : i32
        %mul3A_480 = arith.constant 16 : i32
        %mul3A_481 = arith.muli %scan3A_479, %mul3A_480 : i32
        %get3A_482 = arith.index_cast %mul3A_481 : i32 to index
        %get3A_483 = tpu.vector_load %arg8[%get3A_482] {strides = array<i32>} : memref<2048xf32, #tpu.memory_space<vmem>>, vector<16xf32>,
        %get3A_484 = vector.shape_cast %get3A_483 : vector<16xf32> to vector<16xf32>
        %get3A_485 = arith.index_cast %mul3A_481 : i32 to index
        %get3A_486 = tpu.vector_load %arg10[%get3A_485] {strides = array<i32>} : memref<2048xf32, #tpu.memory_space<vmem>>, vector<16xf32>,
        %get3A_487 = vector.shape_cast %get3A_486 : vector<16xf32> to vector<16xf32>
        %get3A_488 = arith.index_cast %mul3A_481 : i32 to index
        %get3A_489 = tpu.vector_load %arg12[%get3A_488] {strides = array<i32>} : memref<2048xf32, #tpu.memory_space<vmem>>, vector<16xf32>,
        %get3A_490 = vector.shape_cast %get3A_489 : vector<16xf32> to vector<16xf32>
        %get3A_491 = arith.index_cast %mul3A_481 : i32 to index
        %get3A_492 = tpu.vector_load %arg14[%get3A_491] {strides = array<i32>} : memref<2048xf32, #tpu.memory_space<vmem>>, vector<16xf32>,
        %get3A_493 = vector.shape_cast %get3A_492 : vector<16xf32> to vector<16xf32>
        %mul3A_494 = arith.constant 5.000000e-01 : f32
        %mul3A_495 = vector.broadcast %mul3A_494 : f32 to vector<16xf32>
        %mul3A_496 = arith.mulf %mul3A_495, %get3A_490 : vector<16xf32>
        %add3A_497 = arith.addf %get3A_484, %mul3A_496 : vector<16xf32>
        %mul3A_498 = arith.constant 5.000000e-01 : f32
        %mul3A_499 = vector.broadcast %mul3A_498 : f32 to vector<16xf32>
        %mul3A_500 = arith.mulf %mul3A_499, %get3A_493 : vector<16xf32>
        %add3A_501 = arith.addf %get3A_487, %mul3A_500 : vector<16xf32>
        %mul3A_502 = arith.mulf %get3A_490, %get3A_493 : vector<16xf32>
        %mul3A_503 = arith.constant 2.500000e-01 : f32
        %mul3A_504 = vector.broadcast %mul3A_503 : f32 to vector<16xf32>
        %mul3A_505 = arith.mulf %mul3A_502, %mul3A_504 : vector<16xf32>
        %sub3A_506 = arith.constant 0.001953125 : f32
        %sub3A_507 = vector.broadcast %sub3A_506 : f32 to vector<16xf32>
        %sub3A_508 = arith.subf %add3A_497, %sub3A_507 : vector<16xf32>
        %mul3A_509 = arith.constant 5.120000e+02 : f32
        %mul3A_510 = vector.broadcast %mul3A_509 : f32 to vector<16xf32>
        %mul3A_511 = arith.mulf %sub3A_508, %mul3A_510 : vector<16xf32>
        %sub3A_512 = arith.constant 0.001953125 : f32
        %sub3A_513 = vector.broadcast %sub3A_512 : f32 to vector<16xf32>
        %sub3A_514 = arith.subf %add3A_501, %sub3A_513 : vector<16xf32>
        %mul3A_515 = arith.constant 5.120000e+02 : f32
        %mul3A_516 = vector.broadcast %mul3A_515 : f32 to vector<16xf32>
        %mul3A_517 = arith.mulf %sub3A_514, %mul3A_516 : vector<16xf32>
        %convert_element_type3A_518 = arith.fptosi %mul3A_511 : vector<16xf32> to vector<16xi32>
        %convert_element_type3A_519 = arith.fptosi %mul3A_517 : vector<16xf32> to vector<16xi32>
        %convert_element_type3A_520 = arith.sitofp %convert_element_type3A_518 : vector<16xi32> to vector<16xf32>
        %gt3A_521 = arith.cmpf ogt, %convert_element_type3A_520, %mul3A_511 : vector<16xf32>
        %sub3A_522 = arith.constant 1 : i32
        %sub3A_523 = vector.broadcast %sub3A_522 : i32 to vector<16xi32>
        %sub3A_524 = arith.subi %convert_element_type3A_518, %sub3A_523 : vector<16xi32>
        %select_n3A_525 = arith.select %gt3A_521, %sub3A_524, %convert_element_type3A_518 : vector<16xi1>, vector<16xi32>
        %convert_element_type3A_526 = arith.sitofp %convert_element_type3A_519 : vector<16xi32> to vector<16xf32>
        %gt3A_527 = arith.cmpf ogt, %convert_element_type3A_526, %mul3A_517 : vector<16xf32>
        %sub3A_528 = arith.constant 1 : i32
        %sub3A_529 = vector.broadcast %sub3A_528 : i32 to vector<16xi32>
        %sub3A_530 = arith.subi %convert_element_type3A_519, %sub3A_529 : vector<16xi32>
        %select_n3A_531 = arith.select %gt3A_527, %sub3A_530, %convert_element_type3A_519 : vector<16xi1>, vector<16xi32>
        %convert_element_type3A_532 = arith.sitofp %select_n3A_525 : vector<16xi32> to vector<16xf32>
        %sub3A_533 = arith.subf %mul3A_511, %convert_element_type3A_532 : vector<16xf32>
        %convert_element_type3A_534 = arith.sitofp %select_n3A_531 : vector<16xi32> to vector<16xf32>
        %sub3A_535 = arith.subf %mul3A_517, %convert_element_type3A_534 : vector<16xf32>
        %mul3A_536 = arith.mulf %mul3A_505, %sub3A_533 : vector<16xf32>
        %sub3A_537 = arith.subf %mul3A_505, %mul3A_536 : vector<16xf32>
        %sub3A_538 = arith.constant 1.000000e+00 : f32
        %sub3A_539 = vector.broadcast %sub3A_538 : f32 to vector<16xf32>
        %sub3A_540 = arith.subf %sub3A_539, %sub3A_535 : vector<16xf32>
        %add3A_541 = arith.constant 1 : i32
        %add3A_542 = vector.broadcast %add3A_541 : i32 to vector<16xi32>
        %add3A_543 = arith.addi %select_n3A_525, %add3A_542 : vector<16xi32>
        %mul3A_544 = arith.constant 516 : i32
        %mul3A_545 = vector.broadcast %mul3A_544 : i32 to vector<16xi32>
        %mul3A_546 = arith.muli %add3A_543, %mul3A_545 : vector<16xi32>
        %add3A_547 = arith.constant 516 : i32
        %add3A_548 = vector.broadcast %add3A_547 : i32 to vector<16xi32>
        %add3A_549 = arith.addi %mul3A_546, %add3A_548 : vector<16xi32>
        %add3A_550 = arith.constant 1032 : i32
        %add3A_551 = vector.broadcast %add3A_550 : i32 to vector<16xi32>
        %add3A_552 = arith.addi %mul3A_546, %add3A_551 : vector<16xi32>
        %add3A_553 = arith.constant 1 : i32
        %add3A_554 = vector.broadcast %add3A_553 : i32 to vector<16xi32>
        %add3A_555 = arith.addi %select_n3A_531, %add3A_554 : vector<16xi32>
        %add3A_556 = arith.constant 1 : i32
        %add3A_557 = vector.broadcast %add3A_556 : i32 to vector<16xi32>
        %add3A_558 = arith.addi %add3A_555, %add3A_557 : vector<16xi32>
        %add3A_559 = arith.constant 2 : i32
        %add3A_560 = vector.broadcast %add3A_559 : i32 to vector<16xi32>
        %add3A_561 = arith.addi %add3A_555, %add3A_560 : vector<16xi32>
        %add3A_562 = arith.constant 0 : i32
        %add3A_563 = arith.addi %add3A_562, %mul3A_481 : i32
        %add3A_564 = arith.addi %mul3A_546, %add3A_555 : vector<16xi32>
        %swap3A_565 = arith.index_cast %add3A_563 : i32 to index
        %swap3A_566 = tpu.vector_load %arg16[%swap3A_565] {strides = array<i32>} : memref<18432xi32, #tpu.memory_space<vmem>>, vector<16xi32>,
        %swap3A_567 = vector.shape_cast %swap3A_566 : vector<16xi32> to vector<16xi32>
        %swap3A_568 = vector.shape_cast %add3A_564 : vector<16xi32> to vector<16xi32>
        tpu.vector_store %arg16[%swap3A_565], %swap3A_568 {strides = array<i32>} : memref<18432xi32, #tpu.memory_space<vmem>>, vector<16xi32>,
        %mul3A_569 = arith.mulf %sub3A_537, %sub3A_540 : vector<16xf32>
        %swap3A_570 = arith.index_cast %add3A_563 : i32 to index
        %swap3A_571 = tpu.vector_load %arg18[%swap3A_570] {strides = array<i32>} : memref<18432xf32, #tpu.memory_space<vmem>>, vector<16xf32>,
        %swap3A_572 = vector.shape_cast %swap3A_571 : vector<16xf32> to vector<16xf32>
        %swap3A_573 = vector.shape_cast %mul3A_569 : vector<16xf32> to vector<16xf32>
        tpu.vector_store %arg18[%swap3A_570], %swap3A_573 {strides = array<i32>} : memref<18432xf32, #tpu.memory_space<vmem>>, vector<16xf32>,
        %add3A_574 = arith.constant 2048 : i32
        %add3A_575 = arith.addi %add3A_574, %mul3A_481 : i32
        %add3A_576 = arith.addi %mul3A_546, %add3A_558 : vector<16xi32>
        %swap3A_577 = arith.index_cast %add3A_575 : i32 to index
        %swap3A_578 = tpu.vector_load %arg16[%swap3A_577] {strides = array<i32>} : memref<18432xi32, #tpu.memory_space<vmem>>, vector<16xi32>,
        %swap3A_579 = vector.shape_cast %swap3A_578 : vector<16xi32> to vector<16xi32>
        %swap3A_580 = vector.shape_cast %add3A_576 : vector<16xi32> to vector<16xi32>
        tpu.vector_store %arg16[%swap3A_577], %swap3A_580 {strides = array<i32>} : memref<18432xi32, #tpu.memory_space<vmem>>, vector<16xi32>,
        %swap3A_581 = arith.index_cast %add3A_575 : i32 to index
        %swap3A_582 = tpu.vector_load %arg18[%swap3A_581] {strides = array<i32>} : memref<18432xf32, #tpu.memory_space<vmem>>, vector<16xf32>,
        %swap3A_583 = vector.shape_cast %swap3A_582 : vector<16xf32> to vector<16xf32>
        %swap3A_584 = vector.shape_cast %sub3A_537 : vector<16xf32> to vector<16xf32>
        tpu.vector_store %arg18[%swap3A_581], %swap3A_584 {strides = array<i32>} : memref<18432xf32, #tpu.memory_space<vmem>>, vector<16xf32>,
        %add3A_585 = arith.constant 4096 : i32
        %add3A_586 = arith.addi %add3A_585, %mul3A_481 : i32
        %add3A_587 = arith.addi %mul3A_546, %add3A_561 : vector<16xi32>
        %swap3A_588 = arith.index_cast %add3A_586 : i32 to index
        %swap3A_589 = tpu.vector_load %arg16[%swap3A_588] {strides = array<i32>} : memref<18432xi32, #tpu.memory_space<vmem>>, vector<16xi32>,
        %swap3A_590 = vector.shape_cast %swap3A_589 : vector<16xi32> to vector<16xi32>
        %swap3A_591 = vector.shape_cast %add3A_587 : vector<16xi32> to vector<16xi32>
        tpu.vector_store %arg16[%swap3A_588], %swap3A_591 {strides = array<i32>} : memref<18432xi32, #tpu.memory_space<vmem>>, vector<16xi32>,
        %mul3A_592 = arith.mulf %sub3A_537, %sub3A_535 : vector<16xf32>
        %swap3A_593 = arith.index_cast %add3A_586 : i32 to index
        %swap3A_594 = tpu.vector_load %arg18[%swap3A_593] {strides = array<i32>} : memref<18432xf32, #tpu.memory_space<vmem>>, vector<16xf32>,
        %swap3A_595 = vector.shape_cast %swap3A_594 : vector<16xf32> to vector<16xf32>
        %swap3A_596 = vector.shape_cast %mul3A_592 : vector<16xf32> to vector<16xf32>
        tpu.vector_store %arg18[%swap3A_593], %swap3A_596 {strides = array<i32>} : memref<18432xf32, #tpu.memory_space<vmem>>, vector<16xf32>,
        %add3A_597 = arith.constant 6144 : i32
        %add3A_598 = arith.addi %add3A_597, %mul3A_481 : i32
        %add3A_599 = arith.addi %add3A_549, %add3A_555 : vector<16xi32>
        %swap3A_600 = arith.index_cast %add3A_598 : i32 to index
        %swap3A_601 = tpu.vector_load %arg16[%swap3A_600] {strides = array<i32>} : memref<18432xi32, #tpu.memory_space<vmem>>, vector<16xi32>,
        %swap3A_602 = vector.shape_cast %swap3A_601 : vector<16xi32> to vector<16xi32>
        %swap3A_603 = vector.shape_cast %add3A_599 : vector<16xi32> to vector<16xi32>
        tpu.vector_store %arg16[%swap3A_600], %swap3A_603 {strides = array<i32>} : memref<18432xi32, #tpu.memory_space<vmem>>, vector<16xi32>,
        %mul3A_604 = arith.mulf %mul3A_505, %sub3A_540 : vector<16xf32>
        %swap3A_605 = arith.index_cast %add3A_598 : i32 to index
        %swap3A_606 = tpu.vector_load %arg18[%swap3A_605] {strides = array<i32>} : memref<18432xf32, #tpu.memory_space<vmem>>, vector<16xf32>,
        %swap3A_607 = vector.shape_cast %swap3A_606 : vector<16xf32> to vector<16xf32>
        %swap3A_608 = vector.shape_cast %mul3A_604 : vector<16xf32> to vector<16xf32>
        tpu.vector_store %arg18[%swap3A_605], %swap3A_608 {strides = array<i32>} : memref<18432xf32, #tpu.memory_space<vmem>>, vector<16xf32>,
        %add3A_609 = arith.constant 8192 : i32
        %add3A_610 = arith.addi %add3A_609, %mul3A_481 : i32
        %add3A_611 = arith.addi %add3A_549, %add3A_558 : vector<16xi32>
        %swap3A_612 = arith.index_cast %add3A_610 : i32 to index
        %swap3A_613 = tpu.vector_load %arg16[%swap3A_612] {strides = array<i32>} : memref<18432xi32, #tpu.memory_space<vmem>>, vector<16xi32>,
        %swap3A_614 = vector.shape_cast %swap3A_613 : vector<16xi32> to vector<16xi32>
        %swap3A_615 = vector.shape_cast %add3A_611 : vector<16xi32> to vector<16xi32>
        tpu.vector_store %arg16[%swap3A_612], %swap3A_615 {strides = array<i32>} : memref<18432xi32, #tpu.memory_space<vmem>>, vector<16xi32>,
        %swap3A_616 = arith.index_cast %add3A_610 : i32 to index
        %swap3A_617 = tpu.vector_load %arg18[%swap3A_616] {strides = array<i32>} : memref<18432xf32, #tpu.memory_space<vmem>>, vector<16xf32>,
        %swap3A_618 = vector.shape_cast %swap3A_617 : vector<16xf32> to vector<16xf32>
        %swap3A_619 = vector.shape_cast %mul3A_505 : vector<16xf32> to vector<16xf32>
        tpu.vector_store %arg18[%swap3A_616], %swap3A_619 {strides = array<i32>} : memref<18432xf32, #tpu.memory_space<vmem>>, vector<16xf32>,
        %add3A_620 = arith.constant 10240 : i32
        %add3A_621 = arith.addi %add3A_620, %mul3A_481 : i32
        %add3A_622 = arith.addi %add3A_549, %add3A_561 : vector<16xi32>
        %swap3A_623 = arith.index_cast %add3A_621 : i32 to index
        %swap3A_624 = tpu.vector_load %arg16[%swap3A_623] {strides = array<i32>} : memref<18432xi32, #tpu.memory_space<vmem>>, vector<16xi32>,
        %swap3A_625 = vector.shape_cast %swap3A_624 : vector<16xi32> to vector<16xi32>
        %swap3A_626 = vector.shape_cast %add3A_622 : vector<16xi32> to vector<16xi32>
        tpu.vector_store %arg16[%swap3A_623], %swap3A_626 {strides = array<i32>} : memref<18432xi32, #tpu.memory_space<vmem>>, vector<16xi32>,
        %mul3A_627 = arith.mulf %mul3A_505, %sub3A_535 : vector<16xf32>
        %swap3A_628 = arith.index_cast %add3A_621 : i32 to index
        %swap3A_629 = tpu.vector_load %arg18[%swap3A_628] {strides = array<i32>} : memref<18432xf32, #tpu.memory_space<vmem>>, vector<16xf32>,
        %swap3A_630 = vector.shape_cast %swap3A_629 : vector<16xf32> to vector<16xf32>
        %swap3A_631 = vector.shape_cast %mul3A_627 : vector<16xf32> to vector<16xf32>
        tpu.vector_store %arg18[%swap3A_628], %swap3A_631 {strides = array<i32>} : memref<18432xf32, #tpu.memory_space<vmem>>, vector<16xf32>,
        %add3A_632 = arith.constant 12288 : i32
        %add3A_633 = arith.addi %add3A_632, %mul3A_481 : i32
        %add3A_634 = arith.addi %add3A_552, %add3A_555 : vector<16xi32>
        %swap3A_635 = arith.index_cast %add3A_633 : i32 to index
        %swap3A_636 = tpu.vector_load %arg16[%swap3A_635] {strides = array<i32>} : memref<18432xi32, #tpu.memory_space<vmem>>, vector<16xi32>,
        %swap3A_637 = vector.shape_cast %swap3A_636 : vector<16xi32> to vector<16xi32>
        %swap3A_638 = vector.shape_cast %add3A_634 : vector<16xi32> to vector<16xi32>
        tpu.vector_store %arg16[%swap3A_635], %swap3A_638 {strides = array<i32>} : memref<18432xi32, #tpu.memory_space<vmem>>, vector<16xi32>,
        %mul3A_639 = arith.mulf %mul3A_536, %sub3A_540 : vector<16xf32>
        %swap3A_640 = arith.index_cast %add3A_633 : i32 to index
        %swap3A_641 = tpu.vector_load %arg18[%swap3A_640] {strides = array<i32>} : memref<18432xf32, #tpu.memory_space<vmem>>, vector<16xf32>,
        %swap3A_642 = vector.shape_cast %swap3A_641 : vector<16xf32> to vector<16xf32>
        %swap3A_643 = vector.shape_cast %mul3A_639 : vector<16xf32> to vector<16xf32>
        tpu.vector_store %arg18[%swap3A_640], %swap3A_643 {strides = array<i32>} : memref<18432xf32, #tpu.memory_space<vmem>>, vector<16xf32>,
        %add3A_644 = arith.constant 14336 : i32
        %add3A_645 = arith.addi %add3A_644, %mul3A_481 : i32
        %add3A_646 = arith.addi %add3A_552, %add3A_558 : vector<16xi32>
        %swap3A_647 = arith.index_cast %add3A_645 : i32 to index
        %swap3A_648 = tpu.vector_load %arg16[%swap3A_647] {strides = array<i32>} : memref<18432xi32, #tpu.memory_space<vmem>>, vector<16xi32>,
        %swap3A_649 = vector.shape_cast %swap3A_648 : vector<16xi32> to vector<16xi32>
        %swap3A_650 = vector.shape_cast %add3A_646 : vector<16xi32> to vector<16xi32>
        tpu.vector_store %arg16[%swap3A_647], %swap3A_650 {strides = array<i32>} : memref<18432xi32, #tpu.memory_space<vmem>>, vector<16xi32>,
        %swap3A_651 = arith.index_cast %add3A_645 : i32 to index
        %swap3A_652 = tpu.vector_load %arg18[%swap3A_651] {strides = array<i32>} : memref<18432xf32, #tpu.memory_space<vmem>>, vector<16xf32>,
        %swap3A_653 = vector.shape_cast %swap3A_652 : vector<16xf32> to vector<16xf32>
        %swap3A_654 = vector.shape_cast %mul3A_536 : vector<16xf32> to vector<16xf32>
        tpu.vector_store %arg18[%swap3A_651], %swap3A_654 {strides = array<i32>} : memref<18432xf32, #tpu.memory_space<vmem>>, vector<16xf32>,
        %add3A_655 = arith.constant 16384 : i32
        %add3A_656 = arith.addi %add3A_655, %mul3A_481 : i32
        %add3A_657 = arith.addi %add3A_552, %add3A_561 : vector<16xi32>
        %swap3A_658 = arith.index_cast %add3A_656 : i32 to index
        %swap3A_659 = tpu.vector_load %arg16[%swap3A_658] {strides = array<i32>} : memref<18432xi32, #tpu.memory_space<vmem>>, vector<16xi32>,
        %swap3A_660 = vector.shape_cast %swap3A_659 : vector<16xi32> to vector<16xi32>
        %swap3A_661 = vector.shape_cast %add3A_657 : vector<16xi32> to vector<16xi32>
        tpu.vector_store %arg16[%swap3A_658], %swap3A_661 {strides = array<i32>} : memref<18432xi32, #tpu.memory_space<vmem>>, vector<16xi32>,
        %mul3A_662 = arith.mulf %mul3A_536, %sub3A_535 : vector<16xf32>
        %swap3A_663 = arith.index_cast %add3A_656 : i32 to index
        %swap3A_664 = tpu.vector_load %arg18[%swap3A_663] {strides = array<i32>} : memref<18432xf32, #tpu.memory_space<vmem>>, vector<16xf32>,
        %swap3A_665 = vector.shape_cast %swap3A_664 : vector<16xf32> to vector<16xf32>
        %swap3A_666 = vector.shape_cast %mul3A_662 : vector<16xf32> to vector<16xf32>
        tpu.vector_store %arg18[%swap3A_663], %swap3A_666 {strides = array<i32>} : memref<18432xf32, #tpu.memory_space<vmem>>, vector<16xf32>,
        %scan3A_667 = arith.constant 3 : i32
        %scan3A_668 = arith.addi %scan3A_106, %scan3A_667 : i32
        %mul3A_669 = arith.constant 16 : i32
        %mul3A_670 = arith.muli %scan3A_668, %mul3A_669 : i32
        %get3A_671 = arith.index_cast %mul3A_670 : i32 to index
        %get3A_672 = tpu.vector_load %arg8[%get3A_671] {strides = array<i32>} : memref<2048xf32, #tpu.memory_space<vmem>>, vector<16xf32>,
        %get3A_673 = vector.shape_cast %get3A_672 : vector<16xf32> to vector<16xf32>
        %get3A_674 = arith.index_cast %mul3A_670 : i32 to index
        %get3A_675 = tpu.vector_load %arg10[%get3A_674] {strides = array<i32>} : memref<2048xf32, #tpu.memory_space<vmem>>, vector<16xf32>,
        %get3A_676 = vector.shape_cast %get3A_675 : vector<16xf32> to vector<16xf32>
        %get3A_677 = arith.index_cast %mul3A_670 : i32 to index
        %get3A_678 = tpu.vector_load %arg12[%get3A_677] {strides = array<i32>} : memref<2048xf32, #tpu.memory_space<vmem>>, vector<16xf32>,
        %get3A_679 = vector.shape_cast %get3A_678 : vector<16xf32> to vector<16xf32>
        %get3A_680 = arith.index_cast %mul3A_670 : i32 to index
        %get3A_681 = tpu.vector_load %arg14[%get3A_680] {strides = array<i32>} : memref<2048xf32, #tpu.memory_space<vmem>>, vector<16xf32>,
        %get3A_682 = vector.shape_cast %get3A_681 : vector<16xf32> to vector<16xf32>
        %mul3A_683 = arith.constant 5.000000e-01 : f32
        %mul3A_684 = vector.broadcast %mul3A_683 : f32 to vector<16xf32>
        %mul3A_685 = arith.mulf %mul3A_684, %get3A_679 : vector<16xf32>
        %add3A_686 = arith.addf %get3A_673, %mul3A_685 : vector<16xf32>
        %mul3A_687 = arith.constant 5.000000e-01 : f32
        %mul3A_688 = vector.broadcast %mul3A_687 : f32 to vector<16xf32>
        %mul3A_689 = arith.mulf %mul3A_688, %get3A_682 : vector<16xf32>
        %add3A_690 = arith.addf %get3A_676, %mul3A_689 : vector<16xf32>
        %mul3A_691 = arith.mulf %get3A_679, %get3A_682 : vector<16xf32>
        %mul3A_692 = arith.constant 2.500000e-01 : f32
        %mul3A_693 = vector.broadcast %mul3A_692 : f32 to vector<16xf32>
        %mul3A_694 = arith.mulf %mul3A_691, %mul3A_693 : vector<16xf32>
        %sub3A_695 = arith.constant 0.001953125 : f32
        %sub3A_696 = vector.broadcast %sub3A_695 : f32 to vector<16xf32>
        %sub3A_697 = arith.subf %add3A_686, %sub3A_696 : vector<16xf32>
        %mul3A_698 = arith.constant 5.120000e+02 : f32
        %mul3A_699 = vector.broadcast %mul3A_698 : f32 to vector<16xf32>
        %mul3A_700 = arith.mulf %sub3A_697, %mul3A_699 : vector<16xf32>
        %sub3A_701 = arith.constant 0.001953125 : f32
        %sub3A_702 = vector.broadcast %sub3A_701 : f32 to vector<16xf32>
        %sub3A_703 = arith.subf %add3A_690, %sub3A_702 : vector<16xf32>
        %mul3A_704 = arith.constant 5.120000e+02 : f32
        %mul3A_705 = vector.broadcast %mul3A_704 : f32 to vector<16xf32>
        %mul3A_706 = arith.mulf %sub3A_703, %mul3A_705 : vector<16xf32>
        %convert_element_type3A_707 = arith.fptosi %mul3A_700 : vector<16xf32> to vector<16xi32>
        %convert_element_type3A_708 = arith.fptosi %mul3A_706 : vector<16xf32> to vector<16xi32>
        %convert_element_type3A_709 = arith.sitofp %convert_element_type3A_707 : vector<16xi32> to vector<16xf32>
        %gt3A_710 = arith.cmpf ogt, %convert_element_type3A_709, %mul3A_700 : vector<16xf32>
        %sub3A_711 = arith.constant 1 : i32
        %sub3A_712 = vector.broadcast %sub3A_711 : i32 to vector<16xi32>
        %sub3A_713 = arith.subi %convert_element_type3A_707, %sub3A_712 : vector<16xi32>
        %select_n3A_714 = arith.select %gt3A_710, %sub3A_713, %convert_element_type3A_707 : vector<16xi1>, vector<16xi32>
        %convert_element_type3A_715 = arith.sitofp %convert_element_type3A_708 : vector<16xi32> to vector<16xf32>
        %gt3A_716 = arith.cmpf ogt, %convert_element_type3A_715, %mul3A_706 : vector<16xf32>
        %sub3A_717 = arith.constant 1 : i32
        %sub3A_718 = vector.broadcast %sub3A_717 : i32 to vector<16xi32>
        %sub3A_719 = arith.subi %convert_element_type3A_708, %sub3A_718 : vector<16xi32>
        %select_n3A_720 = arith.select %gt3A_716, %sub3A_719, %convert_element_type3A_708 : vector<16xi1>, vector<16xi32>
        %convert_element_type3A_721 = arith.sitofp %select_n3A_714 : vector<16xi32> to vector<16xf32>
        %sub3A_722 = arith.subf %mul3A_700, %convert_element_type3A_721 : vector<16xf32>
        %convert_element_type3A_723 = arith.sitofp %select_n3A_720 : vector<16xi32> to vector<16xf32>
        %sub3A_724 = arith.subf %mul3A_706, %convert_element_type3A_723 : vector<16xf32>
        %mul3A_725 = arith.mulf %mul3A_694, %sub3A_722 : vector<16xf32>
        %sub3A_726 = arith.subf %mul3A_694, %mul3A_725 : vector<16xf32>
        %sub3A_727 = arith.constant 1.000000e+00 : f32
        %sub3A_728 = vector.broadcast %sub3A_727 : f32 to vector<16xf32>
        %sub3A_729 = arith.subf %sub3A_728, %sub3A_724 : vector<16xf32>
        %add3A_730 = arith.constant 1 : i32
        %add3A_731 = vector.broadcast %add3A_730 : i32 to vector<16xi32>
        %add3A_732 = arith.addi %select_n3A_714, %add3A_731 : vector<16xi32>
        %mul3A_733 = arith.constant 516 : i32
        %mul3A_734 = vector.broadcast %mul3A_733 : i32 to vector<16xi32>
        %mul3A_735 = arith.muli %add3A_732, %mul3A_734 : vector<16xi32>
        %add3A_736 = arith.constant 516 : i32
        %add3A_737 = vector.broadcast %add3A_736 : i32 to vector<16xi32>
        %add3A_738 = arith.addi %mul3A_735, %add3A_737 : vector<16xi32>
        %add3A_739 = arith.constant 1032 : i32
        %add3A_740 = vector.broadcast %add3A_739 : i32 to vector<16xi32>
        %add3A_741 = arith.addi %mul3A_735, %add3A_740 : vector<16xi32>
        %add3A_742 = arith.constant 1 : i32
        %add3A_743 = vector.broadcast %add3A_742 : i32 to vector<16xi32>
        %add3A_744 = arith.addi %select_n3A_720, %add3A_743 : vector<16xi32>
        %add3A_745 = arith.constant 1 : i32
        %add3A_746 = vector.broadcast %add3A_745 : i32 to vector<16xi32>
        %add3A_747 = arith.addi %add3A_744, %add3A_746 : vector<16xi32>
        %add3A_748 = arith.constant 2 : i32
        %add3A_749 = vector.broadcast %add3A_748 : i32 to vector<16xi32>
        %add3A_750 = arith.addi %add3A_744, %add3A_749 : vector<16xi32>
        %add3A_751 = arith.constant 0 : i32
        %add3A_752 = arith.addi %add3A_751, %mul3A_670 : i32
        %add3A_753 = arith.addi %mul3A_735, %add3A_744 : vector<16xi32>
        %swap3A_754 = arith.index_cast %add3A_752 : i32 to index
        %swap3A_755 = tpu.vector_load %arg16[%swap3A_754] {strides = array<i32>} : memref<18432xi32, #tpu.memory_space<vmem>>, vector<16xi32>,
        %swap3A_756 = vector.shape_cast %swap3A_755 : vector<16xi32> to vector<16xi32>
        %swap3A_757 = vector.shape_cast %add3A_753 : vector<16xi32> to vector<16xi32>
        tpu.vector_store %arg16[%swap3A_754], %swap3A_757 {strides = array<i32>} : memref<18432xi32, #tpu.memory_space<vmem>>, vector<16xi32>,
        %mul3A_758 = arith.mulf %sub3A_726, %sub3A_729 : vector<16xf32>
        %swap3A_759 = arith.index_cast %add3A_752 : i32 to index
        %swap3A_760 = tpu.vector_load %arg18[%swap3A_759] {strides = array<i32>} : memref<18432xf32, #tpu.memory_space<vmem>>, vector<16xf32>,
        %swap3A_761 = vector.shape_cast %swap3A_760 : vector<16xf32> to vector<16xf32>
        %swap3A_762 = vector.shape_cast %mul3A_758 : vector<16xf32> to vector<16xf32>
        tpu.vector_store %arg18[%swap3A_759], %swap3A_762 {strides = array<i32>} : memref<18432xf32, #tpu.memory_space<vmem>>, vector<16xf32>,
        %add3A_763 = arith.constant 2048 : i32
        %add3A_764 = arith.addi %add3A_763, %mul3A_670 : i32
        %add3A_765 = arith.addi %mul3A_735, %add3A_747 : vector<16xi32>
        %swap3A_766 = arith.index_cast %add3A_764 : i32 to index
        %swap3A_767 = tpu.vector_load %arg16[%swap3A_766] {strides = array<i32>} : memref<18432xi32, #tpu.memory_space<vmem>>, vector<16xi32>,
        %swap3A_768 = vector.shape_cast %swap3A_767 : vector<16xi32> to vector<16xi32>
        %swap3A_769 = vector.shape_cast %add3A_765 : vector<16xi32> to vector<16xi32>
        tpu.vector_store %arg16[%swap3A_766], %swap3A_769 {strides = array<i32>} : memref<18432xi32, #tpu.memory_space<vmem>>, vector<16xi32>,
        %swap3A_770 = arith.index_cast %add3A_764 : i32 to index
        %swap3A_771 = tpu.vector_load %arg18[%swap3A_770] {strides = array<i32>} : memref<18432xf32, #tpu.memory_space<vmem>>, vector<16xf32>,
        %swap3A_772 = vector.shape_cast %swap3A_771 : vector<16xf32> to vector<16xf32>
        %swap3A_773 = vector.shape_cast %sub3A_726 : vector<16xf32> to vector<16xf32>
        tpu.vector_store %arg18[%swap3A_770], %swap3A_773 {strides = array<i32>} : memref<18432xf32, #tpu.memory_space<vmem>>, vector<16xf32>,
        %add3A_774 = arith.constant 4096 : i32
        %add3A_775 = arith.addi %add3A_774, %mul3A_670 : i32
        %add3A_776 = arith.addi %mul3A_735, %add3A_750 : vector<16xi32>
        %swap3A_777 = arith.index_cast %add3A_775 : i32 to index
        %swap3A_778 = tpu.vector_load %arg16[%swap3A_777] {strides = array<i32>} : memref<18432xi32, #tpu.memory_space<vmem>>, vector<16xi32>,
        %swap3A_779 = vector.shape_cast %swap3A_778 : vector<16xi32> to vector<16xi32>
        %swap3A_780 = vector.shape_cast %add3A_776 : vector<16xi32> to vector<16xi32>
        tpu.vector_store %arg16[%swap3A_777], %swap3A_780 {strides = array<i32>} : memref<18432xi32, #tpu.memory_space<vmem>>, vector<16xi32>,
        %mul3A_781 = arith.mulf %sub3A_726, %sub3A_724 : vector<16xf32>
        %swap3A_782 = arith.index_cast %add3A_775 : i32 to index
        %swap3A_783 = tpu.vector_load %arg18[%swap3A_782] {strides = array<i32>} : memref<18432xf32, #tpu.memory_space<vmem>>, vector<16xf32>,
        %swap3A_784 = vector.shape_cast %swap3A_783 : vector<16xf32> to vector<16xf32>
        %swap3A_785 = vector.shape_cast %mul3A_781 : vector<16xf32> to vector<16xf32>
        tpu.vector_store %arg18[%swap3A_782], %swap3A_785 {strides = array<i32>} : memref<18432xf32, #tpu.memory_space<vmem>>, vector<16xf32>,
        %add3A_786 = arith.constant 6144 : i32
        %add3A_787 = arith.addi %add3A_786, %mul3A_670 : i32
        %add3A_788 = arith.addi %add3A_738, %add3A_744 : vector<16xi32>
        %swap3A_789 = arith.index_cast %add3A_787 : i32 to index
        %swap3A_790 = tpu.vector_load %arg16[%swap3A_789] {strides = array<i32>} : memref<18432xi32, #tpu.memory_space<vmem>>, vector<16xi32>,
        %swap3A_791 = vector.shape_cast %swap3A_790 : vector<16xi32> to vector<16xi32>
        %swap3A_792 = vector.shape_cast %add3A_788 : vector<16xi32> to vector<16xi32>
        tpu.vector_store %arg16[%swap3A_789], %swap3A_792 {strides = array<i32>} : memref<18432xi32, #tpu.memory_space<vmem>>, vector<16xi32>,
        %mul3A_793 = arith.mulf %mul3A_694, %sub3A_729 : vector<16xf32>
        %swap3A_794 = arith.index_cast %add3A_787 : i32 to index
        %swap3A_795 = tpu.vector_load %arg18[%swap3A_794] {strides = array<i32>} : memref<18432xf32, #tpu.memory_space<vmem>>, vector<16xf32>,
        %swap3A_796 = vector.shape_cast %swap3A_795 : vector<16xf32> to vector<16xf32>
        %swap3A_797 = vector.shape_cast %mul3A_793 : vector<16xf32> to vector<16xf32>
        tpu.vector_store %arg18[%swap3A_794], %swap3A_797 {strides = array<i32>} : memref<18432xf32, #tpu.memory_space<vmem>>, vector<16xf32>,
        %add3A_798 = arith.constant 8192 : i32
        %add3A_799 = arith.addi %add3A_798, %mul3A_670 : i32
        %add3A_800 = arith.addi %add3A_738, %add3A_747 : vector<16xi32>
        %swap3A_801 = arith.index_cast %add3A_799 : i32 to index
        %swap3A_802 = tpu.vector_load %arg16[%swap3A_801] {strides = array<i32>} : memref<18432xi32, #tpu.memory_space<vmem>>, vector<16xi32>,
        %swap3A_803 = vector.shape_cast %swap3A_802 : vector<16xi32> to vector<16xi32>
        %swap3A_804 = vector.shape_cast %add3A_800 : vector<16xi32> to vector<16xi32>
        tpu.vector_store %arg16[%swap3A_801], %swap3A_804 {strides = array<i32>} : memref<18432xi32, #tpu.memory_space<vmem>>, vector<16xi32>,
        %swap3A_805 = arith.index_cast %add3A_799 : i32 to index
        %swap3A_806 = tpu.vector_load %arg18[%swap3A_805] {strides = array<i32>} : memref<18432xf32, #tpu.memory_space<vmem>>, vector<16xf32>,
        %swap3A_807 = vector.shape_cast %swap3A_806 : vector<16xf32> to vector<16xf32>
        %swap3A_808 = vector.shape_cast %mul3A_694 : vector<16xf32> to vector<16xf32>
        tpu.vector_store %arg18[%swap3A_805], %swap3A_808 {strides = array<i32>} : memref<18432xf32, #tpu.memory_space<vmem>>, vector<16xf32>,
        %add3A_809 = arith.constant 10240 : i32
        %add3A_810 = arith.addi %add3A_809, %mul3A_670 : i32
        %add3A_811 = arith.addi %add3A_738, %add3A_750 : vector<16xi32>
        %swap3A_812 = arith.index_cast %add3A_810 : i32 to index
        %swap3A_813 = tpu.vector_load %arg16[%swap3A_812] {strides = array<i32>} : memref<18432xi32, #tpu.memory_space<vmem>>, vector<16xi32>,
        %swap3A_814 = vector.shape_cast %swap3A_813 : vector<16xi32> to vector<16xi32>
        %swap3A_815 = vector.shape_cast %add3A_811 : vector<16xi32> to vector<16xi32>
        tpu.vector_store %arg16[%swap3A_812], %swap3A_815 {strides = array<i32>} : memref<18432xi32, #tpu.memory_space<vmem>>, vector<16xi32>,
        %mul3A_816 = arith.mulf %mul3A_694, %sub3A_724 : vector<16xf32>
        %swap3A_817 = arith.index_cast %add3A_810 : i32 to index
        %swap3A_818 = tpu.vector_load %arg18[%swap3A_817] {strides = array<i32>} : memref<18432xf32, #tpu.memory_space<vmem>>, vector<16xf32>,
        %swap3A_819 = vector.shape_cast %swap3A_818 : vector<16xf32> to vector<16xf32>
        %swap3A_820 = vector.shape_cast %mul3A_816 : vector<16xf32> to vector<16xf32>
        tpu.vector_store %arg18[%swap3A_817], %swap3A_820 {strides = array<i32>} : memref<18432xf32, #tpu.memory_space<vmem>>, vector<16xf32>,
        %add3A_821 = arith.constant 12288 : i32
        %add3A_822 = arith.addi %add3A_821, %mul3A_670 : i32
        %add3A_823 = arith.addi %add3A_741, %add3A_744 : vector<16xi32>
        %swap3A_824 = arith.index_cast %add3A_822 : i32 to index
        %swap3A_825 = tpu.vector_load %arg16[%swap3A_824] {strides = array<i32>} : memref<18432xi32, #tpu.memory_space<vmem>>, vector<16xi32>,
        %swap3A_826 = vector.shape_cast %swap3A_825 : vector<16xi32> to vector<16xi32>
        %swap3A_827 = vector.shape_cast %add3A_823 : vector<16xi32> to vector<16xi32>
        tpu.vector_store %arg16[%swap3A_824], %swap3A_827 {strides = array<i32>} : memref<18432xi32, #tpu.memory_space<vmem>>, vector<16xi32>,
        %mul3A_828 = arith.mulf %mul3A_725, %sub3A_729 : vector<16xf32>
        %swap3A_829 = arith.index_cast %add3A_822 : i32 to index
        %swap3A_830 = tpu.vector_load %arg18[%swap3A_829] {strides = array<i32>} : memref<18432xf32, #tpu.memory_space<vmem>>, vector<16xf32>,
        %swap3A_831 = vector.shape_cast %swap3A_830 : vector<16xf32> to vector<16xf32>
        %swap3A_832 = vector.shape_cast %mul3A_828 : vector<16xf32> to vector<16xf32>
        tpu.vector_store %arg18[%swap3A_829], %swap3A_832 {strides = array<i32>} : memref<18432xf32, #tpu.memory_space<vmem>>, vector<16xf32>,
        %add3A_833 = arith.constant 14336 : i32
        %add3A_834 = arith.addi %add3A_833, %mul3A_670 : i32
        %add3A_835 = arith.addi %add3A_741, %add3A_747 : vector<16xi32>
        %swap3A_836 = arith.index_cast %add3A_834 : i32 to index
        %swap3A_837 = tpu.vector_load %arg16[%swap3A_836] {strides = array<i32>} : memref<18432xi32, #tpu.memory_space<vmem>>, vector<16xi32>,
        %swap3A_838 = vector.shape_cast %swap3A_837 : vector<16xi32> to vector<16xi32>
        %swap3A_839 = vector.shape_cast %add3A_835 : vector<16xi32> to vector<16xi32>
        tpu.vector_store %arg16[%swap3A_836], %swap3A_839 {strides = array<i32>} : memref<18432xi32, #tpu.memory_space<vmem>>, vector<16xi32>,
        %swap3A_840 = arith.index_cast %add3A_834 : i32 to index
        %swap3A_841 = tpu.vector_load %arg18[%swap3A_840] {strides = array<i32>} : memref<18432xf32, #tpu.memory_space<vmem>>, vector<16xf32>,
        %swap3A_842 = vector.shape_cast %swap3A_841 : vector<16xf32> to vector<16xf32>
        %swap3A_843 = vector.shape_cast %mul3A_725 : vector<16xf32> to vector<16xf32>
        tpu.vector_store %arg18[%swap3A_840], %swap3A_843 {strides = array<i32>} : memref<18432xf32, #tpu.memory_space<vmem>>, vector<16xf32>,
        %add3A_844 = arith.constant 16384 : i32
        %add3A_845 = arith.addi %add3A_844, %mul3A_670 : i32
        %add3A_846 = arith.addi %add3A_741, %add3A_750 : vector<16xi32>
        %swap3A_847 = arith.index_cast %add3A_845 : i32 to index
        %swap3A_848 = tpu.vector_load %arg16[%swap3A_847] {strides = array<i32>} : memref<18432xi32, #tpu.memory_space<vmem>>, vector<16xi32>,
        %swap3A_849 = vector.shape_cast %swap3A_848 : vector<16xi32> to vector<16xi32>
        %swap3A_850 = vector.shape_cast %add3A_846 : vector<16xi32> to vector<16xi32>
        tpu.vector_store %arg16[%swap3A_847], %swap3A_850 {strides = array<i32>} : memref<18432xi32, #tpu.memory_space<vmem>>, vector<16xi32>,
        %mul3A_851 = arith.mulf %mul3A_725, %sub3A_724 : vector<16xf32>
        %swap3A_852 = arith.index_cast %add3A_845 : i32 to index
        %swap3A_853 = tpu.vector_load %arg18[%swap3A_852] {strides = array<i32>} : memref<18432xf32, #tpu.memory_space<vmem>>, vector<16xf32>,
        %swap3A_854 = vector.shape_cast %swap3A_853 : vector<16xf32> to vector<16xf32>
        %swap3A_855 = vector.shape_cast %mul3A_851 : vector<16xf32> to vector<16xf32>
        tpu.vector_store %arg18[%swap3A_852], %swap3A_855 {strides = array<i32>} : memref<18432xf32, #tpu.memory_space<vmem>>, vector<16xf32>,
      }
      %scan3A_63 = arith.constant 128 : i32
      %dma_start3A_64 = arith.constant 0 : i32
      %dma_start3A_65 = tpu.memref_slice %arg20[%dma_start3A_64] : memref<294912xf32, #tpu.memory_space<vmem_shared>> -> memref<294912xf32, #tpu.memory_space<vmem_shared>>
      tpu.enqueue_indirect_dma source(%arg18 : memref<18432xf32, #tpu.memory_space<vmem>>) target(%dma_start3A_65 : memref<294912xf32, #tpu.memory_space<vmem_shared>>) offsets(%arg16 : memref<18432xi32, #tpu.memory_space<vmem>>) semaphore(%arg23 : memref<!tpu.dma_semaphore, #tpu.memory_space<semaphore_mem>>) {add = true}
      %mul3A_66 = arith.constant 2 : i32
      %mul3A_67 = arith.muli %scan3A_27, %mul3A_66 : i32
      %add3A_68 = arith.constant 1 : i32
      %add3A_69 = arith.addi %mul3A_67, %add3A_68 : i32
      %dma_wait3A_70 = arith.constant 0 : i32
      %dma_wait3A_71 = tpu.memref_slice %arg2[%dma_wait3A_70] : memref<1048576xf32, #tpu.memory_space<hbm>> -> memref<2048xf32, #tpu.memory_space<hbm>>
      %dma_wait3A_72 = arith.constant 0 : i32
      %dma_wait3A_73 = tpu.memref_slice %arg2[%dma_wait3A_72] : memref<1048576xf32, #tpu.memory_space<hbm>> -> memref<2048xf32, #tpu.memory_space<hbm>>
      tpu.wait_dma2 semaphore(%arg22 : memref<!tpu.dma_semaphore, #tpu.memory_space<semaphore_mem>>) src(%dma_wait3A_73 : memref<2048xf32, #tpu.memory_space<hbm>>) dst(%arg9 : memref<2048xf32, #tpu.memory_space<vmem>>)
      %dma_wait3A_74 = arith.constant 0 : i32
      %dma_wait3A_75 = tpu.memref_slice %arg2[%dma_wait3A_74] : memref<1048576xf32, #tpu.memory_space<hbm>> -> memref<2048xf32, #tpu.memory_space<hbm>>
      %dma_wait3A_76 = arith.constant 0 : i32
      %dma_wait3A_77 = tpu.memref_slice %arg2[%dma_wait3A_76] : memref<1048576xf32, #tpu.memory_space<hbm>> -> memref<2048xf32, #tpu.memory_space<hbm>>
      tpu.wait_dma2 semaphore(%arg22 : memref<!tpu.dma_semaphore, #tpu.memory_space<semaphore_mem>>) src(%dma_wait3A_77 : memref<2048xf32, #tpu.memory_space<hbm>>) dst(%arg11 : memref<2048xf32, #tpu.memory_space<vmem>>)
      %dma_wait3A_78 = arith.constant 0 : i32
      %dma_wait3A_79 = tpu.memref_slice %arg2[%dma_wait3A_78] : memref<1048576xf32, #tpu.memory_space<hbm>> -> memref<2048xf32, #tpu.memory_space<hbm>>
      %dma_wait3A_80 = arith.constant 0 : i32
      %dma_wait3A_81 = tpu.memref_slice %arg2[%dma_wait3A_80] : memref<1048576xf32, #tpu.memory_space<hbm>> -> memref<2048xf32, #tpu.memory_space<hbm>>
      tpu.wait_dma2 semaphore(%arg22 : memref<!tpu.dma_semaphore, #tpu.memory_space<semaphore_mem>>) src(%dma_wait3A_81 : memref<2048xf32, #tpu.memory_space<hbm>>) dst(%arg13 : memref<2048xf32, #tpu.memory_space<vmem>>)
      %dma_wait3A_82 = arith.constant 0 : i32
      %dma_wait3A_83 = tpu.memref_slice %arg2[%dma_wait3A_82] : memref<1048576xf32, #tpu.memory_space<hbm>> -> memref<2048xf32, #tpu.memory_space<hbm>>
      %dma_wait3A_84 = arith.constant 0 : i32
      %dma_wait3A_85 = tpu.memref_slice %arg2[%dma_wait3A_84] : memref<1048576xf32, #tpu.memory_space<hbm>> -> memref<2048xf32, #tpu.memory_space<hbm>>
      tpu.wait_dma2 semaphore(%arg22 : memref<!tpu.dma_semaphore, #tpu.memory_space<semaphore_mem>>) src(%dma_wait3A_85 : memref<2048xf32, #tpu.memory_space<hbm>>) dst(%arg15 : memref<2048xf32, #tpu.memory_space<vmem>>)
      %add3A_86 = arith.constant 1 : i32
      %add3A_87 = arith.addi %add3A_69, %add3A_86 : i32
      %lt3A_88 = arith.constant 16 : i32
      %lt3A_89 = arith.cmpi slt, %add3A_87, %lt3A_88 : i32
      %convert_element_type3A_90 = arith.extui %lt3A_89 : i1 to i32
      %cond3A_91 = arith.constant 0 : i32
      %cond3A_92 = arith.cmpi ne, %convert_element_type3A_90, %cond3A_91 : i32
      scf.if %cond3A_92 {
        %add3A_106 = arith.constant 1 : i32
        %add3A_107 = arith.addi %add3A_69, %add3A_106 : i32
        %mul3A_108 = arith.constant 2048 : i32
        %mul3A_109 = arith.muli %add3A_107, %mul3A_108 : i32
        %add3A_110 = arith.addi %mul3A_2, %mul3A_109 : i32
        %dma_start3A_111 = tpu.memref_slice %arg2[%add3A_110] : memref<1048576xf32, #tpu.memory_space<hbm>> -> memref<2048xf32, #tpu.memory_space<hbm>>
        %dma_start3A_112 = tpu.memref_slice %arg2[%add3A_110] : memref<1048576xf32, #tpu.memory_space<hbm>> -> memref<2048xf32, #tpu.memory_space<hbm>>
        tpu.enqueue_dma source(%dma_start3A_112 : memref<2048xf32, #tpu.memory_space<hbm>>) target(%arg8 : memref<2048xf32, #tpu.memory_space<vmem>>) target_semaphore(%arg21 : memref<!tpu.dma_semaphore, #tpu.memory_space<semaphore_mem>>)
        %dma_start3A_113 = tpu.memref_slice %arg3[%add3A_110] : memref<1048576xf32, #tpu.memory_space<hbm>> -> memref<2048xf32, #tpu.memory_space<hbm>>
        %dma_start3A_114 = tpu.memref_slice %arg3[%add3A_110] : memref<1048576xf32, #tpu.memory_space<hbm>> -> memref<2048xf32, #tpu.memory_space<hbm>>
        tpu.enqueue_dma source(%dma_start3A_114 : memref<2048xf32, #tpu.memory_space<hbm>>) target(%arg10 : memref<2048xf32, #tpu.memory_space<vmem>>) target_semaphore(%arg21 : memref<!tpu.dma_semaphore, #tpu.memory_space<semaphore_mem>>)
        %dma_start3A_115 = tpu.memref_slice %arg4[%add3A_110] : memref<1048576xf32, #tpu.memory_space<hbm>> -> memref<2048xf32, #tpu.memory_space<hbm>>
        %dma_start3A_116 = tpu.memref_slice %arg4[%add3A_110] : memref<1048576xf32, #tpu.memory_space<hbm>> -> memref<2048xf32, #tpu.memory_space<hbm>>
        tpu.enqueue_dma source(%dma_start3A_116 : memref<2048xf32, #tpu.memory_space<hbm>>) target(%arg12 : memref<2048xf32, #tpu.memory_space<vmem>>) target_semaphore(%arg21 : memref<!tpu.dma_semaphore, #tpu.memory_space<semaphore_mem>>)
        %dma_start3A_117 = tpu.memref_slice %arg5[%add3A_110] : memref<1048576xf32, #tpu.memory_space<hbm>> -> memref<2048xf32, #tpu.memory_space<hbm>>
        %dma_start3A_118 = tpu.memref_slice %arg5[%add3A_110] : memref<1048576xf32, #tpu.memory_space<hbm>> -> memref<2048xf32, #tpu.memory_space<hbm>>
        tpu.enqueue_dma source(%dma_start3A_118 : memref<2048xf32, #tpu.memory_space<hbm>>) target(%arg14 : memref<2048xf32, #tpu.memory_space<vmem>>) target_semaphore(%arg21 : memref<!tpu.dma_semaphore, #tpu.memory_space<semaphore_mem>>)
      } else {
      }
      %ge3A_93 = arith.constant 2 : i32
      %ge3A_94 = arith.cmpi sge, %add3A_69, %ge3A_93 : i32
      %convert_element_type3A_95 = arith.extui %ge3A_94 : i1 to i32
      %cond3A_96 = arith.constant 0 : i32
      %cond3A_97 = arith.cmpi ne, %convert_element_type3A_95, %cond3A_96 : i32
      scf.if %cond3A_97 {
        %dma_wait3A_106 = arith.constant 0 : i32
        %dma_wait3A_107 = tpu.memref_slice %arg20[%dma_wait3A_106] : memref<294912xf32, #tpu.memory_space<vmem_shared>> -> memref<294912xf32, #tpu.memory_space<vmem_shared>>
        tpu.wait_indirect_dma semaphore(%arg24 : memref<!tpu.dma_semaphore, #tpu.memory_space<semaphore_mem>>) src(%arg19 : memref<18432xf32, #tpu.memory_space<vmem>>) dst(%dma_wait3A_107 : memref<294912xf32, #tpu.memory_space<vmem_shared>>)
      } else {
      }
      %scan3A_98 = arith.constant 0 : i32
      %scan3A_99 = arith.constant 0 : i32
      %scan3A_100 = arith.constant 128 : i32
      %scan3A_101 = arith.addi %scan3A_99, %scan3A_100 : i32
      %scan3A_102 = arith.constant 4 : i32
      scf.for %scan3A_106 = %scan3A_99 to %scan3A_101 step %scan3A_102  : i32 {
        %mul3A_107 = arith.constant 16 : i32
        %mul3A_108 = arith.muli %scan3A_106, %mul3A_107 : i32
        %get3A = arith.index_cast %mul3A_108 : i32 to index
        %get3A_109 = tpu.vector_load %arg9[%get3A] {strides = array<i32>} : memref<2048xf32, #tpu.memory_space<vmem>>, vector<16xf32>,
        %get3A_110 = vector.shape_cast %get3A_109 : vector<16xf32> to vector<16xf32>
        %get3A_111 = arith.index_cast %mul3A_108 : i32 to index
        %get3A_112 = tpu.vector_load %arg11[%get3A_111] {strides = array<i32>} : memref<2048xf32, #tpu.memory_space<vmem>>, vector<16xf32>,
        %get3A_113 = vector.shape_cast %get3A_112 : vector<16xf32> to vector<16xf32>
        %get3A_114 = arith.index_cast %mul3A_108 : i32 to index
        %get3A_115 = tpu.vector_load %arg13[%get3A_114] {strides = array<i32>} : memref<2048xf32, #tpu.memory_space<vmem>>, vector<16xf32>,
        %get3A_116 = vector.shape_cast %get3A_115 : vector<16xf32> to vector<16xf32>
        %get3A_117 = arith.index_cast %mul3A_108 : i32 to index
        %get3A_118 = tpu.vector_load %arg15[%get3A_117] {strides = array<i32>} : memref<2048xf32, #tpu.memory_space<vmem>>, vector<16xf32>,
        %get3A_119 = vector.shape_cast %get3A_118 : vector<16xf32> to vector<16xf32>
        %mul3A_120 = arith.constant 5.000000e-01 : f32
        %mul3A_121 = vector.broadcast %mul3A_120 : f32 to vector<16xf32>
        %mul3A_122 = arith.mulf %mul3A_121, %get3A_116 : vector<16xf32>
        %add3A_123 = arith.addf %get3A_110, %mul3A_122 : vector<16xf32>
        %mul3A_124 = arith.constant 5.000000e-01 : f32
        %mul3A_125 = vector.broadcast %mul3A_124 : f32 to vector<16xf32>
        %mul3A_126 = arith.mulf %mul3A_125, %get3A_119 : vector<16xf32>
        %add3A_127 = arith.addf %get3A_113, %mul3A_126 : vector<16xf32>
        %mul3A_128 = arith.mulf %get3A_116, %get3A_119 : vector<16xf32>
        %mul3A_129 = arith.constant 2.500000e-01 : f32
        %mul3A_130 = vector.broadcast %mul3A_129 : f32 to vector<16xf32>
        %mul3A_131 = arith.mulf %mul3A_128, %mul3A_130 : vector<16xf32>
        %sub3A = arith.constant 0.001953125 : f32
        %sub3A_132 = vector.broadcast %sub3A : f32 to vector<16xf32>
        %sub3A_133 = arith.subf %add3A_123, %sub3A_132 : vector<16xf32>
        %mul3A_134 = arith.constant 5.120000e+02 : f32
        %mul3A_135 = vector.broadcast %mul3A_134 : f32 to vector<16xf32>
        %mul3A_136 = arith.mulf %sub3A_133, %mul3A_135 : vector<16xf32>
        %sub3A_137 = arith.constant 0.001953125 : f32
        %sub3A_138 = vector.broadcast %sub3A_137 : f32 to vector<16xf32>
        %sub3A_139 = arith.subf %add3A_127, %sub3A_138 : vector<16xf32>
        %mul3A_140 = arith.constant 5.120000e+02 : f32
        %mul3A_141 = vector.broadcast %mul3A_140 : f32 to vector<16xf32>
        %mul3A_142 = arith.mulf %sub3A_139, %mul3A_141 : vector<16xf32>
        %convert_element_type3A_143 = arith.fptosi %mul3A_136 : vector<16xf32> to vector<16xi32>
        %convert_element_type3A_144 = arith.fptosi %mul3A_142 : vector<16xf32> to vector<16xi32>
        %convert_element_type3A_145 = arith.sitofp %convert_element_type3A_143 : vector<16xi32> to vector<16xf32>
        %gt3A = arith.cmpf ogt, %convert_element_type3A_145, %mul3A_136 : vector<16xf32>
        %sub3A_146 = arith.constant 1 : i32
        %sub3A_147 = vector.broadcast %sub3A_146 : i32 to vector<16xi32>
        %sub3A_148 = arith.subi %convert_element_type3A_143, %sub3A_147 : vector<16xi32>
        %select_n3A = arith.select %gt3A, %sub3A_148, %convert_element_type3A_143 : vector<16xi1>, vector<16xi32>
        %convert_element_type3A_149 = arith.sitofp %convert_element_type3A_144 : vector<16xi32> to vector<16xf32>
        %gt3A_150 = arith.cmpf ogt, %convert_element_type3A_149, %mul3A_142 : vector<16xf32>
        %sub3A_151 = arith.constant 1 : i32
        %sub3A_152 = vector.broadcast %sub3A_151 : i32 to vector<16xi32>
        %sub3A_153 = arith.subi %convert_element_type3A_144, %sub3A_152 : vector<16xi32>
        %select_n3A_154 = arith.select %gt3A_150, %sub3A_153, %convert_element_type3A_144 : vector<16xi1>, vector<16xi32>
        %convert_element_type3A_155 = arith.sitofp %select_n3A : vector<16xi32> to vector<16xf32>
        %sub3A_156 = arith.subf %mul3A_136, %convert_element_type3A_155 : vector<16xf32>
        %convert_element_type3A_157 = arith.sitofp %select_n3A_154 : vector<16xi32> to vector<16xf32>
        %sub3A_158 = arith.subf %mul3A_142, %convert_element_type3A_157 : vector<16xf32>
        %mul3A_159 = arith.mulf %mul3A_131, %sub3A_156 : vector<16xf32>
        %sub3A_160 = arith.subf %mul3A_131, %mul3A_159 : vector<16xf32>
        %sub3A_161 = arith.constant 1.000000e+00 : f32
        %sub3A_162 = vector.broadcast %sub3A_161 : f32 to vector<16xf32>
        %sub3A_163 = arith.subf %sub3A_162, %sub3A_158 : vector<16xf32>
        %add3A_164 = arith.constant 1 : i32
        %add3A_165 = vector.broadcast %add3A_164 : i32 to vector<16xi32>
        %add3A_166 = arith.addi %select_n3A, %add3A_165 : vector<16xi32>
        %mul3A_167 = arith.constant 516 : i32
        %mul3A_168 = vector.broadcast %mul3A_167 : i32 to vector<16xi32>
        %mul3A_169 = arith.muli %add3A_166, %mul3A_168 : vector<16xi32>
        %add3A_170 = arith.constant 516 : i32
        %add3A_171 = vector.broadcast %add3A_170 : i32 to vector<16xi32>
        %add3A_172 = arith.addi %mul3A_169, %add3A_171 : vector<16xi32>
        %add3A_173 = arith.constant 1032 : i32
        %add3A_174 = vector.broadcast %add3A_173 : i32 to vector<16xi32>
        %add3A_175 = arith.addi %mul3A_169, %add3A_174 : vector<16xi32>
        %add3A_176 = arith.constant 1 : i32
        %add3A_177 = vector.broadcast %add3A_176 : i32 to vector<16xi32>
        %add3A_178 = arith.addi %select_n3A_154, %add3A_177 : vector<16xi32>
        %add3A_179 = arith.constant 1 : i32
        %add3A_180 = vector.broadcast %add3A_179 : i32 to vector<16xi32>
        %add3A_181 = arith.addi %add3A_178, %add3A_180 : vector<16xi32>
        %add3A_182 = arith.constant 2 : i32
        %add3A_183 = vector.broadcast %add3A_182 : i32 to vector<16xi32>
        %add3A_184 = arith.addi %add3A_178, %add3A_183 : vector<16xi32>
        %add3A_185 = arith.constant 0 : i32
        %add3A_186 = arith.addi %add3A_185, %mul3A_108 : i32
        %add3A_187 = arith.addi %mul3A_169, %add3A_178 : vector<16xi32>
        %swap3A = arith.index_cast %add3A_186 : i32 to index
        %swap3A_188 = tpu.vector_load %arg17[%swap3A] {strides = array<i32>} : memref<18432xi32, #tpu.memory_space<vmem>>, vector<16xi32>,
        %swap3A_189 = vector.shape_cast %swap3A_188 : vector<16xi32> to vector<16xi32>
        %swap3A_190 = vector.shape_cast %add3A_187 : vector<16xi32> to vector<16xi32>
        tpu.vector_store %arg17[%swap3A], %swap3A_190 {strides = array<i32>} : memref<18432xi32, #tpu.memory_space<vmem>>, vector<16xi32>,
        %mul3A_191 = arith.mulf %sub3A_160, %sub3A_163 : vector<16xf32>
        %swap3A_192 = arith.index_cast %add3A_186 : i32 to index
        %swap3A_193 = tpu.vector_load %arg19[%swap3A_192] {strides = array<i32>} : memref<18432xf32, #tpu.memory_space<vmem>>, vector<16xf32>,
        %swap3A_194 = vector.shape_cast %swap3A_193 : vector<16xf32> to vector<16xf32>
        %swap3A_195 = vector.shape_cast %mul3A_191 : vector<16xf32> to vector<16xf32>
        tpu.vector_store %arg19[%swap3A_192], %swap3A_195 {strides = array<i32>} : memref<18432xf32, #tpu.memory_space<vmem>>, vector<16xf32>,
        %add3A_196 = arith.constant 2048 : i32
        %add3A_197 = arith.addi %add3A_196, %mul3A_108 : i32
        %add3A_198 = arith.addi %mul3A_169, %add3A_181 : vector<16xi32>
        %swap3A_199 = arith.index_cast %add3A_197 : i32 to index
        %swap3A_200 = tpu.vector_load %arg17[%swap3A_199] {strides = array<i32>} : memref<18432xi32, #tpu.memory_space<vmem>>, vector<16xi32>,
        %swap3A_201 = vector.shape_cast %swap3A_200 : vector<16xi32> to vector<16xi32>
        %swap3A_202 = vector.shape_cast %add3A_198 : vector<16xi32> to vector<16xi32>
        tpu.vector_store %arg17[%swap3A_199], %swap3A_202 {strides = array<i32>} : memref<18432xi32, #tpu.memory_space<vmem>>, vector<16xi32>,
        %swap3A_203 = arith.index_cast %add3A_197 : i32 to index
        %swap3A_204 = tpu.vector_load %arg19[%swap3A_203] {strides = array<i32>} : memref<18432xf32, #tpu.memory_space<vmem>>, vector<16xf32>,
        %swap3A_205 = vector.shape_cast %swap3A_204 : vector<16xf32> to vector<16xf32>
        %swap3A_206 = vector.shape_cast %sub3A_160 : vector<16xf32> to vector<16xf32>
        tpu.vector_store %arg19[%swap3A_203], %swap3A_206 {strides = array<i32>} : memref<18432xf32, #tpu.memory_space<vmem>>, vector<16xf32>,
        %add3A_207 = arith.constant 4096 : i32
        %add3A_208 = arith.addi %add3A_207, %mul3A_108 : i32
        %add3A_209 = arith.addi %mul3A_169, %add3A_184 : vector<16xi32>
        %swap3A_210 = arith.index_cast %add3A_208 : i32 to index
        %swap3A_211 = tpu.vector_load %arg17[%swap3A_210] {strides = array<i32>} : memref<18432xi32, #tpu.memory_space<vmem>>, vector<16xi32>,
        %swap3A_212 = vector.shape_cast %swap3A_211 : vector<16xi32> to vector<16xi32>
        %swap3A_213 = vector.shape_cast %add3A_209 : vector<16xi32> to vector<16xi32>
        tpu.vector_store %arg17[%swap3A_210], %swap3A_213 {strides = array<i32>} : memref<18432xi32, #tpu.memory_space<vmem>>, vector<16xi32>,
        %mul3A_214 = arith.mulf %sub3A_160, %sub3A_158 : vector<16xf32>
        %swap3A_215 = arith.index_cast %add3A_208 : i32 to index
        %swap3A_216 = tpu.vector_load %arg19[%swap3A_215] {strides = array<i32>} : memref<18432xf32, #tpu.memory_space<vmem>>, vector<16xf32>,
        %swap3A_217 = vector.shape_cast %swap3A_216 : vector<16xf32> to vector<16xf32>
        %swap3A_218 = vector.shape_cast %mul3A_214 : vector<16xf32> to vector<16xf32>
        tpu.vector_store %arg19[%swap3A_215], %swap3A_218 {strides = array<i32>} : memref<18432xf32, #tpu.memory_space<vmem>>, vector<16xf32>,
        %add3A_219 = arith.constant 6144 : i32
        %add3A_220 = arith.addi %add3A_219, %mul3A_108 : i32
        %add3A_221 = arith.addi %add3A_172, %add3A_178 : vector<16xi32>
        %swap3A_222 = arith.index_cast %add3A_220 : i32 to index
        %swap3A_223 = tpu.vector_load %arg17[%swap3A_222] {strides = array<i32>} : memref<18432xi32, #tpu.memory_space<vmem>>, vector<16xi32>,
        %swap3A_224 = vector.shape_cast %swap3A_223 : vector<16xi32> to vector<16xi32>
        %swap3A_225 = vector.shape_cast %add3A_221 : vector<16xi32> to vector<16xi32>
        tpu.vector_store %arg17[%swap3A_222], %swap3A_225 {strides = array<i32>} : memref<18432xi32, #tpu.memory_space<vmem>>, vector<16xi32>,
        %mul3A_226 = arith.mulf %mul3A_131, %sub3A_163 : vector<16xf32>
        %swap3A_227 = arith.index_cast %add3A_220 : i32 to index
        %swap3A_228 = tpu.vector_load %arg19[%swap3A_227] {strides = array<i32>} : memref<18432xf32, #tpu.memory_space<vmem>>, vector<16xf32>,
        %swap3A_229 = vector.shape_cast %swap3A_228 : vector<16xf32> to vector<16xf32>
        %swap3A_230 = vector.shape_cast %mul3A_226 : vector<16xf32> to vector<16xf32>
        tpu.vector_store %arg19[%swap3A_227], %swap3A_230 {strides = array<i32>} : memref<18432xf32, #tpu.memory_space<vmem>>, vector<16xf32>,
        %add3A_231 = arith.constant 8192 : i32
        %add3A_232 = arith.addi %add3A_231, %mul3A_108 : i32
        %add3A_233 = arith.addi %add3A_172, %add3A_181 : vector<16xi32>
        %swap3A_234 = arith.index_cast %add3A_232 : i32 to index
        %swap3A_235 = tpu.vector_load %arg17[%swap3A_234] {strides = array<i32>} : memref<18432xi32, #tpu.memory_space<vmem>>, vector<16xi32>,
        %swap3A_236 = vector.shape_cast %swap3A_235 : vector<16xi32> to vector<16xi32>
        %swap3A_237 = vector.shape_cast %add3A_233 : vector<16xi32> to vector<16xi32>
        tpu.vector_store %arg17[%swap3A_234], %swap3A_237 {strides = array<i32>} : memref<18432xi32, #tpu.memory_space<vmem>>, vector<16xi32>,
        %swap3A_238 = arith.index_cast %add3A_232 : i32 to index
        %swap3A_239 = tpu.vector_load %arg19[%swap3A_238] {strides = array<i32>} : memref<18432xf32, #tpu.memory_space<vmem>>, vector<16xf32>,
        %swap3A_240 = vector.shape_cast %swap3A_239 : vector<16xf32> to vector<16xf32>
        %swap3A_241 = vector.shape_cast %mul3A_131 : vector<16xf32> to vector<16xf32>
        tpu.vector_store %arg19[%swap3A_238], %swap3A_241 {strides = array<i32>} : memref<18432xf32, #tpu.memory_space<vmem>>, vector<16xf32>,
        %add3A_242 = arith.constant 10240 : i32
        %add3A_243 = arith.addi %add3A_242, %mul3A_108 : i32
        %add3A_244 = arith.addi %add3A_172, %add3A_184 : vector<16xi32>
        %swap3A_245 = arith.index_cast %add3A_243 : i32 to index
        %swap3A_246 = tpu.vector_load %arg17[%swap3A_245] {strides = array<i32>} : memref<18432xi32, #tpu.memory_space<vmem>>, vector<16xi32>,
        %swap3A_247 = vector.shape_cast %swap3A_246 : vector<16xi32> to vector<16xi32>
        %swap3A_248 = vector.shape_cast %add3A_244 : vector<16xi32> to vector<16xi32>
        tpu.vector_store %arg17[%swap3A_245], %swap3A_248 {strides = array<i32>} : memref<18432xi32, #tpu.memory_space<vmem>>, vector<16xi32>,
        %mul3A_249 = arith.mulf %mul3A_131, %sub3A_158 : vector<16xf32>
        %swap3A_250 = arith.index_cast %add3A_243 : i32 to index
        %swap3A_251 = tpu.vector_load %arg19[%swap3A_250] {strides = array<i32>} : memref<18432xf32, #tpu.memory_space<vmem>>, vector<16xf32>,
        %swap3A_252 = vector.shape_cast %swap3A_251 : vector<16xf32> to vector<16xf32>
        %swap3A_253 = vector.shape_cast %mul3A_249 : vector<16xf32> to vector<16xf32>
        tpu.vector_store %arg19[%swap3A_250], %swap3A_253 {strides = array<i32>} : memref<18432xf32, #tpu.memory_space<vmem>>, vector<16xf32>,
        %add3A_254 = arith.constant 12288 : i32
        %add3A_255 = arith.addi %add3A_254, %mul3A_108 : i32
        %add3A_256 = arith.addi %add3A_175, %add3A_178 : vector<16xi32>
        %swap3A_257 = arith.index_cast %add3A_255 : i32 to index
        %swap3A_258 = tpu.vector_load %arg17[%swap3A_257] {strides = array<i32>} : memref<18432xi32, #tpu.memory_space<vmem>>, vector<16xi32>,
        %swap3A_259 = vector.shape_cast %swap3A_258 : vector<16xi32> to vector<16xi32>
        %swap3A_260 = vector.shape_cast %add3A_256 : vector<16xi32> to vector<16xi32>
        tpu.vector_store %arg17[%swap3A_257], %swap3A_260 {strides = array<i32>} : memref<18432xi32, #tpu.memory_space<vmem>>, vector<16xi32>,
        %mul3A_261 = arith.mulf %mul3A_159, %sub3A_163 : vector<16xf32>
        %swap3A_262 = arith.index_cast %add3A_255 : i32 to index
        %swap3A_263 = tpu.vector_load %arg19[%swap3A_262] {strides = array<i32>} : memref<18432xf32, #tpu.memory_space<vmem>>, vector<16xf32>,
        %swap3A_264 = vector.shape_cast %swap3A_263 : vector<16xf32> to vector<16xf32>
        %swap3A_265 = vector.shape_cast %mul3A_261 : vector<16xf32> to vector<16xf32>
        tpu.vector_store %arg19[%swap3A_262], %swap3A_265 {strides = array<i32>} : memref<18432xf32, #tpu.memory_space<vmem>>, vector<16xf32>,
        %add3A_266 = arith.constant 14336 : i32
        %add3A_267 = arith.addi %add3A_266, %mul3A_108 : i32
        %add3A_268 = arith.addi %add3A_175, %add3A_181 : vector<16xi32>
        %swap3A_269 = arith.index_cast %add3A_267 : i32 to index
        %swap3A_270 = tpu.vector_load %arg17[%swap3A_269] {strides = array<i32>} : memref<18432xi32, #tpu.memory_space<vmem>>, vector<16xi32>,
        %swap3A_271 = vector.shape_cast %swap3A_270 : vector<16xi32> to vector<16xi32>
        %swap3A_272 = vector.shape_cast %add3A_268 : vector<16xi32> to vector<16xi32>
        tpu.vector_store %arg17[%swap3A_269], %swap3A_272 {strides = array<i32>} : memref<18432xi32, #tpu.memory_space<vmem>>, vector<16xi32>,
        %swap3A_273 = arith.index_cast %add3A_267 : i32 to index
        %swap3A_274 = tpu.vector_load %arg19[%swap3A_273] {strides = array<i32>} : memref<18432xf32, #tpu.memory_space<vmem>>, vector<16xf32>,
        %swap3A_275 = vector.shape_cast %swap3A_274 : vector<16xf32> to vector<16xf32>
        %swap3A_276 = vector.shape_cast %mul3A_159 : vector<16xf32> to vector<16xf32>
        tpu.vector_store %arg19[%swap3A_273], %swap3A_276 {strides = array<i32>} : memref<18432xf32, #tpu.memory_space<vmem>>, vector<16xf32>,
        %add3A_277 = arith.constant 16384 : i32
        %add3A_278 = arith.addi %add3A_277, %mul3A_108 : i32
        %add3A_279 = arith.addi %add3A_175, %add3A_184 : vector<16xi32>
        %swap3A_280 = arith.index_cast %add3A_278 : i32 to index
        %swap3A_281 = tpu.vector_load %arg17[%swap3A_280] {strides = array<i32>} : memref<18432xi32, #tpu.memory_space<vmem>>, vector<16xi32>,
        %swap3A_282 = vector.shape_cast %swap3A_281 : vector<16xi32> to vector<16xi32>
        %swap3A_283 = vector.shape_cast %add3A_279 : vector<16xi32> to vector<16xi32>
        tpu.vector_store %arg17[%swap3A_280], %swap3A_283 {strides = array<i32>} : memref<18432xi32, #tpu.memory_space<vmem>>, vector<16xi32>,
        %mul3A_284 = arith.mulf %mul3A_159, %sub3A_158 : vector<16xf32>
        %swap3A_285 = arith.index_cast %add3A_278 : i32 to index
        %swap3A_286 = tpu.vector_load %arg19[%swap3A_285] {strides = array<i32>} : memref<18432xf32, #tpu.memory_space<vmem>>, vector<16xf32>,
        %swap3A_287 = vector.shape_cast %swap3A_286 : vector<16xf32> to vector<16xf32>
        %swap3A_288 = vector.shape_cast %mul3A_284 : vector<16xf32> to vector<16xf32>
        tpu.vector_store %arg19[%swap3A_285], %swap3A_288 {strides = array<i32>} : memref<18432xf32, #tpu.memory_space<vmem>>, vector<16xf32>,
        %scan3A_289 = arith.constant 1 : i32
        %scan3A_290 = arith.addi %scan3A_106, %scan3A_289 : i32
        %mul3A_291 = arith.constant 16 : i32
        %mul3A_292 = arith.muli %scan3A_290, %mul3A_291 : i32
        %get3A_293 = arith.index_cast %mul3A_292 : i32 to index
        %get3A_294 = tpu.vector_load %arg9[%get3A_293] {strides = array<i32>} : memref<2048xf32, #tpu.memory_space<vmem>>, vector<16xf32>,
        %get3A_295 = vector.shape_cast %get3A_294 : vector<16xf32> to vector<16xf32>
        %get3A_296 = arith.index_cast %mul3A_292 : i32 to index
        %get3A_297 = tpu.vector_load %arg11[%get3A_296] {strides = array<i32>} : memref<2048xf32, #tpu.memory_space<vmem>>, vector<16xf32>,
        %get3A_298 = vector.shape_cast %get3A_297 : vector<16xf32> to vector<16xf32>
        %get3A_299 = arith.index_cast %mul3A_292 : i32 to index
        %get3A_300 = tpu.vector_load %arg13[%get3A_299] {strides = array<i32>} : memref<2048xf32, #tpu.memory_space<vmem>>, vector<16xf32>,
        %get3A_301 = vector.shape_cast %get3A_300 : vector<16xf32> to vector<16xf32>
        %get3A_302 = arith.index_cast %mul3A_292 : i32 to index
        %get3A_303 = tpu.vector_load %arg15[%get3A_302] {strides = array<i32>} : memref<2048xf32, #tpu.memory_space<vmem>>, vector<16xf32>,
        %get3A_304 = vector.shape_cast %get3A_303 : vector<16xf32> to vector<16xf32>
        %mul3A_305 = arith.constant 5.000000e-01 : f32
        %mul3A_306 = vector.broadcast %mul3A_305 : f32 to vector<16xf32>
        %mul3A_307 = arith.mulf %mul3A_306, %get3A_301 : vector<16xf32>
        %add3A_308 = arith.addf %get3A_295, %mul3A_307 : vector<16xf32>
        %mul3A_309 = arith.constant 5.000000e-01 : f32
        %mul3A_310 = vector.broadcast %mul3A_309 : f32 to vector<16xf32>
        %mul3A_311 = arith.mulf %mul3A_310, %get3A_304 : vector<16xf32>
        %add3A_312 = arith.addf %get3A_298, %mul3A_311 : vector<16xf32>
        %mul3A_313 = arith.mulf %get3A_301, %get3A_304 : vector<16xf32>
        %mul3A_314 = arith.constant 2.500000e-01 : f32
        %mul3A_315 = vector.broadcast %mul3A_314 : f32 to vector<16xf32>
        %mul3A_316 = arith.mulf %mul3A_313, %mul3A_315 : vector<16xf32>
        %sub3A_317 = arith.constant 0.001953125 : f32
        %sub3A_318 = vector.broadcast %sub3A_317 : f32 to vector<16xf32>
        %sub3A_319 = arith.subf %add3A_308, %sub3A_318 : vector<16xf32>
        %mul3A_320 = arith.constant 5.120000e+02 : f32
        %mul3A_321 = vector.broadcast %mul3A_320 : f32 to vector<16xf32>
        %mul3A_322 = arith.mulf %sub3A_319, %mul3A_321 : vector<16xf32>
        %sub3A_323 = arith.constant 0.001953125 : f32
        %sub3A_324 = vector.broadcast %sub3A_323 : f32 to vector<16xf32>
        %sub3A_325 = arith.subf %add3A_312, %sub3A_324 : vector<16xf32>
        %mul3A_326 = arith.constant 5.120000e+02 : f32
        %mul3A_327 = vector.broadcast %mul3A_326 : f32 to vector<16xf32>
        %mul3A_328 = arith.mulf %sub3A_325, %mul3A_327 : vector<16xf32>
        %convert_element_type3A_329 = arith.fptosi %mul3A_322 : vector<16xf32> to vector<16xi32>
        %convert_element_type3A_330 = arith.fptosi %mul3A_328 : vector<16xf32> to vector<16xi32>
        %convert_element_type3A_331 = arith.sitofp %convert_element_type3A_329 : vector<16xi32> to vector<16xf32>
        %gt3A_332 = arith.cmpf ogt, %convert_element_type3A_331, %mul3A_322 : vector<16xf32>
        %sub3A_333 = arith.constant 1 : i32
        %sub3A_334 = vector.broadcast %sub3A_333 : i32 to vector<16xi32>
        %sub3A_335 = arith.subi %convert_element_type3A_329, %sub3A_334 : vector<16xi32>
        %select_n3A_336 = arith.select %gt3A_332, %sub3A_335, %convert_element_type3A_329 : vector<16xi1>, vector<16xi32>
        %convert_element_type3A_337 = arith.sitofp %convert_element_type3A_330 : vector<16xi32> to vector<16xf32>
        %gt3A_338 = arith.cmpf ogt, %convert_element_type3A_337, %mul3A_328 : vector<16xf32>
        %sub3A_339 = arith.constant 1 : i32
        %sub3A_340 = vector.broadcast %sub3A_339 : i32 to vector<16xi32>
        %sub3A_341 = arith.subi %convert_element_type3A_330, %sub3A_340 : vector<16xi32>
        %select_n3A_342 = arith.select %gt3A_338, %sub3A_341, %convert_element_type3A_330 : vector<16xi1>, vector<16xi32>
        %convert_element_type3A_343 = arith.sitofp %select_n3A_336 : vector<16xi32> to vector<16xf32>
        %sub3A_344 = arith.subf %mul3A_322, %convert_element_type3A_343 : vector<16xf32>
        %convert_element_type3A_345 = arith.sitofp %select_n3A_342 : vector<16xi32> to vector<16xf32>
        %sub3A_346 = arith.subf %mul3A_328, %convert_element_type3A_345 : vector<16xf32>
        %mul3A_347 = arith.mulf %mul3A_316, %sub3A_344 : vector<16xf32>
        %sub3A_348 = arith.subf %mul3A_316, %mul3A_347 : vector<16xf32>
        %sub3A_349 = arith.constant 1.000000e+00 : f32
        %sub3A_350 = vector.broadcast %sub3A_349 : f32 to vector<16xf32>
        %sub3A_351 = arith.subf %sub3A_350, %sub3A_346 : vector<16xf32>
        %add3A_352 = arith.constant 1 : i32
        %add3A_353 = vector.broadcast %add3A_352 : i32 to vector<16xi32>
        %add3A_354 = arith.addi %select_n3A_336, %add3A_353 : vector<16xi32>
        %mul3A_355 = arith.constant 516 : i32
        %mul3A_356 = vector.broadcast %mul3A_355 : i32 to vector<16xi32>
        %mul3A_357 = arith.muli %add3A_354, %mul3A_356 : vector<16xi32>
        %add3A_358 = arith.constant 516 : i32
        %add3A_359 = vector.broadcast %add3A_358 : i32 to vector<16xi32>
        %add3A_360 = arith.addi %mul3A_357, %add3A_359 : vector<16xi32>
        %add3A_361 = arith.constant 1032 : i32
        %add3A_362 = vector.broadcast %add3A_361 : i32 to vector<16xi32>
        %add3A_363 = arith.addi %mul3A_357, %add3A_362 : vector<16xi32>
        %add3A_364 = arith.constant 1 : i32
        %add3A_365 = vector.broadcast %add3A_364 : i32 to vector<16xi32>
        %add3A_366 = arith.addi %select_n3A_342, %add3A_365 : vector<16xi32>
        %add3A_367 = arith.constant 1 : i32
        %add3A_368 = vector.broadcast %add3A_367 : i32 to vector<16xi32>
        %add3A_369 = arith.addi %add3A_366, %add3A_368 : vector<16xi32>
        %add3A_370 = arith.constant 2 : i32
        %add3A_371 = vector.broadcast %add3A_370 : i32 to vector<16xi32>
        %add3A_372 = arith.addi %add3A_366, %add3A_371 : vector<16xi32>
        %add3A_373 = arith.constant 0 : i32
        %add3A_374 = arith.addi %add3A_373, %mul3A_292 : i32
        %add3A_375 = arith.addi %mul3A_357, %add3A_366 : vector<16xi32>
        %swap3A_376 = arith.index_cast %add3A_374 : i32 to index
        %swap3A_377 = tpu.vector_load %arg17[%swap3A_376] {strides = array<i32>} : memref<18432xi32, #tpu.memory_space<vmem>>, vector<16xi32>,
        %swap3A_378 = vector.shape_cast %swap3A_377 : vector<16xi32> to vector<16xi32>
        %swap3A_379 = vector.shape_cast %add3A_375 : vector<16xi32> to vector<16xi32>
        tpu.vector_store %arg17[%swap3A_376], %swap3A_379 {strides = array<i32>} : memref<18432xi32, #tpu.memory_space<vmem>>, vector<16xi32>,
        %mul3A_380 = arith.mulf %sub3A_348, %sub3A_351 : vector<16xf32>
        %swap3A_381 = arith.index_cast %add3A_374 : i32 to index
        %swap3A_382 = tpu.vector_load %arg19[%swap3A_381] {strides = array<i32>} : memref<18432xf32, #tpu.memory_space<vmem>>, vector<16xf32>,
        %swap3A_383 = vector.shape_cast %swap3A_382 : vector<16xf32> to vector<16xf32>
        %swap3A_384 = vector.shape_cast %mul3A_380 : vector<16xf32> to vector<16xf32>
        tpu.vector_store %arg19[%swap3A_381], %swap3A_384 {strides = array<i32>} : memref<18432xf32, #tpu.memory_space<vmem>>, vector<16xf32>,
        %add3A_385 = arith.constant 2048 : i32
        %add3A_386 = arith.addi %add3A_385, %mul3A_292 : i32
        %add3A_387 = arith.addi %mul3A_357, %add3A_369 : vector<16xi32>
        %swap3A_388 = arith.index_cast %add3A_386 : i32 to index
        %swap3A_389 = tpu.vector_load %arg17[%swap3A_388] {strides = array<i32>} : memref<18432xi32, #tpu.memory_space<vmem>>, vector<16xi32>,
        %swap3A_390 = vector.shape_cast %swap3A_389 : vector<16xi32> to vector<16xi32>
        %swap3A_391 = vector.shape_cast %add3A_387 : vector<16xi32> to vector<16xi32>
        tpu.vector_store %arg17[%swap3A_388], %swap3A_391 {strides = array<i32>} : memref<18432xi32, #tpu.memory_space<vmem>>, vector<16xi32>,
        %swap3A_392 = arith.index_cast %add3A_386 : i32 to index
        %swap3A_393 = tpu.vector_load %arg19[%swap3A_392] {strides = array<i32>} : memref<18432xf32, #tpu.memory_space<vmem>>, vector<16xf32>,
        %swap3A_394 = vector.shape_cast %swap3A_393 : vector<16xf32> to vector<16xf32>
        %swap3A_395 = vector.shape_cast %sub3A_348 : vector<16xf32> to vector<16xf32>
        tpu.vector_store %arg19[%swap3A_392], %swap3A_395 {strides = array<i32>} : memref<18432xf32, #tpu.memory_space<vmem>>, vector<16xf32>,
        %add3A_396 = arith.constant 4096 : i32
        %add3A_397 = arith.addi %add3A_396, %mul3A_292 : i32
        %add3A_398 = arith.addi %mul3A_357, %add3A_372 : vector<16xi32>
        %swap3A_399 = arith.index_cast %add3A_397 : i32 to index
        %swap3A_400 = tpu.vector_load %arg17[%swap3A_399] {strides = array<i32>} : memref<18432xi32, #tpu.memory_space<vmem>>, vector<16xi32>,
        %swap3A_401 = vector.shape_cast %swap3A_400 : vector<16xi32> to vector<16xi32>
        %swap3A_402 = vector.shape_cast %add3A_398 : vector<16xi32> to vector<16xi32>
        tpu.vector_store %arg17[%swap3A_399], %swap3A_402 {strides = array<i32>} : memref<18432xi32, #tpu.memory_space<vmem>>, vector<16xi32>,
        %mul3A_403 = arith.mulf %sub3A_348, %sub3A_346 : vector<16xf32>
        %swap3A_404 = arith.index_cast %add3A_397 : i32 to index
        %swap3A_405 = tpu.vector_load %arg19[%swap3A_404] {strides = array<i32>} : memref<18432xf32, #tpu.memory_space<vmem>>, vector<16xf32>,
        %swap3A_406 = vector.shape_cast %swap3A_405 : vector<16xf32> to vector<16xf32>
        %swap3A_407 = vector.shape_cast %mul3A_403 : vector<16xf32> to vector<16xf32>
        tpu.vector_store %arg19[%swap3A_404], %swap3A_407 {strides = array<i32>} : memref<18432xf32, #tpu.memory_space<vmem>>, vector<16xf32>,
        %add3A_408 = arith.constant 6144 : i32
        %add3A_409 = arith.addi %add3A_408, %mul3A_292 : i32
        %add3A_410 = arith.addi %add3A_360, %add3A_366 : vector<16xi32>
        %swap3A_411 = arith.index_cast %add3A_409 : i32 to index
        %swap3A_412 = tpu.vector_load %arg17[%swap3A_411] {strides = array<i32>} : memref<18432xi32, #tpu.memory_space<vmem>>, vector<16xi32>,
        %swap3A_413 = vector.shape_cast %swap3A_412 : vector<16xi32> to vector<16xi32>
        %swap3A_414 = vector.shape_cast %add3A_410 : vector<16xi32> to vector<16xi32>
        tpu.vector_store %arg17[%swap3A_411], %swap3A_414 {strides = array<i32>} : memref<18432xi32, #tpu.memory_space<vmem>>, vector<16xi32>,
        %mul3A_415 = arith.mulf %mul3A_316, %sub3A_351 : vector<16xf32>
        %swap3A_416 = arith.index_cast %add3A_409 : i32 to index
        %swap3A_417 = tpu.vector_load %arg19[%swap3A_416] {strides = array<i32>} : memref<18432xf32, #tpu.memory_space<vmem>>, vector<16xf32>,
        %swap3A_418 = vector.shape_cast %swap3A_417 : vector<16xf32> to vector<16xf32>
        %swap3A_419 = vector.shape_cast %mul3A_415 : vector<16xf32> to vector<16xf32>
        tpu.vector_store %arg19[%swap3A_416], %swap3A_419 {strides = array<i32>} : memref<18432xf32, #tpu.memory_space<vmem>>, vector<16xf32>,
        %add3A_420 = arith.constant 8192 : i32
        %add3A_421 = arith.addi %add3A_420, %mul3A_292 : i32
        %add3A_422 = arith.addi %add3A_360, %add3A_369 : vector<16xi32>
        %swap3A_423 = arith.index_cast %add3A_421 : i32 to index
        %swap3A_424 = tpu.vector_load %arg17[%swap3A_423] {strides = array<i32>} : memref<18432xi32, #tpu.memory_space<vmem>>, vector<16xi32>,
        %swap3A_425 = vector.shape_cast %swap3A_424 : vector<16xi32> to vector<16xi32>
        %swap3A_426 = vector.shape_cast %add3A_422 : vector<16xi32> to vector<16xi32>
        tpu.vector_store %arg17[%swap3A_423], %swap3A_426 {strides = array<i32>} : memref<18432xi32, #tpu.memory_space<vmem>>, vector<16xi32>,
        %swap3A_427 = arith.index_cast %add3A_421 : i32 to index
        %swap3A_428 = tpu.vector_load %arg19[%swap3A_427] {strides = array<i32>} : memref<18432xf32, #tpu.memory_space<vmem>>, vector<16xf32>,
        %swap3A_429 = vector.shape_cast %swap3A_428 : vector<16xf32> to vector<16xf32>
        %swap3A_430 = vector.shape_cast %mul3A_316 : vector<16xf32> to vector<16xf32>
        tpu.vector_store %arg19[%swap3A_427], %swap3A_430 {strides = array<i32>} : memref<18432xf32, #tpu.memory_space<vmem>>, vector<16xf32>,
        %add3A_431 = arith.constant 10240 : i32
        %add3A_432 = arith.addi %add3A_431, %mul3A_292 : i32
        %add3A_433 = arith.addi %add3A_360, %add3A_372 : vector<16xi32>
        %swap3A_434 = arith.index_cast %add3A_432 : i32 to index
        %swap3A_435 = tpu.vector_load %arg17[%swap3A_434] {strides = array<i32>} : memref<18432xi32, #tpu.memory_space<vmem>>, vector<16xi32>,
        %swap3A_436 = vector.shape_cast %swap3A_435 : vector<16xi32> to vector<16xi32>
        %swap3A_437 = vector.shape_cast %add3A_433 : vector<16xi32> to vector<16xi32>
        tpu.vector_store %arg17[%swap3A_434], %swap3A_437 {strides = array<i32>} : memref<18432xi32, #tpu.memory_space<vmem>>, vector<16xi32>,
        %mul3A_438 = arith.mulf %mul3A_316, %sub3A_346 : vector<16xf32>
        %swap3A_439 = arith.index_cast %add3A_432 : i32 to index
        %swap3A_440 = tpu.vector_load %arg19[%swap3A_439] {strides = array<i32>} : memref<18432xf32, #tpu.memory_space<vmem>>, vector<16xf32>,
        %swap3A_441 = vector.shape_cast %swap3A_440 : vector<16xf32> to vector<16xf32>
        %swap3A_442 = vector.shape_cast %mul3A_438 : vector<16xf32> to vector<16xf32>
        tpu.vector_store %arg19[%swap3A_439], %swap3A_442 {strides = array<i32>} : memref<18432xf32, #tpu.memory_space<vmem>>, vector<16xf32>,
        %add3A_443 = arith.constant 12288 : i32
        %add3A_444 = arith.addi %add3A_443, %mul3A_292 : i32
        %add3A_445 = arith.addi %add3A_363, %add3A_366 : vector<16xi32>
        %swap3A_446 = arith.index_cast %add3A_444 : i32 to index
        %swap3A_447 = tpu.vector_load %arg17[%swap3A_446] {strides = array<i32>} : memref<18432xi32, #tpu.memory_space<vmem>>, vector<16xi32>,
        %swap3A_448 = vector.shape_cast %swap3A_447 : vector<16xi32> to vector<16xi32>
        %swap3A_449 = vector.shape_cast %add3A_445 : vector<16xi32> to vector<16xi32>
        tpu.vector_store %arg17[%swap3A_446], %swap3A_449 {strides = array<i32>} : memref<18432xi32, #tpu.memory_space<vmem>>, vector<16xi32>,
        %mul3A_450 = arith.mulf %mul3A_347, %sub3A_351 : vector<16xf32>
        %swap3A_451 = arith.index_cast %add3A_444 : i32 to index
        %swap3A_452 = tpu.vector_load %arg19[%swap3A_451] {strides = array<i32>} : memref<18432xf32, #tpu.memory_space<vmem>>, vector<16xf32>,
        %swap3A_453 = vector.shape_cast %swap3A_452 : vector<16xf32> to vector<16xf32>
        %swap3A_454 = vector.shape_cast %mul3A_450 : vector<16xf32> to vector<16xf32>
        tpu.vector_store %arg19[%swap3A_451], %swap3A_454 {strides = array<i32>} : memref<18432xf32, #tpu.memory_space<vmem>>, vector<16xf32>,
        %add3A_455 = arith.constant 14336 : i32
        %add3A_456 = arith.addi %add3A_455, %mul3A_292 : i32
        %add3A_457 = arith.addi %add3A_363, %add3A_369 : vector<16xi32>
        %swap3A_458 = arith.index_cast %add3A_456 : i32 to index
        %swap3A_459 = tpu.vector_load %arg17[%swap3A_458] {strides = array<i32>} : memref<18432xi32, #tpu.memory_space<vmem>>, vector<16xi32>,
        %swap3A_460 = vector.shape_cast %swap3A_459 : vector<16xi32> to vector<16xi32>
        %swap3A_461 = vector.shape_cast %add3A_457 : vector<16xi32> to vector<16xi32>
        tpu.vector_store %arg17[%swap3A_458], %swap3A_461 {strides = array<i32>} : memref<18432xi32, #tpu.memory_space<vmem>>, vector<16xi32>,
        %swap3A_462 = arith.index_cast %add3A_456 : i32 to index
        %swap3A_463 = tpu.vector_load %arg19[%swap3A_462] {strides = array<i32>} : memref<18432xf32, #tpu.memory_space<vmem>>, vector<16xf32>,
        %swap3A_464 = vector.shape_cast %swap3A_463 : vector<16xf32> to vector<16xf32>
        %swap3A_465 = vector.shape_cast %mul3A_347 : vector<16xf32> to vector<16xf32>
        tpu.vector_store %arg19[%swap3A_462], %swap3A_465 {strides = array<i32>} : memref<18432xf32, #tpu.memory_space<vmem>>, vector<16xf32>,
        %add3A_466 = arith.constant 16384 : i32
        %add3A_467 = arith.addi %add3A_466, %mul3A_292 : i32
        %add3A_468 = arith.addi %add3A_363, %add3A_372 : vector<16xi32>
        %swap3A_469 = arith.index_cast %add3A_467 : i32 to index
        %swap3A_470 = tpu.vector_load %arg17[%swap3A_469] {strides = array<i32>} : memref<18432xi32, #tpu.memory_space<vmem>>, vector<16xi32>,
        %swap3A_471 = vector.shape_cast %swap3A_470 : vector<16xi32> to vector<16xi32>
        %swap3A_472 = vector.shape_cast %add3A_468 : vector<16xi32> to vector<16xi32>
        tpu.vector_store %arg17[%swap3A_469], %swap3A_472 {strides = array<i32>} : memref<18432xi32, #tpu.memory_space<vmem>>, vector<16xi32>,
        %mul3A_473 = arith.mulf %mul3A_347, %sub3A_346 : vector<16xf32>
        %swap3A_474 = arith.index_cast %add3A_467 : i32 to index
        %swap3A_475 = tpu.vector_load %arg19[%swap3A_474] {strides = array<i32>} : memref<18432xf32, #tpu.memory_space<vmem>>, vector<16xf32>,
        %swap3A_476 = vector.shape_cast %swap3A_475 : vector<16xf32> to vector<16xf32>
        %swap3A_477 = vector.shape_cast %mul3A_473 : vector<16xf32> to vector<16xf32>
        tpu.vector_store %arg19[%swap3A_474], %swap3A_477 {strides = array<i32>} : memref<18432xf32, #tpu.memory_space<vmem>>, vector<16xf32>,
        %scan3A_478 = arith.constant 2 : i32
        %scan3A_479 = arith.addi %scan3A_106, %scan3A_478 : i32
        %mul3A_480 = arith.constant 16 : i32
        %mul3A_481 = arith.muli %scan3A_479, %mul3A_480 : i32
        %get3A_482 = arith.index_cast %mul3A_481 : i32 to index
        %get3A_483 = tpu.vector_load %arg9[%get3A_482] {strides = array<i32>} : memref<2048xf32, #tpu.memory_space<vmem>>, vector<16xf32>,
        %get3A_484 = vector.shape_cast %get3A_483 : vector<16xf32> to vector<16xf32>
        %get3A_485 = arith.index_cast %mul3A_481 : i32 to index
        %get3A_486 = tpu.vector_load %arg11[%get3A_485] {strides = array<i32>} : memref<2048xf32, #tpu.memory_space<vmem>>, vector<16xf32>,
        %get3A_487 = vector.shape_cast %get3A_486 : vector<16xf32> to vector<16xf32>
        %get3A_488 = arith.index_cast %mul3A_481 : i32 to index
        %get3A_489 = tpu.vector_load %arg13[%get3A_488] {strides = array<i32>} : memref<2048xf32, #tpu.memory_space<vmem>>, vector<16xf32>,
        %get3A_490 = vector.shape_cast %get3A_489 : vector<16xf32> to vector<16xf32>
        %get3A_491 = arith.index_cast %mul3A_481 : i32 to index
        %get3A_492 = tpu.vector_load %arg15[%get3A_491] {strides = array<i32>} : memref<2048xf32, #tpu.memory_space<vmem>>, vector<16xf32>,
        %get3A_493 = vector.shape_cast %get3A_492 : vector<16xf32> to vector<16xf32>
        %mul3A_494 = arith.constant 5.000000e-01 : f32
        %mul3A_495 = vector.broadcast %mul3A_494 : f32 to vector<16xf32>
        %mul3A_496 = arith.mulf %mul3A_495, %get3A_490 : vector<16xf32>
        %add3A_497 = arith.addf %get3A_484, %mul3A_496 : vector<16xf32>
        %mul3A_498 = arith.constant 5.000000e-01 : f32
        %mul3A_499 = vector.broadcast %mul3A_498 : f32 to vector<16xf32>
        %mul3A_500 = arith.mulf %mul3A_499, %get3A_493 : vector<16xf32>
        %add3A_501 = arith.addf %get3A_487, %mul3A_500 : vector<16xf32>
        %mul3A_502 = arith.mulf %get3A_490, %get3A_493 : vector<16xf32>
        %mul3A_503 = arith.constant 2.500000e-01 : f32
        %mul3A_504 = vector.broadcast %mul3A_503 : f32 to vector<16xf32>
        %mul3A_505 = arith.mulf %mul3A_502, %mul3A_504 : vector<16xf32>
        %sub3A_506 = arith.constant 0.001953125 : f32
        %sub3A_507 = vector.broadcast %sub3A_506 : f32 to vector<16xf32>
        %sub3A_508 = arith.subf %add3A_497, %sub3A_507 : vector<16xf32>
        %mul3A_509 = arith.constant 5.120000e+02 : f32
        %mul3A_510 = vector.broadcast %mul3A_509 : f32 to vector<16xf32>
        %mul3A_511 = arith.mulf %sub3A_508, %mul3A_510 : vector<16xf32>
        %sub3A_512 = arith.constant 0.001953125 : f32
        %sub3A_513 = vector.broadcast %sub3A_512 : f32 to vector<16xf32>
        %sub3A_514 = arith.subf %add3A_501, %sub3A_513 : vector<16xf32>
        %mul3A_515 = arith.constant 5.120000e+02 : f32
        %mul3A_516 = vector.broadcast %mul3A_515 : f32 to vector<16xf32>
        %mul3A_517 = arith.mulf %sub3A_514, %mul3A_516 : vector<16xf32>
        %convert_element_type3A_518 = arith.fptosi %mul3A_511 : vector<16xf32> to vector<16xi32>
        %convert_element_type3A_519 = arith.fptosi %mul3A_517 : vector<16xf32> to vector<16xi32>
        %convert_element_type3A_520 = arith.sitofp %convert_element_type3A_518 : vector<16xi32> to vector<16xf32>
        %gt3A_521 = arith.cmpf ogt, %convert_element_type3A_520, %mul3A_511 : vector<16xf32>
        %sub3A_522 = arith.constant 1 : i32
        %sub3A_523 = vector.broadcast %sub3A_522 : i32 to vector<16xi32>
        %sub3A_524 = arith.subi %convert_element_type3A_518, %sub3A_523 : vector<16xi32>
        %select_n3A_525 = arith.select %gt3A_521, %sub3A_524, %convert_element_type3A_518 : vector<16xi1>, vector<16xi32>
        %convert_element_type3A_526 = arith.sitofp %convert_element_type3A_519 : vector<16xi32> to vector<16xf32>
        %gt3A_527 = arith.cmpf ogt, %convert_element_type3A_526, %mul3A_517 : vector<16xf32>
        %sub3A_528 = arith.constant 1 : i32
        %sub3A_529 = vector.broadcast %sub3A_528 : i32 to vector<16xi32>
        %sub3A_530 = arith.subi %convert_element_type3A_519, %sub3A_529 : vector<16xi32>
        %select_n3A_531 = arith.select %gt3A_527, %sub3A_530, %convert_element_type3A_519 : vector<16xi1>, vector<16xi32>
        %convert_element_type3A_532 = arith.sitofp %select_n3A_525 : vector<16xi32> to vector<16xf32>
        %sub3A_533 = arith.subf %mul3A_511, %convert_element_type3A_532 : vector<16xf32>
        %convert_element_type3A_534 = arith.sitofp %select_n3A_531 : vector<16xi32> to vector<16xf32>
        %sub3A_535 = arith.subf %mul3A_517, %convert_element_type3A_534 : vector<16xf32>
        %mul3A_536 = arith.mulf %mul3A_505, %sub3A_533 : vector<16xf32>
        %sub3A_537 = arith.subf %mul3A_505, %mul3A_536 : vector<16xf32>
        %sub3A_538 = arith.constant 1.000000e+00 : f32
        %sub3A_539 = vector.broadcast %sub3A_538 : f32 to vector<16xf32>
        %sub3A_540 = arith.subf %sub3A_539, %sub3A_535 : vector<16xf32>
        %add3A_541 = arith.constant 1 : i32
        %add3A_542 = vector.broadcast %add3A_541 : i32 to vector<16xi32>
        %add3A_543 = arith.addi %select_n3A_525, %add3A_542 : vector<16xi32>
        %mul3A_544 = arith.constant 516 : i32
        %mul3A_545 = vector.broadcast %mul3A_544 : i32 to vector<16xi32>
        %mul3A_546 = arith.muli %add3A_543, %mul3A_545 : vector<16xi32>
        %add3A_547 = arith.constant 516 : i32
        %add3A_548 = vector.broadcast %add3A_547 : i32 to vector<16xi32>
        %add3A_549 = arith.addi %mul3A_546, %add3A_548 : vector<16xi32>
        %add3A_550 = arith.constant 1032 : i32
        %add3A_551 = vector.broadcast %add3A_550 : i32 to vector<16xi32>
        %add3A_552 = arith.addi %mul3A_546, %add3A_551 : vector<16xi32>
        %add3A_553 = arith.constant 1 : i32
        %add3A_554 = vector.broadcast %add3A_553 : i32 to vector<16xi32>
        %add3A_555 = arith.addi %select_n3A_531, %add3A_554 : vector<16xi32>
        %add3A_556 = arith.constant 1 : i32
        %add3A_557 = vector.broadcast %add3A_556 : i32 to vector<16xi32>
        %add3A_558 = arith.addi %add3A_555, %add3A_557 : vector<16xi32>
        %add3A_559 = arith.constant 2 : i32
        %add3A_560 = vector.broadcast %add3A_559 : i32 to vector<16xi32>
        %add3A_561 = arith.addi %add3A_555, %add3A_560 : vector<16xi32>
        %add3A_562 = arith.constant 0 : i32
        %add3A_563 = arith.addi %add3A_562, %mul3A_481 : i32
        %add3A_564 = arith.addi %mul3A_546, %add3A_555 : vector<16xi32>
        %swap3A_565 = arith.index_cast %add3A_563 : i32 to index
        %swap3A_566 = tpu.vector_load %arg17[%swap3A_565] {strides = array<i32>} : memref<18432xi32, #tpu.memory_space<vmem>>, vector<16xi32>,
        %swap3A_567 = vector.shape_cast %swap3A_566 : vector<16xi32> to vector<16xi32>
        %swap3A_568 = vector.shape_cast %add3A_564 : vector<16xi32> to vector<16xi32>
        tpu.vector_store %arg17[%swap3A_565], %swap3A_568 {strides = array<i32>} : memref<18432xi32, #tpu.memory_space<vmem>>, vector<16xi32>,
        %mul3A_569 = arith.mulf %sub3A_537, %sub3A_540 : vector<16xf32>
        %swap3A_570 = arith.index_cast %add3A_563 : i32 to index
        %swap3A_571 = tpu.vector_load %arg19[%swap3A_570] {strides = array<i32>} : memref<18432xf32, #tpu.memory_space<vmem>>, vector<16xf32>,
        %swap3A_572 = vector.shape_cast %swap3A_571 : vector<16xf32> to vector<16xf32>
        %swap3A_573 = vector.shape_cast %mul3A_569 : vector<16xf32> to vector<16xf32>
        tpu.vector_store %arg19[%swap3A_570], %swap3A_573 {strides = array<i32>} : memref<18432xf32, #tpu.memory_space<vmem>>, vector<16xf32>,
        %add3A_574 = arith.constant 2048 : i32
        %add3A_575 = arith.addi %add3A_574, %mul3A_481 : i32
        %add3A_576 = arith.addi %mul3A_546, %add3A_558 : vector<16xi32>
        %swap3A_577 = arith.index_cast %add3A_575 : i32 to index
        %swap3A_578 = tpu.vector_load %arg17[%swap3A_577] {strides = array<i32>} : memref<18432xi32, #tpu.memory_space<vmem>>, vector<16xi32>,
        %swap3A_579 = vector.shape_cast %swap3A_578 : vector<16xi32> to vector<16xi32>
        %swap3A_580 = vector.shape_cast %add3A_576 : vector<16xi32> to vector<16xi32>
        tpu.vector_store %arg17[%swap3A_577], %swap3A_580 {strides = array<i32>} : memref<18432xi32, #tpu.memory_space<vmem>>, vector<16xi32>,
        %swap3A_581 = arith.index_cast %add3A_575 : i32 to index
        %swap3A_582 = tpu.vector_load %arg19[%swap3A_581] {strides = array<i32>} : memref<18432xf32, #tpu.memory_space<vmem>>, vector<16xf32>,
        %swap3A_583 = vector.shape_cast %swap3A_582 : vector<16xf32> to vector<16xf32>
        %swap3A_584 = vector.shape_cast %sub3A_537 : vector<16xf32> to vector<16xf32>
        tpu.vector_store %arg19[%swap3A_581], %swap3A_584 {strides = array<i32>} : memref<18432xf32, #tpu.memory_space<vmem>>, vector<16xf32>,
        %add3A_585 = arith.constant 4096 : i32
        %add3A_586 = arith.addi %add3A_585, %mul3A_481 : i32
        %add3A_587 = arith.addi %mul3A_546, %add3A_561 : vector<16xi32>
        %swap3A_588 = arith.index_cast %add3A_586 : i32 to index
        %swap3A_589 = tpu.vector_load %arg17[%swap3A_588] {strides = array<i32>} : memref<18432xi32, #tpu.memory_space<vmem>>, vector<16xi32>,
        %swap3A_590 = vector.shape_cast %swap3A_589 : vector<16xi32> to vector<16xi32>
        %swap3A_591 = vector.shape_cast %add3A_587 : vector<16xi32> to vector<16xi32>
        tpu.vector_store %arg17[%swap3A_588], %swap3A_591 {strides = array<i32>} : memref<18432xi32, #tpu.memory_space<vmem>>, vector<16xi32>,
        %mul3A_592 = arith.mulf %sub3A_537, %sub3A_535 : vector<16xf32>
        %swap3A_593 = arith.index_cast %add3A_586 : i32 to index
        %swap3A_594 = tpu.vector_load %arg19[%swap3A_593] {strides = array<i32>} : memref<18432xf32, #tpu.memory_space<vmem>>, vector<16xf32>,
        %swap3A_595 = vector.shape_cast %swap3A_594 : vector<16xf32> to vector<16xf32>
        %swap3A_596 = vector.shape_cast %mul3A_592 : vector<16xf32> to vector<16xf32>
        tpu.vector_store %arg19[%swap3A_593], %swap3A_596 {strides = array<i32>} : memref<18432xf32, #tpu.memory_space<vmem>>, vector<16xf32>,
        %add3A_597 = arith.constant 6144 : i32
        %add3A_598 = arith.addi %add3A_597, %mul3A_481 : i32
        %add3A_599 = arith.addi %add3A_549, %add3A_555 : vector<16xi32>
        %swap3A_600 = arith.index_cast %add3A_598 : i32 to index
        %swap3A_601 = tpu.vector_load %arg17[%swap3A_600] {strides = array<i32>} : memref<18432xi32, #tpu.memory_space<vmem>>, vector<16xi32>,
        %swap3A_602 = vector.shape_cast %swap3A_601 : vector<16xi32> to vector<16xi32>
        %swap3A_603 = vector.shape_cast %add3A_599 : vector<16xi32> to vector<16xi32>
        tpu.vector_store %arg17[%swap3A_600], %swap3A_603 {strides = array<i32>} : memref<18432xi32, #tpu.memory_space<vmem>>, vector<16xi32>,
        %mul3A_604 = arith.mulf %mul3A_505, %sub3A_540 : vector<16xf32>
        %swap3A_605 = arith.index_cast %add3A_598 : i32 to index
        %swap3A_606 = tpu.vector_load %arg19[%swap3A_605] {strides = array<i32>} : memref<18432xf32, #tpu.memory_space<vmem>>, vector<16xf32>,
        %swap3A_607 = vector.shape_cast %swap3A_606 : vector<16xf32> to vector<16xf32>
        %swap3A_608 = vector.shape_cast %mul3A_604 : vector<16xf32> to vector<16xf32>
        tpu.vector_store %arg19[%swap3A_605], %swap3A_608 {strides = array<i32>} : memref<18432xf32, #tpu.memory_space<vmem>>, vector<16xf32>,
        %add3A_609 = arith.constant 8192 : i32
        %add3A_610 = arith.addi %add3A_609, %mul3A_481 : i32
        %add3A_611 = arith.addi %add3A_549, %add3A_558 : vector<16xi32>
        %swap3A_612 = arith.index_cast %add3A_610 : i32 to index
        %swap3A_613 = tpu.vector_load %arg17[%swap3A_612] {strides = array<i32>} : memref<18432xi32, #tpu.memory_space<vmem>>, vector<16xi32>,
        %swap3A_614 = vector.shape_cast %swap3A_613 : vector<16xi32> to vector<16xi32>
        %swap3A_615 = vector.shape_cast %add3A_611 : vector<16xi32> to vector<16xi32>
        tpu.vector_store %arg17[%swap3A_612], %swap3A_615 {strides = array<i32>} : memref<18432xi32, #tpu.memory_space<vmem>>, vector<16xi32>,
        %swap3A_616 = arith.index_cast %add3A_610 : i32 to index
        %swap3A_617 = tpu.vector_load %arg19[%swap3A_616] {strides = array<i32>} : memref<18432xf32, #tpu.memory_space<vmem>>, vector<16xf32>,
        %swap3A_618 = vector.shape_cast %swap3A_617 : vector<16xf32> to vector<16xf32>
        %swap3A_619 = vector.shape_cast %mul3A_505 : vector<16xf32> to vector<16xf32>
        tpu.vector_store %arg19[%swap3A_616], %swap3A_619 {strides = array<i32>} : memref<18432xf32, #tpu.memory_space<vmem>>, vector<16xf32>,
        %add3A_620 = arith.constant 10240 : i32
        %add3A_621 = arith.addi %add3A_620, %mul3A_481 : i32
        %add3A_622 = arith.addi %add3A_549, %add3A_561 : vector<16xi32>
        %swap3A_623 = arith.index_cast %add3A_621 : i32 to index
        %swap3A_624 = tpu.vector_load %arg17[%swap3A_623] {strides = array<i32>} : memref<18432xi32, #tpu.memory_space<vmem>>, vector<16xi32>,
        %swap3A_625 = vector.shape_cast %swap3A_624 : vector<16xi32> to vector<16xi32>
        %swap3A_626 = vector.shape_cast %add3A_622 : vector<16xi32> to vector<16xi32>
        tpu.vector_store %arg17[%swap3A_623], %swap3A_626 {strides = array<i32>} : memref<18432xi32, #tpu.memory_space<vmem>>, vector<16xi32>,
        %mul3A_627 = arith.mulf %mul3A_505, %sub3A_535 : vector<16xf32>
        %swap3A_628 = arith.index_cast %add3A_621 : i32 to index
        %swap3A_629 = tpu.vector_load %arg19[%swap3A_628] {strides = array<i32>} : memref<18432xf32, #tpu.memory_space<vmem>>, vector<16xf32>,
        %swap3A_630 = vector.shape_cast %swap3A_629 : vector<16xf32> to vector<16xf32>
        %swap3A_631 = vector.shape_cast %mul3A_627 : vector<16xf32> to vector<16xf32>
        tpu.vector_store %arg19[%swap3A_628], %swap3A_631 {strides = array<i32>} : memref<18432xf32, #tpu.memory_space<vmem>>, vector<16xf32>,
        %add3A_632 = arith.constant 12288 : i32
        %add3A_633 = arith.addi %add3A_632, %mul3A_481 : i32
        %add3A_634 = arith.addi %add3A_552, %add3A_555 : vector<16xi32>
        %swap3A_635 = arith.index_cast %add3A_633 : i32 to index
        %swap3A_636 = tpu.vector_load %arg17[%swap3A_635] {strides = array<i32>} : memref<18432xi32, #tpu.memory_space<vmem>>, vector<16xi32>,
        %swap3A_637 = vector.shape_cast %swap3A_636 : vector<16xi32> to vector<16xi32>
        %swap3A_638 = vector.shape_cast %add3A_634 : vector<16xi32> to vector<16xi32>
        tpu.vector_store %arg17[%swap3A_635], %swap3A_638 {strides = array<i32>} : memref<18432xi32, #tpu.memory_space<vmem>>, vector<16xi32>,
        %mul3A_639 = arith.mulf %mul3A_536, %sub3A_540 : vector<16xf32>
        %swap3A_640 = arith.index_cast %add3A_633 : i32 to index
        %swap3A_641 = tpu.vector_load %arg19[%swap3A_640] {strides = array<i32>} : memref<18432xf32, #tpu.memory_space<vmem>>, vector<16xf32>,
        %swap3A_642 = vector.shape_cast %swap3A_641 : vector<16xf32> to vector<16xf32>
        %swap3A_643 = vector.shape_cast %mul3A_639 : vector<16xf32> to vector<16xf32>
        tpu.vector_store %arg19[%swap3A_640], %swap3A_643 {strides = array<i32>} : memref<18432xf32, #tpu.memory_space<vmem>>, vector<16xf32>,
        %add3A_644 = arith.constant 14336 : i32
        %add3A_645 = arith.addi %add3A_644, %mul3A_481 : i32
        %add3A_646 = arith.addi %add3A_552, %add3A_558 : vector<16xi32>
        %swap3A_647 = arith.index_cast %add3A_645 : i32 to index
        %swap3A_648 = tpu.vector_load %arg17[%swap3A_647] {strides = array<i32>} : memref<18432xi32, #tpu.memory_space<vmem>>, vector<16xi32>,
        %swap3A_649 = vector.shape_cast %swap3A_648 : vector<16xi32> to vector<16xi32>
        %swap3A_650 = vector.shape_cast %add3A_646 : vector<16xi32> to vector<16xi32>
        tpu.vector_store %arg17[%swap3A_647], %swap3A_650 {strides = array<i32>} : memref<18432xi32, #tpu.memory_space<vmem>>, vector<16xi32>,
        %swap3A_651 = arith.index_cast %add3A_645 : i32 to index
        %swap3A_652 = tpu.vector_load %arg19[%swap3A_651] {strides = array<i32>} : memref<18432xf32, #tpu.memory_space<vmem>>, vector<16xf32>,
        %swap3A_653 = vector.shape_cast %swap3A_652 : vector<16xf32> to vector<16xf32>
        %swap3A_654 = vector.shape_cast %mul3A_536 : vector<16xf32> to vector<16xf32>
        tpu.vector_store %arg19[%swap3A_651], %swap3A_654 {strides = array<i32>} : memref<18432xf32, #tpu.memory_space<vmem>>, vector<16xf32>,
        %add3A_655 = arith.constant 16384 : i32
        %add3A_656 = arith.addi %add3A_655, %mul3A_481 : i32
        %add3A_657 = arith.addi %add3A_552, %add3A_561 : vector<16xi32>
        %swap3A_658 = arith.index_cast %add3A_656 : i32 to index
        %swap3A_659 = tpu.vector_load %arg17[%swap3A_658] {strides = array<i32>} : memref<18432xi32, #tpu.memory_space<vmem>>, vector<16xi32>,
        %swap3A_660 = vector.shape_cast %swap3A_659 : vector<16xi32> to vector<16xi32>
        %swap3A_661 = vector.shape_cast %add3A_657 : vector<16xi32> to vector<16xi32>
        tpu.vector_store %arg17[%swap3A_658], %swap3A_661 {strides = array<i32>} : memref<18432xi32, #tpu.memory_space<vmem>>, vector<16xi32>,
        %mul3A_662 = arith.mulf %mul3A_536, %sub3A_535 : vector<16xf32>
        %swap3A_663 = arith.index_cast %add3A_656 : i32 to index
        %swap3A_664 = tpu.vector_load %arg19[%swap3A_663] {strides = array<i32>} : memref<18432xf32, #tpu.memory_space<vmem>>, vector<16xf32>,
        %swap3A_665 = vector.shape_cast %swap3A_664 : vector<16xf32> to vector<16xf32>
        %swap3A_666 = vector.shape_cast %mul3A_662 : vector<16xf32> to vector<16xf32>
        tpu.vector_store %arg19[%swap3A_663], %swap3A_666 {strides = array<i32>} : memref<18432xf32, #tpu.memory_space<vmem>>, vector<16xf32>,
        %scan3A_667 = arith.constant 3 : i32
        %scan3A_668 = arith.addi %scan3A_106, %scan3A_667 : i32
        %mul3A_669 = arith.constant 16 : i32
        %mul3A_670 = arith.muli %scan3A_668, %mul3A_669 : i32
        %get3A_671 = arith.index_cast %mul3A_670 : i32 to index
        %get3A_672 = tpu.vector_load %arg9[%get3A_671] {strides = array<i32>} : memref<2048xf32, #tpu.memory_space<vmem>>, vector<16xf32>,
        %get3A_673 = vector.shape_cast %get3A_672 : vector<16xf32> to vector<16xf32>
        %get3A_674 = arith.index_cast %mul3A_670 : i32 to index
        %get3A_675 = tpu.vector_load %arg11[%get3A_674] {strides = array<i32>} : memref<2048xf32, #tpu.memory_space<vmem>>, vector<16xf32>,
        %get3A_676 = vector.shape_cast %get3A_675 : vector<16xf32> to vector<16xf32>
        %get3A_677 = arith.index_cast %mul3A_670 : i32 to index
        %get3A_678 = tpu.vector_load %arg13[%get3A_677] {strides = array<i32>} : memref<2048xf32, #tpu.memory_space<vmem>>, vector<16xf32>,
        %get3A_679 = vector.shape_cast %get3A_678 : vector<16xf32> to vector<16xf32>
        %get3A_680 = arith.index_cast %mul3A_670 : i32 to index
        %get3A_681 = tpu.vector_load %arg15[%get3A_680] {strides = array<i32>} : memref<2048xf32, #tpu.memory_space<vmem>>, vector<16xf32>,
        %get3A_682 = vector.shape_cast %get3A_681 : vector<16xf32> to vector<16xf32>
        %mul3A_683 = arith.constant 5.000000e-01 : f32
        %mul3A_684 = vector.broadcast %mul3A_683 : f32 to vector<16xf32>
        %mul3A_685 = arith.mulf %mul3A_684, %get3A_679 : vector<16xf32>
        %add3A_686 = arith.addf %get3A_673, %mul3A_685 : vector<16xf32>
        %mul3A_687 = arith.constant 5.000000e-01 : f32
        %mul3A_688 = vector.broadcast %mul3A_687 : f32 to vector<16xf32>
        %mul3A_689 = arith.mulf %mul3A_688, %get3A_682 : vector<16xf32>
        %add3A_690 = arith.addf %get3A_676, %mul3A_689 : vector<16xf32>
        %mul3A_691 = arith.mulf %get3A_679, %get3A_682 : vector<16xf32>
        %mul3A_692 = arith.constant 2.500000e-01 : f32
        %mul3A_693 = vector.broadcast %mul3A_692 : f32 to vector<16xf32>
        %mul3A_694 = arith.mulf %mul3A_691, %mul3A_693 : vector<16xf32>
        %sub3A_695 = arith.constant 0.001953125 : f32
        %sub3A_696 = vector.broadcast %sub3A_695 : f32 to vector<16xf32>
        %sub3A_697 = arith.subf %add3A_686, %sub3A_696 : vector<16xf32>
        %mul3A_698 = arith.constant 5.120000e+02 : f32
        %mul3A_699 = vector.broadcast %mul3A_698 : f32 to vector<16xf32>
        %mul3A_700 = arith.mulf %sub3A_697, %mul3A_699 : vector<16xf32>
        %sub3A_701 = arith.constant 0.001953125 : f32
        %sub3A_702 = vector.broadcast %sub3A_701 : f32 to vector<16xf32>
        %sub3A_703 = arith.subf %add3A_690, %sub3A_702 : vector<16xf32>
        %mul3A_704 = arith.constant 5.120000e+02 : f32
        %mul3A_705 = vector.broadcast %mul3A_704 : f32 to vector<16xf32>
        %mul3A_706 = arith.mulf %sub3A_703, %mul3A_705 : vector<16xf32>
        %convert_element_type3A_707 = arith.fptosi %mul3A_700 : vector<16xf32> to vector<16xi32>
        %convert_element_type3A_708 = arith.fptosi %mul3A_706 : vector<16xf32> to vector<16xi32>
        %convert_element_type3A_709 = arith.sitofp %convert_element_type3A_707 : vector<16xi32> to vector<16xf32>
        %gt3A_710 = arith.cmpf ogt, %convert_element_type3A_709, %mul3A_700 : vector<16xf32>
        %sub3A_711 = arith.constant 1 : i32
        %sub3A_712 = vector.broadcast %sub3A_711 : i32 to vector<16xi32>
        %sub3A_713 = arith.subi %convert_element_type3A_707, %sub3A_712 : vector<16xi32>
        %select_n3A_714 = arith.select %gt3A_710, %sub3A_713, %convert_element_type3A_707 : vector<16xi1>, vector<16xi32>
        %convert_element_type3A_715 = arith.sitofp %convert_element_type3A_708 : vector<16xi32> to vector<16xf32>
        %gt3A_716 = arith.cmpf ogt, %convert_element_type3A_715, %mul3A_706 : vector<16xf32>
        %sub3A_717 = arith.constant 1 : i32
        %sub3A_718 = vector.broadcast %sub3A_717 : i32 to vector<16xi32>
        %sub3A_719 = arith.subi %convert_element_type3A_708, %sub3A_718 : vector<16xi32>
        %select_n3A_720 = arith.select %gt3A_716, %sub3A_719, %convert_element_type3A_708 : vector<16xi1>, vector<16xi32>
        %convert_element_type3A_721 = arith.sitofp %select_n3A_714 : vector<16xi32> to vector<16xf32>
        %sub3A_722 = arith.subf %mul3A_700, %convert_element_type3A_721 : vector<16xf32>
        %convert_element_type3A_723 = arith.sitofp %select_n3A_720 : vector<16xi32> to vector<16xf32>
        %sub3A_724 = arith.subf %mul3A_706, %convert_element_type3A_723 : vector<16xf32>
        %mul3A_725 = arith.mulf %mul3A_694, %sub3A_722 : vector<16xf32>
        %sub3A_726 = arith.subf %mul3A_694, %mul3A_725 : vector<16xf32>
        %sub3A_727 = arith.constant 1.000000e+00 : f32
        %sub3A_728 = vector.broadcast %sub3A_727 : f32 to vector<16xf32>
        %sub3A_729 = arith.subf %sub3A_728, %sub3A_724 : vector<16xf32>
        %add3A_730 = arith.constant 1 : i32
        %add3A_731 = vector.broadcast %add3A_730 : i32 to vector<16xi32>
        %add3A_732 = arith.addi %select_n3A_714, %add3A_731 : vector<16xi32>
        %mul3A_733 = arith.constant 516 : i32
        %mul3A_734 = vector.broadcast %mul3A_733 : i32 to vector<16xi32>
        %mul3A_735 = arith.muli %add3A_732, %mul3A_734 : vector<16xi32>
        %add3A_736 = arith.constant 516 : i32
        %add3A_737 = vector.broadcast %add3A_736 : i32 to vector<16xi32>
        %add3A_738 = arith.addi %mul3A_735, %add3A_737 : vector<16xi32>
        %add3A_739 = arith.constant 1032 : i32
        %add3A_740 = vector.broadcast %add3A_739 : i32 to vector<16xi32>
        %add3A_741 = arith.addi %mul3A_735, %add3A_740 : vector<16xi32>
        %add3A_742 = arith.constant 1 : i32
        %add3A_743 = vector.broadcast %add3A_742 : i32 to vector<16xi32>
        %add3A_744 = arith.addi %select_n3A_720, %add3A_743 : vector<16xi32>
        %add3A_745 = arith.constant 1 : i32
        %add3A_746 = vector.broadcast %add3A_745 : i32 to vector<16xi32>
        %add3A_747 = arith.addi %add3A_744, %add3A_746 : vector<16xi32>
        %add3A_748 = arith.constant 2 : i32
        %add3A_749 = vector.broadcast %add3A_748 : i32 to vector<16xi32>
        %add3A_750 = arith.addi %add3A_744, %add3A_749 : vector<16xi32>
        %add3A_751 = arith.constant 0 : i32
        %add3A_752 = arith.addi %add3A_751, %mul3A_670 : i32
        %add3A_753 = arith.addi %mul3A_735, %add3A_744 : vector<16xi32>
        %swap3A_754 = arith.index_cast %add3A_752 : i32 to index
        %swap3A_755 = tpu.vector_load %arg17[%swap3A_754] {strides = array<i32>} : memref<18432xi32, #tpu.memory_space<vmem>>, vector<16xi32>,
        %swap3A_756 = vector.shape_cast %swap3A_755 : vector<16xi32> to vector<16xi32>
        %swap3A_757 = vector.shape_cast %add3A_753 : vector<16xi32> to vector<16xi32>
        tpu.vector_store %arg17[%swap3A_754], %swap3A_757 {strides = array<i32>} : memref<18432xi32, #tpu.memory_space<vmem>>, vector<16xi32>,
        %mul3A_758 = arith.mulf %sub3A_726, %sub3A_729 : vector<16xf32>
        %swap3A_759 = arith.index_cast %add3A_752 : i32 to index
        %swap3A_760 = tpu.vector_load %arg19[%swap3A_759] {strides = array<i32>} : memref<18432xf32, #tpu.memory_space<vmem>>, vector<16xf32>,
        %swap3A_761 = vector.shape_cast %swap3A_760 : vector<16xf32> to vector<16xf32>
        %swap3A_762 = vector.shape_cast %mul3A_758 : vector<16xf32> to vector<16xf32>
        tpu.vector_store %arg19[%swap3A_759], %swap3A_762 {strides = array<i32>} : memref<18432xf32, #tpu.memory_space<vmem>>, vector<16xf32>,
        %add3A_763 = arith.constant 2048 : i32
        %add3A_764 = arith.addi %add3A_763, %mul3A_670 : i32
        %add3A_765 = arith.addi %mul3A_735, %add3A_747 : vector<16xi32>
        %swap3A_766 = arith.index_cast %add3A_764 : i32 to index
        %swap3A_767 = tpu.vector_load %arg17[%swap3A_766] {strides = array<i32>} : memref<18432xi32, #tpu.memory_space<vmem>>, vector<16xi32>,
        %swap3A_768 = vector.shape_cast %swap3A_767 : vector<16xi32> to vector<16xi32>
        %swap3A_769 = vector.shape_cast %add3A_765 : vector<16xi32> to vector<16xi32>
        tpu.vector_store %arg17[%swap3A_766], %swap3A_769 {strides = array<i32>} : memref<18432xi32, #tpu.memory_space<vmem>>, vector<16xi32>,
        %swap3A_770 = arith.index_cast %add3A_764 : i32 to index
        %swap3A_771 = tpu.vector_load %arg19[%swap3A_770] {strides = array<i32>} : memref<18432xf32, #tpu.memory_space<vmem>>, vector<16xf32>,
        %swap3A_772 = vector.shape_cast %swap3A_771 : vector<16xf32> to vector<16xf32>
        %swap3A_773 = vector.shape_cast %sub3A_726 : vector<16xf32> to vector<16xf32>
        tpu.vector_store %arg19[%swap3A_770], %swap3A_773 {strides = array<i32>} : memref<18432xf32, #tpu.memory_space<vmem>>, vector<16xf32>,
        %add3A_774 = arith.constant 4096 : i32
        %add3A_775 = arith.addi %add3A_774, %mul3A_670 : i32
        %add3A_776 = arith.addi %mul3A_735, %add3A_750 : vector<16xi32>
        %swap3A_777 = arith.index_cast %add3A_775 : i32 to index
        %swap3A_778 = tpu.vector_load %arg17[%swap3A_777] {strides = array<i32>} : memref<18432xi32, #tpu.memory_space<vmem>>, vector<16xi32>,
        %swap3A_779 = vector.shape_cast %swap3A_778 : vector<16xi32> to vector<16xi32>
        %swap3A_780 = vector.shape_cast %add3A_776 : vector<16xi32> to vector<16xi32>
        tpu.vector_store %arg17[%swap3A_777], %swap3A_780 {strides = array<i32>} : memref<18432xi32, #tpu.memory_space<vmem>>, vector<16xi32>,
        %mul3A_781 = arith.mulf %sub3A_726, %sub3A_724 : vector<16xf32>
        %swap3A_782 = arith.index_cast %add3A_775 : i32 to index
        %swap3A_783 = tpu.vector_load %arg19[%swap3A_782] {strides = array<i32>} : memref<18432xf32, #tpu.memory_space<vmem>>, vector<16xf32>,
        %swap3A_784 = vector.shape_cast %swap3A_783 : vector<16xf32> to vector<16xf32>
        %swap3A_785 = vector.shape_cast %mul3A_781 : vector<16xf32> to vector<16xf32>
        tpu.vector_store %arg19[%swap3A_782], %swap3A_785 {strides = array<i32>} : memref<18432xf32, #tpu.memory_space<vmem>>, vector<16xf32>,
        %add3A_786 = arith.constant 6144 : i32
        %add3A_787 = arith.addi %add3A_786, %mul3A_670 : i32
        %add3A_788 = arith.addi %add3A_738, %add3A_744 : vector<16xi32>
        %swap3A_789 = arith.index_cast %add3A_787 : i32 to index
        %swap3A_790 = tpu.vector_load %arg17[%swap3A_789] {strides = array<i32>} : memref<18432xi32, #tpu.memory_space<vmem>>, vector<16xi32>,
        %swap3A_791 = vector.shape_cast %swap3A_790 : vector<16xi32> to vector<16xi32>
        %swap3A_792 = vector.shape_cast %add3A_788 : vector<16xi32> to vector<16xi32>
        tpu.vector_store %arg17[%swap3A_789], %swap3A_792 {strides = array<i32>} : memref<18432xi32, #tpu.memory_space<vmem>>, vector<16xi32>,
        %mul3A_793 = arith.mulf %mul3A_694, %sub3A_729 : vector<16xf32>
        %swap3A_794 = arith.index_cast %add3A_787 : i32 to index
        %swap3A_795 = tpu.vector_load %arg19[%swap3A_794] {strides = array<i32>} : memref<18432xf32, #tpu.memory_space<vmem>>, vector<16xf32>,
        %swap3A_796 = vector.shape_cast %swap3A_795 : vector<16xf32> to vector<16xf32>
        %swap3A_797 = vector.shape_cast %mul3A_793 : vector<16xf32> to vector<16xf32>
        tpu.vector_store %arg19[%swap3A_794], %swap3A_797 {strides = array<i32>} : memref<18432xf32, #tpu.memory_space<vmem>>, vector<16xf32>,
        %add3A_798 = arith.constant 8192 : i32
        %add3A_799 = arith.addi %add3A_798, %mul3A_670 : i32
        %add3A_800 = arith.addi %add3A_738, %add3A_747 : vector<16xi32>
        %swap3A_801 = arith.index_cast %add3A_799 : i32 to index
        %swap3A_802 = tpu.vector_load %arg17[%swap3A_801] {strides = array<i32>} : memref<18432xi32, #tpu.memory_space<vmem>>, vector<16xi32>,
        %swap3A_803 = vector.shape_cast %swap3A_802 : vector<16xi32> to vector<16xi32>
        %swap3A_804 = vector.shape_cast %add3A_800 : vector<16xi32> to vector<16xi32>
        tpu.vector_store %arg17[%swap3A_801], %swap3A_804 {strides = array<i32>} : memref<18432xi32, #tpu.memory_space<vmem>>, vector<16xi32>,
        %swap3A_805 = arith.index_cast %add3A_799 : i32 to index
        %swap3A_806 = tpu.vector_load %arg19[%swap3A_805] {strides = array<i32>} : memref<18432xf32, #tpu.memory_space<vmem>>, vector<16xf32>,
        %swap3A_807 = vector.shape_cast %swap3A_806 : vector<16xf32> to vector<16xf32>
        %swap3A_808 = vector.shape_cast %mul3A_694 : vector<16xf32> to vector<16xf32>
        tpu.vector_store %arg19[%swap3A_805], %swap3A_808 {strides = array<i32>} : memref<18432xf32, #tpu.memory_space<vmem>>, vector<16xf32>,
        %add3A_809 = arith.constant 10240 : i32
        %add3A_810 = arith.addi %add3A_809, %mul3A_670 : i32
        %add3A_811 = arith.addi %add3A_738, %add3A_750 : vector<16xi32>
        %swap3A_812 = arith.index_cast %add3A_810 : i32 to index
        %swap3A_813 = tpu.vector_load %arg17[%swap3A_812] {strides = array<i32>} : memref<18432xi32, #tpu.memory_space<vmem>>, vector<16xi32>,
        %swap3A_814 = vector.shape_cast %swap3A_813 : vector<16xi32> to vector<16xi32>
        %swap3A_815 = vector.shape_cast %add3A_811 : vector<16xi32> to vector<16xi32>
        tpu.vector_store %arg17[%swap3A_812], %swap3A_815 {strides = array<i32>} : memref<18432xi32, #tpu.memory_space<vmem>>, vector<16xi32>,
        %mul3A_816 = arith.mulf %mul3A_694, %sub3A_724 : vector<16xf32>
        %swap3A_817 = arith.index_cast %add3A_810 : i32 to index
        %swap3A_818 = tpu.vector_load %arg19[%swap3A_817] {strides = array<i32>} : memref<18432xf32, #tpu.memory_space<vmem>>, vector<16xf32>,
        %swap3A_819 = vector.shape_cast %swap3A_818 : vector<16xf32> to vector<16xf32>
        %swap3A_820 = vector.shape_cast %mul3A_816 : vector<16xf32> to vector<16xf32>
        tpu.vector_store %arg19[%swap3A_817], %swap3A_820 {strides = array<i32>} : memref<18432xf32, #tpu.memory_space<vmem>>, vector<16xf32>,
        %add3A_821 = arith.constant 12288 : i32
        %add3A_822 = arith.addi %add3A_821, %mul3A_670 : i32
        %add3A_823 = arith.addi %add3A_741, %add3A_744 : vector<16xi32>
        %swap3A_824 = arith.index_cast %add3A_822 : i32 to index
        %swap3A_825 = tpu.vector_load %arg17[%swap3A_824] {strides = array<i32>} : memref<18432xi32, #tpu.memory_space<vmem>>, vector<16xi32>,
        %swap3A_826 = vector.shape_cast %swap3A_825 : vector<16xi32> to vector<16xi32>
        %swap3A_827 = vector.shape_cast %add3A_823 : vector<16xi32> to vector<16xi32>
        tpu.vector_store %arg17[%swap3A_824], %swap3A_827 {strides = array<i32>} : memref<18432xi32, #tpu.memory_space<vmem>>, vector<16xi32>,
        %mul3A_828 = arith.mulf %mul3A_725, %sub3A_729 : vector<16xf32>
        %swap3A_829 = arith.index_cast %add3A_822 : i32 to index
        %swap3A_830 = tpu.vector_load %arg19[%swap3A_829] {strides = array<i32>} : memref<18432xf32, #tpu.memory_space<vmem>>, vector<16xf32>,
        %swap3A_831 = vector.shape_cast %swap3A_830 : vector<16xf32> to vector<16xf32>
        %swap3A_832 = vector.shape_cast %mul3A_828 : vector<16xf32> to vector<16xf32>
        tpu.vector_store %arg19[%swap3A_829], %swap3A_832 {strides = array<i32>} : memref<18432xf32, #tpu.memory_space<vmem>>, vector<16xf32>,
        %add3A_833 = arith.constant 14336 : i32
        %add3A_834 = arith.addi %add3A_833, %mul3A_670 : i32
        %add3A_835 = arith.addi %add3A_741, %add3A_747 : vector<16xi32>
        %swap3A_836 = arith.index_cast %add3A_834 : i32 to index
        %swap3A_837 = tpu.vector_load %arg17[%swap3A_836] {strides = array<i32>} : memref<18432xi32, #tpu.memory_space<vmem>>, vector<16xi32>,
        %swap3A_838 = vector.shape_cast %swap3A_837 : vector<16xi32> to vector<16xi32>
        %swap3A_839 = vector.shape_cast %add3A_835 : vector<16xi32> to vector<16xi32>
        tpu.vector_store %arg17[%swap3A_836], %swap3A_839 {strides = array<i32>} : memref<18432xi32, #tpu.memory_space<vmem>>, vector<16xi32>,
        %swap3A_840 = arith.index_cast %add3A_834 : i32 to index
        %swap3A_841 = tpu.vector_load %arg19[%swap3A_840] {strides = array<i32>} : memref<18432xf32, #tpu.memory_space<vmem>>, vector<16xf32>,
        %swap3A_842 = vector.shape_cast %swap3A_841 : vector<16xf32> to vector<16xf32>
        %swap3A_843 = vector.shape_cast %mul3A_725 : vector<16xf32> to vector<16xf32>
        tpu.vector_store %arg19[%swap3A_840], %swap3A_843 {strides = array<i32>} : memref<18432xf32, #tpu.memory_space<vmem>>, vector<16xf32>,
        %add3A_844 = arith.constant 16384 : i32
        %add3A_845 = arith.addi %add3A_844, %mul3A_670 : i32
        %add3A_846 = arith.addi %add3A_741, %add3A_750 : vector<16xi32>
        %swap3A_847 = arith.index_cast %add3A_845 : i32 to index
        %swap3A_848 = tpu.vector_load %arg17[%swap3A_847] {strides = array<i32>} : memref<18432xi32, #tpu.memory_space<vmem>>, vector<16xi32>,
        %swap3A_849 = vector.shape_cast %swap3A_848 : vector<16xi32> to vector<16xi32>
        %swap3A_850 = vector.shape_cast %add3A_846 : vector<16xi32> to vector<16xi32>
        tpu.vector_store %arg17[%swap3A_847], %swap3A_850 {strides = array<i32>} : memref<18432xi32, #tpu.memory_space<vmem>>, vector<16xi32>,
        %mul3A_851 = arith.mulf %mul3A_725, %sub3A_724 : vector<16xf32>
        %swap3A_852 = arith.index_cast %add3A_845 : i32 to index
        %swap3A_853 = tpu.vector_load %arg19[%swap3A_852] {strides = array<i32>} : memref<18432xf32, #tpu.memory_space<vmem>>, vector<16xf32>,
        %swap3A_854 = vector.shape_cast %swap3A_853 : vector<16xf32> to vector<16xf32>
        %swap3A_855 = vector.shape_cast %mul3A_851 : vector<16xf32> to vector<16xf32>
        tpu.vector_store %arg19[%swap3A_852], %swap3A_855 {strides = array<i32>} : memref<18432xf32, #tpu.memory_space<vmem>>, vector<16xf32>,
      }
      %scan3A_103 = arith.constant 128 : i32
      %dma_start3A_104 = arith.constant 0 : i32
      %dma_start3A_105 = tpu.memref_slice %arg20[%dma_start3A_104] : memref<294912xf32, #tpu.memory_space<vmem_shared>> -> memref<294912xf32, #tpu.memory_space<vmem_shared>>
      tpu.enqueue_indirect_dma source(%arg19 : memref<18432xf32, #tpu.memory_space<vmem>>) target(%dma_start3A_105 : memref<294912xf32, #tpu.memory_space<vmem_shared>>) offsets(%arg17 : memref<18432xi32, #tpu.memory_space<vmem>>) semaphore(%arg24 : memref<!tpu.dma_semaphore, #tpu.memory_space<semaphore_mem>>) {add = true}
    }
    %scan3A_20 = arith.constant 8 : i32
    %dma_wait3A = arith.constant 0 : i32
    %dma_wait3A_21 = tpu.memref_slice %arg20[%dma_wait3A] : memref<294912xf32, #tpu.memory_space<vmem_shared>> -> memref<294912xf32, #tpu.memory_space<vmem_shared>>
    tpu.wait_indirect_dma semaphore(%arg23 : memref<!tpu.dma_semaphore, #tpu.memory_space<semaphore_mem>>) src(%arg18 : memref<18432xf32, #tpu.memory_space<vmem>>) dst(%dma_wait3A_21 : memref<294912xf32, #tpu.memory_space<vmem_shared>>)
    %dma_wait3A_22 = arith.constant 0 : i32
    %dma_wait3A_23 = tpu.memref_slice %arg20[%dma_wait3A_22] : memref<294912xf32, #tpu.memory_space<vmem_shared>> -> memref<294912xf32, #tpu.memory_space<vmem_shared>>
    tpu.wait_indirect_dma semaphore(%arg24 : memref<!tpu.dma_semaphore, #tpu.memory_space<semaphore_mem>>) src(%arg19 : memref<18432xf32, #tpu.memory_space<vmem>>) dst(%dma_wait3A_23 : memref<294912xf32, #tpu.memory_space<vmem_shared>>)
    %barrier3A_24 = arith.constant 0 : index
    tpu.barrier barrier_id(%barrier3A_24)
    %eq3A = arith.constant 0 : i32
    %eq3A_25 = arith.cmpi eq, %arg1, %eq3A : i32
    %convert_element_type3A = arith.extui %eq3A_25 : i1 to i32
    %cond3A = arith.constant 0 : i32
    %cond3A_26 = arith.cmpi ne, %convert_element_type3A, %cond3A : i32
    scf.if %cond3A_26 {
      "tpu.region"() ({
        %run_scoped3A = tpu.sem_alloc : memref<!tpu.dma_semaphore, #tpu.memory_space<semaphore_mem>>
        %dma_start3A_27 = arith.constant 0 : i32
        %dma_start3A_28 = tpu.memref_slice %arg7[%arg0, %dma_start3A_27] : memref<2x294912xf32, #tpu.memory_space<hbm>> -> memref<1x294912xf32, #tpu.memory_space<hbm>>
        %dma_start3A_29 = tpu.memref_squeeze %dma_start3A_28 : memref<1x294912xf32, #tpu.memory_space<hbm>> -> memref<294912xf32, #tpu.memory_space<hbm>>
        tpu.enqueue_dma source(%arg20 : memref<294912xf32, #tpu.memory_space<vmem_shared>>) target(%dma_start3A_29 : memref<294912xf32, #tpu.memory_space<hbm>>) target_semaphore(%run_scoped3A : memref<!tpu.dma_semaphore, #tpu.memory_space<semaphore_mem>>)
        %dma_wait3A_30 = arith.constant 0 : i32
        %dma_wait3A_31 = tpu.memref_slice %arg7[%arg0, %dma_wait3A_30] : memref<2x294912xf32, #tpu.memory_space<hbm>> -> memref<1x294912xf32, #tpu.memory_space<hbm>>
        %dma_wait3A_32 = tpu.memref_squeeze %dma_wait3A_31 : memref<1x294912xf32, #tpu.memory_space<hbm>> -> memref<294912xf32, #tpu.memory_space<hbm>>
        tpu.wait_dma2 semaphore(%run_scoped3A : memref<!tpu.dma_semaphore, #tpu.memory_space<semaphore_mem>>) src(%arg20 : memref<294912xf32, #tpu.memory_space<vmem_shared>>) dst(%dma_wait3A_32 : memref<294912xf32, #tpu.memory_space<hbm>>)
        tpu.yield
      }) : () -> ()
    } else {
    }
    return
  }
}

module attributes {stable_mosaic.version = 14 : i64} {
  func.func @_reduce_body(%arg0: memref<2x516x516xf32, #tpu.memory_space<vmem>>, %arg1: memref<512x512xf32, #tpu.memory_space<vmem>>, %arg2: memref<1x1xf32, #tpu.memory_space<vmem>>, %arg3: memref<1x1xf32, #tpu.memory_space<vmem>>) attributes {dimension_semantics = [], scalar_prefetch = 0 : i64, scratch_operands = 0 : i64, tpu.core_type = #tpu.core_type<tc>} {
    %get3A = arith.constant 0 : index
    %get3A_0 = arith.constant 1 : index
    %get3A_1 = arith.constant 1 : index
    %get3A_2 = vector.load %arg0[%get3A, %get3A_0, %get3A_1] : memref<2x516x516xf32, #tpu.memory_space<vmem>>, vector<1x512x512xf32>
    %get3A_3 = vector.shape_cast %get3A_2 : vector<1x512x512xf32> to vector<512x512xf32>
    %get3A_4 = arith.constant 1 : index
    %get3A_5 = arith.constant 1 : index
    %get3A_6 = arith.constant 1 : index
    %get3A_7 = vector.load %arg0[%get3A_4, %get3A_5, %get3A_6] : memref<2x516x516xf32, #tpu.memory_space<vmem>>, vector<1x512x512xf32>
    %get3A_8 = vector.shape_cast %get3A_7 : vector<1x512x512xf32> to vector<512x512xf32>
    %add3A = arith.addf %get3A_3, %get3A_8 : vector<512x512xf32>
    %get3A_9 = arith.constant 0 : index
    %get3A_10 = arith.constant 0 : index
    %get3A_11 = vector.load %arg1[%get3A_9, %get3A_10] : memref<512x512xf32, #tpu.memory_space<vmem>>, vector<512x512xf32>
    %add3A_12 = arith.addf %add3A, %get3A_11 : vector<512x512xf32>
    %sub3A = arith.constant 3.05175786E-6 : f32
    %sub3A_13 = vector.broadcast %sub3A : f32 to vector<512x512xf32>
    %sub3A_14 = arith.subf %add3A_12, %sub3A_13 : vector<512x512xf32>
    %max3A = arith.constant 0.000000e+00 : f32
    %max3A_15 = vector.broadcast %max3A : f32 to vector<512x512xf32>
    %max3A_16 = arith.maximumf %sub3A_14, %max3A_15 : vector<512x512xf32>
    %reduce_sum3A = vector.shape_cast %max3A_16 : vector<512x512xf32> to vector<1x512x512xf32>
    %reduce_sum3A_17 = arith.constant dense<0.000000e+00> : vector<1xf32>
    %reduce_sum3A_18 = vector.multi_reduction <add>, %reduce_sum3A, %reduce_sum3A_17 [1, 2] : vector<1x512x512xf32> to vector<1xf32>
    %reduce_sum3A_19 = vector.shape_cast %reduce_sum3A_18 : vector<1xf32> to vector<1x1x1xf32>
    %reduce_sum3A_20 = vector.extract %reduce_sum3A_19[0, 0, 0] : f32 from vector<1x1x1xf32>
    %reshape3A = vector.broadcast %reduce_sum3A_20 : f32 to vector<1x1xf32>
    %swap3A = arith.constant 0 : index
    %swap3A_21 = arith.constant 0 : index
    %swap3A_22 = vector.load %arg2[%swap3A, %swap3A_21] : memref<1x1xf32, #tpu.memory_space<vmem>>, vector<1x1xf32>
    tpu.vector_store %arg2[%swap3A, %swap3A_21], %reshape3A {strides = array<i32>} : memref<1x1xf32, #tpu.memory_space<vmem>>, vector<1x1xf32>,
    %reduce_max3A = vector.shape_cast %add3A_12 : vector<512x512xf32> to vector<1x512x512xf32>
    %reduce_max3A_23 = arith.constant dense<0xFF800000> : vector<1xf32>
    %reduce_max3A_24 = vector.multi_reduction <maximumf>, %reduce_max3A, %reduce_max3A_23 [1, 2] : vector<1x512x512xf32> to vector<1xf32>
    %reduce_max3A_25 = vector.shape_cast %reduce_max3A_24 : vector<1xf32> to vector<1x1x1xf32>
    %reduce_max3A_26 = vector.extract %reduce_max3A_25[0, 0, 0] : f32 from vector<1x1x1xf32>
    %mul3A = arith.constant 2.621440e+05 : f32
    %mul3A_27 = arith.mulf %reduce_max3A_26, %mul3A : f32
    %reshape3A_28 = vector.broadcast %mul3A_27 : f32 to vector<1x1xf32>
    %swap3A_29 = arith.constant 0 : index
    %swap3A_30 = arith.constant 0 : index
    %swap3A_31 = vector.load %arg3[%swap3A_29, %swap3A_30] : memref<1x1xf32, #tpu.memory_space<vmem>>, vector<1x1xf32>
    tpu.vector_store %arg3[%swap3A_29, %swap3A_30], %reshape3A_28 {strides = array<i32>} : memref<1x1xf32, #tpu.memory_space<vmem>>, vector<1x1xf32>,
    return
  }
}

</mosaic_0001>

<sc_bundles>
// kernel: kernel.4.cloned.1.call-start
scs
__scs_entry_jumppad:
0x0: {  	(pc) =	sbr.rel $0x88, $3  }
0x1: {  	(tag) =	ssettag $0x0;
	lr =	simm.s32 $0x1  }
0x2: {  	[smem:$0x3F9D] =	sst lr;
	_ =	strace $0xD0000000  }
0x3: {  	_ = 	snop  }
0x4: {  	_ = 	snop  }
0x5: {  	_ = 	snop  }
0x6: {  	_ = 	snop  }
0x7: {  	_ = 	snop  }
__scs_overlays_trampoline_lowered:
0x8: {  	[smem:$0x3FAC] =	sst s0  }
0x9: {  	[smem:$0x3FAD] =	sst s1  }
0xa: {  	[smem:$0x3FAE] =	sst s2  }
0xb: {  	[smem:$0x3FAF] =	sst s3  }
0xc: {  	[smem:$0x3FB0] =	sst s4  }
0xd: {  	[smem:$0x3FB1] =	sst s5  }
0xe: {  	[smem:$0x3FB2] =	sst s6  }
0xf: {  	[smem:$0x3FB3] =	sst s7  }
0x10: {  	[smem:$0x3FB4] =	sst s8  }
0x11: {  	[smem:$0x3FB5] =	sst s9;
	s0 =	simm.s32 @!p0 $0x0  }
0x12: {  	s1 =	sld [smem:$0x3F9B];
	s0 =	simm.s32 @p0 $0x1  }
0x13: {  	[smem:$0x3FB6] =	sst s0;
	s0 =	simm.s32 @!p1 $0x0  }
0x14: {  	s2 =	sld [smem:$0x3F9A];
	s0 =	simm.s32 @p1 $0x1  }
0x15: {  	[smem:$0x3FB7] =	sst s0;
	s0 =	simm.s32 @!p2 $0x0  }
0x16: {  	s3 =	sld [smem:$0x3FDB];
	s0 =	simm.s32 @p2 $0x1  }
0x17: {  	s4 =	simm.s32 $0x1BF5;
	[smem:$0x3FB9] =	sst s0  }
0x18: {  	s0 =	sld [smem:$0x3F9C];
	_ =	swait.ge [sflag:s4], $0x0  }
0x19: {  	s7 =	sld [smem:$0x3F9D]  }
0x1a: {  	s8 =	sadd.s32 $0xFFFFE003, lr  }
0x1b: {  	s9 =	sadd.s32 $0xFFFFFEF7, lr;
	s5 =	simm.s32 $0xFFFFFFFF;
	p2 =	slt.u32 s8, $0xFFFFF086  }
0x1c: {  	p1 =	slt.u32 s9, $0xF7A;
	s5 =	simm.s32 @!p2 $0x0  }
0x1d: {  	s5 =	simm.s32 @p1 $0x1;
	p0 =	seq.s32 s7, s2  }
0x1e: {  	s7 =	smul.u32 @!p0 $0xF7A, s2;
	p2 =	seq.s32 @!p0 s5, $0x0  }
0x1f: {  	s9 =	smul.u32 $0xF7A, s1;
	s8 =	simm.s32 @!p0 $0x1BF5;
	p2 =	por !p2, p0  }
0x20: {  	[sflag:s8] =	ssyncset.s32 @!p0 $0xFFFFF086;
	s6 =	sadd.s32 @!p0 s3, s7;
	s7 =	simm.s32 @!p0 $0x108  }
0x21: {  	s3 =	sadd.s32 s3, s9;
	s6 =	sadd.s32 @!p0 $0x88, s6;
	s7 =	simm.s32 @p2 $0x1082  }
0x22: {  	[simem:s7], [sflag:s8] =	dma.local @!p0 [hbm:s6], $0xF7A  }
0x23: {  	s9 =	sor.u32 $0xD0000000, s2;
	s6 =	simm.s32 $0x108;
	_ =	swait.ge @!p0 [sflag:s8], $0x0  }
0x24: {  	s3 =	sadd.s32 $0x88, s3;
	s6 =	simm.s32 @!p1 $0x1082;
	[sflag:s4] =	ssyncset.s32 $0xFFFFF086  }
0x25: {  	[simem:s6], [sflag:s4] =	dma.local [hbm:s3], $0xF7A  }
0x26: {  	[smem:$0x3F9D] =	sst s1;
	(tag) =	ssettag s2;
	_ =	strace s9  }
0x27: {  	s1 =	sld [smem:$0x3FAD]  }
0x28: {  	s2 =	sld [smem:$0x3FAE]  }
0x29: {  	s4 =	sld [smem:$0x3FB0]  }
0x2a: {  	p0 =	seq.s32 s5, $0x0;
	s5 =	sld [smem:$0x3FB1]  }
0x2b: {  	s6 =	sld [smem:$0x3FB2]  }
0x2c: {  	s7 =	sld [smem:$0x3FB3]  }
0x2d: {  	s3 =	simm.s32 $0x108;
	s8 =	sld [smem:$0x3FB4]  }
0x2e: {  	s3 =	simm.s32 @!p0 $0x1082;
	s9 =	sld [smem:$0x3FB5]  }
0x2f: {  	lr =	sadd.s32 s0, s3;
	s0 =	sld [smem:$0x3FAC]  }
0x30: {  	s3 =	sld [smem:$0x3FAF]  }
0x31: {  	[smem:$0x3FB8] =	sst s10  }
0x32: {  	s10 =	sld [smem:$0x3FB6];
	_ =	sdelay $0x3  }
0x33: {  	p0 =	seq.s32 s10, $0x1;
	s10 =	sld [smem:$0x3FB8];
	_ =	sdelay $0x3  }
0x34: {  	[smem:$0x3FB8] =	sst s10  }
0x35: {  	s10 =	sld [smem:$0x3FB7];
	_ =	sdelay $0x3  }
0x36: {  	p1 =	seq.s32 s10, $0x1;
	s10 =	sld [smem:$0x3FB8];
	_ =	sdelay $0x3  }
0x37: {  	[smem:$0x3FB8] =	sst s10  }
0x38: {  	s10 =	sld [smem:$0x3FB9]  }
0x39: {  	_ = 	snop;
	(pc) =	sbr.ind lr, $3  }
0x3a: {  	_ = 	snop  }
0x3b: {  	_ = 	snop  }
0x3c: {  	p2 =	seq.s32 s10, $0x1;
	s10 =	sld [smem:$0x3FB8]  }
0x3d: {  	_ =	shalt  }
0x3e: {  	_ =	shalt  }
0x3f: {  	_ =	shalt  }
0x40: {  	_ =	shalt  }
0x41: {  	_ =	shalt  }
0x42: {  	_ =	shalt  }
0x43: {  	_ =	shalt  }
0x44: {  	_ =	shalt  }
0x45: {  	_ =	shalt  }
0x46: {  	_ =	shalt  }
0x47: {  	_ =	shalt  }
0x48: {  	_ =	shalt  }
0x49: {  	_ =	shalt  }
0x4a: {  	_ =	shalt  }
0x4b: {  	_ =	shalt  }
0x4c: {  	_ =	shalt  }
0x4d: {  	_ =	shalt  }
0x4e: {  	_ =	shalt  }
0x4f: {  	_ =	shalt  }
0x50: {  	_ =	shalt  }
0x51: {  	_ =	shalt  }
0x52: {  	_ =	shalt  }
0x53: {  	_ =	shalt  }
0x54: {  	_ =	shalt  }
0x55: {  	_ =	shalt  }
0x56: {  	_ =	shalt  }
0x57: {  	_ =	shalt  }
0x58: {  	_ =	shalt  }
0x59: {  	_ =	shalt  }
0x5a: {  	_ =	shalt  }
0x5b: {  	_ =	shalt  }
0x5c: {  	_ =	shalt  }
0x5d: {  	_ =	shalt  }
0x5e: {  	_ =	shalt  }
0x5f: {  	_ =	shalt  }
0x60: {  	_ =	shalt  }
0x61: {  	_ =	shalt  }
0x62: {  	_ =	shalt  }
0x63: {  	_ =	shalt  }
0x64: {  	_ =	shalt  }
0x65: {  	_ =	shalt  }
0x66: {  	_ =	shalt  }
0x67: {  	_ =	shalt  }
0x68: {  	_ =	shalt  }
0x69: {  	_ =	shalt  }
0x6a: {  	_ =	shalt  }
0x6b: {  	_ =	shalt  }
0x6c: {  	_ =	shalt  }
0x6d: {  	_ =	shalt  }
0x6e: {  	_ =	shalt  }
0x6f: {  	_ =	shalt  }
0x70: {  	_ =	shalt  }
0x71: {  	_ =	shalt  }
0x72: {  	_ =	shalt  }
0x73: {  	_ =	shalt  }
0x74: {  	_ =	shalt  }
0x75: {  	_ =	shalt  }
0x76: {  	_ =	shalt  }
0x77: {  	_ =	shalt  }
0x78: {  	_ =	shalt  }
0x79: {  	_ =	shalt  }
0x7a: {  	_ =	shalt  }
0x7b: {  	_ =	shalt  }
0x7c: {  	_ =	shalt  }
0x7d: {  	_ =	shalt  }
0x7e: {  	_ =	shalt  }
0x7f: {  	_ =	shalt  }
0x80: {  	_ =	shalt  }
0x81: {  	_ =	shalt  }
0x82: {  	_ =	shalt  }
0x83: {  	_ =	shalt  }
0x84: {  	_ =	shalt  }
0x85: {  	_ =	shalt  }
0x86: {  	_ =	shalt  }
0x87: {  	_ =	shalt  }
.Lfunc_end0:
.L_simem_size_0:
called_computation_lowered:
.L_overlay_start_0:
0x88: {  	s2 =	sld [smem:$0x3FD9]  }
0x89: {  	s3 =	sld [smem:$0x3FFE];
	_ =	sdelay $0x1  }
0x8a: {  	s1 =	srdreg.scid  }
0x8b: {  	s0 =	sand.u32 $0x1, s1  }
0x8c: {  	s16 =	sshll.u32 s0, $0xA;
	s2 =	sadd.s32 s3, s2  }
0x8d: {  	s2 =	sadd.s32 s2, s16  }
0x8e: {  	[smem:$0x3FC4] =	sst s2  }
0x8f: {  	_ = 	snop  }
0x90: {  	(tm) =	ssettm $0x1  }
0x91: {  	s17 =	sld [smem:$0x3FFB];
	_ =	sdelay $0x3  }
0x92: {  	_ =	strace s17  }
0x93: {  	s2 =	sld [smem:$0x3FFC];
	_ =	sdelay $0x3  }
0x94: {  	_ =	strace s2  }
0x95: {  	s2 =	sld [smem:$0x3FFD];
	_ =	sdelay $0x3  }
0x96: {  	_ =	strace s2  }
0x97: {  	_ =	strace $0x8FFFFFFF  }
0x98: {  	s18 =	sld [smem:$0x3FDB];
	_ =	sdelay $0x1  }
0x99: {  	s19 =	simm.s32 $_scs_section_size  }
0x9a: {  	s4 =	simm.s32 $_size__tile_overlayer_lowered;
	s5 =	simm.s32 $_tile_overlayer_lowered  }
0x9b: {  	s22 =	simm.s32 $0x1BFF;
	s21 =	sshll.u32 s5, $0x1;
	s2 =	sadd.s32 s19, s18  }
0x9c: {  	s6 =	simm.s32 $0x0;
	s20 =	sshll.u32 s4, $0x1;
	s4 =	sadd.s32 s21, s2  }
0x9d: {  	[timem:s6], [sflag:s22] =	dma.local [hbm:s4], s20  }
0x9e: {  	_ =	swait.ge [sflag:s22], s20  }
0x9f: {  	s3 =	ssub.s32 $0x0, s20;
	[sflag:s22] =	ssyncset.done $0x0  }
0xa0: {  	[sflag:s22] =	ssyncadd.s32 s3;
	_ =	sdelay $0x1  }
0xa1: {  	s23 =	simm.s32 $0x1B8B  }
0xa2: {  	_ =	swait.ge [sflag:s23], $0x1  }
0xa3: {  	[sflag:s23] =	ssyncset.done $0x0  }
0xa4: {  	s25 =	simm.s32 $0x1B8E;
	s24 =	sld [smem:$0x3FFE];
	[sflag:s23] =	ssyncadd.s32 $0xFFFFFFFF  }
0xa5: {  	s26 =	simm.s32 $execute0_lowered;
	[smem:$0x3FD2] =	sst s25  }
0xa6: {  	s4 =	sshll.u32 s26, $0x1;
	_ =	strace $0x80000046;
	[dreg:$0x1] =	wrdreg $0xFFFFFFFF  }
0xa7: {  	s28 =	simm.s32 $_size_execute0_lowered;
	s2 =	sadd.s32 s2, s4;
	[dreg:$0x0] =	wrdreg $0x0  }
0xa8: {  	s4 =	sshll.u32 s28, $0x1;
	[dreg:$0x2] =	wrdreg s2  }
0xa9: {  	[dreg:$0x3] =	wrdreg s4  }
0xaa: {  	[dreg:$0x4] =	wrdreg $0xC0  }
0xab: {  	_ =	task [dreg:s6], $0x5FFFF  }
0xac: {  	[dreg:$0x1] =	wrdreg $0xFFFFFFFF  }
0xad: {  	[dreg:$0x0] =	wrdreg $0x60  }
0xae: {  	[dreg:$0x2] =	wrdreg s24  }
0xaf: {  	[dreg:$0x3] =	wrdreg $0x160000  }
0xb0: {  	[dreg:$0x4] =	wrdreg $0x9  }
0xb1: {  	_ =	task.clear_ibuf [dreg:s6], $0x5FFFF;
	_ =	strace $0x90000046  }
0xb2: {  	s29 =	simm.s32 $0x9;
	_ =	strace $0x80000048  }
0xb3: {  	_ =	swait.ge [sflag:s29], $0x1  }
0xb4: {  	[sflag:s29] =	ssyncadd.s32 $0xFFFFFFFF  }
0xb5: {  	_ =	strace $0x90000048  }
0xb6: {  	_ =	sfence  }
0xb7: {  	s30 =	sld [smem:$0x0];
	_ =	sdelay $0x2  }
0xb8: {  	s31 =	sshll.u32 s1, $0xD;
	s1 =	sshrl.u32 s1, $0x2  }
0xb9: {  	s3 =	sand.u32 $0x4000, s31;
	s1 =	sadd.s32 s1, s30  }
0xba: {  	s0 =	sor.u32 s3, s0;
	s1 =	sshll.u32 s1, $0x11  }
0xbb: {  	s0 =	sor.u32 s1, s0  }
0xbc: {  	s0 =	sadd.s32 $0x8F2B, s0  }
0xbd: {  	[sflag:s0] =	ssyncadd.remote.s32 $0x1  }
0xbe: {  	_ =	sfence.sel $0xFFFF  }
0xbf: {  	[dreg:$0x0] =	wrdreg $0xFFFFFFFF;
	(pc) =	sbr.abs _section_cstart, $3  }
0xc0: {  	[dreg:$0x1] =	wrdreg $0xFFFFFFFF  }
0xc1: {  	_ =	task.clear_ibuf [dreg:s6], $0x2FFFF;
	_ =	strace $0x9FFFFFFF  }
0xc2: {  	(tm) =	ssettm $0x7FFFFFFF  }
0xc3: {  	_ =	shalt  }
tec
execute0_lowered:
.L_overlay_start_1:
0x0: {  	(tag) =	ssettag $0x1  }
0x1: {  	s0 =	rddreg [dreg:$0x0]  }
0x2: {  	s1 =	rddreg [dreg:$0x1]  }
0x3: {  	s2 =	simm.s32 $0x0;
	s8 =	stileid.u32;
	s7 =	srdreg.scid  }
0x4: {  	s18 =	simm.s32 $0x5;
	s28 =	simm.s32 $0x4800;
	s29 =	simm.s32 $0x4000  }
0x5: {  	s30 =	simm.s32 $0xD000;
	s31 =	simm.s32 $0x2;
	[smem:$0x7FF] =	sst s2  }
0x6: {  	s3 =	sadd.s32 $0x41400, s0;
	s4 =	sadd.s32 $0x61400, s0;
	s9 =	smul.u32 $0x4800, s8  }
0x7: {  	s5 =	sadd.s32 $0x1400, s0;
	s6 =	sadd.s32 $0x21400, s0;
	s7 =	sand.u32 $0x1, s7  }
0x8: {  	s20 =	sshll.u32 s8, $0xF;
	s22 =	sshll.u32 s8, $0x6;
	p0 =	sne.s32 s8, $0x0  }
0x9: {  	s8 =	simm.s32 $0x0;
	_ =	strace $0x80000047;
	s11 =	sshll.u32 s7, $0x4  }
0xa: {  	s12 =	ssub.s32 $0x2, s7;
	s7 =	sshll.u32 s7, $0x13;
	s10 =	sshrl.u32 s9, $0x3  }
0xb: {  	s19 =	sshrl.u32 s12, $0x1;
	s7 =	sor.u32 s20, s7;
	s21 =	sadd.s32 s9, s1  }
0xc: {  	s9 =	sor.u32 $0x1C05, s22;
	s22 =	simm.s32 $0x1;
	s10 =	sadd.s32 s10, s0  }
0xd: {  	s20 =	simm.s32 $0x3;
	s23 =	sshrl.u32 s7, $0x3;
	s10 =	sadd.s32 $0x81400, s10  }
0xe: {  	s0 =	sadd.s32 s11, s0;
	s13 =	sadd.s32 s3, s23;
	[dreg:$0x3] =	wrdreg s10  }
0xf: {  	s11 =	ssub.s32 s12, s19;
	s24 =	sadd.s32 s4, s23;
	[dreg:$0x4] =	wrdreg s13  }
0x10: {  	s14 =	sor.u32 $0x1000, s7;
	s25 =	sadd.s32 s5, s23;
	[dreg:$0x5] =	wrdreg s24  }
0x11: {  	s17 =	sshrl.u32 s21, $0x3;
	s0 =	sadd.s32 $0x8A400, s0;
	[dreg:$0x6] =	wrdreg s25  }
0x12: {  	s19 =	simm.s32 $0x11800;
	s26 =	smax.u32 s11, $0x1;
	[dreg:$0x8] =	wrdreg s0  }
0x13: {  	s21 =	simm.s32 $0x4;
	s10 =	sadd.s32 s6, s23;
	[dreg:$0x9] =	wrdreg s26  }
0x14: {  	s23 =	simm.s32 $0x800;
	s24 =	simm.s32 $0x1800;
	s25 =	simm.s32 $0x2800  }
0x15: {  	v0 =	vimm.s32 $0x0;
	s26 =	simm.s32 $0x3800;
	s0 =	simm.s32 $0x8800;
	[dreg:$0x7] =	wrdreg s10  }
.LBB2_1:
0x16: {  	s10 =	rddreg [dreg:$0x3]  }
0x17: {  	[spmem:s17], [sflag:s9] =	dma.local [hbm:s10], $0x900  }
0x18: {  	_ =	swait.ge [sflag:s18], $0x900  }
0x19: {  	[sflag:s18] =	ssyncset.done $0x0  }
0x1a: {  	[sflag:s18] =	ssyncadd.s32 $0xFFFFF700  }
0x1b: {  	[bflag:$0x0] =	sbarrier.arrive $0xFFFF  }
0x1c: {  	s15 =	rddreg [dreg:$0x4]  }
0x1d: {  	[tilespmem:s2], [sflag:$0x1] =	stream.linear.gather [hbm4b:s15+s2], $0x800, $0x38;
	[tilespmem:$0x1A800] =	vst v63  }
0x1e: {  	s11 =	simm.s32 $0x1000;
	s16 =	rddreg [dreg:$0x5]  }
0x1f: {  	[tilespmem:s11], [sflag:$0x1] =	stream.linear.gather [hbm4b:s16+s2], $0x800, $0x38;
	[tilespmem:$0x1A800] =	vst v63  }
0x20: {  	s13 =	simm.s32 $0x2000;
	s12 =	rddreg [dreg:$0x6]  }
0x21: {  	[tilespmem:s13], [sflag:$0x1] =	stream.linear.gather [hbm4b:s12+s2], $0x800, $0x38;
	[tilespmem:$0x1A800] =	vst v63  }
0x22: {  	s10 =	simm.s32 $0x0;
	s15 =	rddreg [dreg:$0x7];
	s16 =	simm.s32 $0x3000  }
0x23: {  	[tilespmem:s16], [sflag:$0x1] =	stream.linear.gather [hbm4b:s15+s2], $0x800, $0x38;
	[tilespmem:$0x1A800] =	vst v63  }
.LBB2_2:
0x24: {  	_ =	swait.ge [sflag:s22], $0x800  }
0x25: {  	[sflag:s22] =	ssyncset.done $0x0  }
0x26: {  	[sflag:s22] =	ssyncadd.s32 $0xFFFFF800  }
0x27: {  	_ =	swait.ge [sflag:s22], $0x800  }
0x28: {  	[sflag:s22] =	ssyncset.done $0x0  }
0x29: {  	[sflag:s22] =	ssyncadd.s32 $0xFFFFF800  }
0x2a: {  	_ =	swait.ge [sflag:s22], $0x800  }
0x2b: {  	s11 =	sshll.u32 s10, $0xC;
	[sflag:s22] =	ssyncset.done $0x0  }
0x2c: {  	s12 =	sor.u32 s11, s7;
	[sflag:s22] =	ssyncadd.s32 $0xFFFFF800  }
0x2d: {  	s12 =	sshrl.u32 s12, $0x3;
	_ =	swait.ge [sflag:s22], $0x800  }
0x2e: {  	s12 =	sor.u32 $0x100, s12;
	[sflag:s22] =	ssyncset.done $0x0  }
0x2f: {  	s13 =	sadd.s32 s3, s12;
	[sflag:s22] =	ssyncadd.s32 $0xFFFFF800  }
0x30: {  	[tilespmem:s23], [sflag:$0x2] =	stream.linear.gather [hbm4b:s13+s2], $0x800, $0x38;
	[tilespmem:$0x1A800] =	vst v63  }
0x31: {  	s15 =	sadd.s32 s4, s12  }
0x32: {  	[tilespmem:s24], [sflag:$0x2] =	stream.linear.gather [hbm4b:s15+s2], $0x800, $0x38;
	[tilespmem:$0x1A800] =	vst v63  }
0x33: {  	s16 =	sadd.s32 s5, s12  }
0x34: {  	[tilespmem:s25], [sflag:$0x2] =	stream.linear.gather [hbm4b:s16+s2], $0x800, $0x38;
	[tilespmem:$0x1A800] =	vst v63  }
0x35: {  	p1 =	seq.s32 s10, $0x0;
	s12 =	sadd.s32 s6, s12  }
0x36: {  	[tilespmem:s26], [sflag:$0x2] =	stream.linear.gather [hbm4b:s12+s2], $0x800, $0x38;
	[tilespmem:$0x1A800] =	vst v63  }
0x37: {  	s12 =	simm.s32 @!p1 $0x3  }
0x38: {  	_ =	swait.ge @!p1 [sflag:s12], $0x4800  }
0x39: {  	[sflag:s12] =	ssyncset.done @!p1 $0x0  }
0x3a: {  	[sflag:s12] =	ssyncadd.s32 @!p1 $0xFFFFB800;
	s12 =	simm.s32 $0x0  }
0x3b: {  	v1 =	vld [tilespmem:s12+$0x2030]  }
0x3c: {  	v2 =	vld [tilespmem:s12+$0x2000]  }
0x3d: {  	v3 =	vld [tilespmem:s12+$0x30]  }
0x3e: {  	v5 =	vld [tilespmem:s12+$0x2010]  }
0x3f: {  	v4 =	vld [tilespmem:s12+$0x3030]  }
0x40: {  	v6 =	vld [tilespmem:s12+$0x2020]  }
0x41: {  	v8 =	vld [tilespmem:s12+$0x1030]  }
0x42: {  	v9 =	vld [tilespmem:s12+$0x0]  }
0x43: {  	v13 =	vld [tilespmem:s12+$0x3010]  }
0x44: {  	v14 =	vld [tilespmem:s12+$0x20]  }
0x45: {  	v20 =	vld [tilespmem:s12+$0x1010]  }
0x46: {  	v7 =	vmul.f32 $5.000000000e-01, v1  }
0x47: {  	v11 =	vmul.f32 $5.000000000e-01, v4;
	v12 =	vmul.f32 $5.000000000e-01, v2  }
0x48: {  	v15 =	vmul.f32 $5.000000000e-01, v6;
	v18 =	vmul.f32 $5.000000000e-01, v13;
	v3 =	vadd.f32 v7, v3  }
0x49: {  	v10 =	vld [tilespmem:s12+$0x10];
	v8 =	vadd.f32 v11, v8;
	v9 =	vadd.f32 v12, v9  }
0x4a: {  	v7 =	vld [tilespmem:s12+$0x3000];
	v11 =	vmul.f32 $5.000000000e-01, v5;
	v14 =	vadd.f32 v15, v14;
	v18 =	vadd.f32 v18, v20  }
0x4b: {  	v12 =	vld [tilespmem:s12+$0x3020];
	v5 =	vmul.f32 v13, v5;
	v3 =	vadd.f32 $-1.953125000e-03, v3;
	v8 =	vadd.f32 $-1.953125000e-03, v8  }
0x4c: {  	v1 =	vmul.f32 v4, v1;
	v9 =	vadd.f32 $-1.953125000e-03, v9;
	v14 =	vadd.f32 $-1.953125000e-03, v14  }
0x4d: {  	v18 =	vadd.f32 $-1.953125000e-03, v18;
	v5 =	vmul.f32 $2.500000000e-01, v5;
	v3 =	vmul.f32 $5.120000000e+02, v3  }
0x4e: {  	v8 =	vmul.f32 $5.120000000e+02, v8;
	v9 =	vmul.f32 $5.120000000e+02, v9  }
0x4f: {  	v15 =	vld [tilespmem:s12+$0x1020];
	v10 =	vadd.f32 v11, v10;
	v14 =	vmul.f32 $5.120000000e+02, v14;
	v18 =	vmul.f32 $5.120000000e+02, v18  }
0x50: {  	v16 =	vmul.f32 $5.000000000e-01, v7;
	v21 =	vmul.f32 $5.000000000e-01, v12  }
0x51: {  	v10 =	vadd.f32 $-1.953125000e-03, v10;
	v2 =	vmul.f32 v7, v2;
	v6 =	vmul.f32 v12, v6  }
0x52: {  	v17 =	vtrunc.f32 v3;
	v4 =	vtrunc.f32 v8  }
0x53: {  	v10 =	vmul.f32 $5.120000000e+02, v10;
	v11 =	vcvt.f32.s32 v17  }
0x54: {  	vm0 =	vlt.f32 v3, v17;
	v22 =	vcvt.f32.s32 v4;
	v15 =	vadd.f32 v21, v15  }
0x55: {  	v17 =	vld [tilespmem:s12+$0x1000];
	vm11 =	vlt.f32 v8, v4;
	v4 =	vmul.f32 $2.500000000e-01, v1;
	v19 =	vsel vm0, $0xFFFFFFFF, v0  }
0x56: {  	v21 =	vtrunc.f32 v10;
	v11 =	vadd.s32 v11, v19;
	v15 =	vadd.f32 $-1.953125000e-03, v15  }
0x57: {  	vm1 =	vlt.f32 v10, v21;
	v21 =	vcvt.f32.s32 v21;
	v19 =	vcvt.s32.f32 v11  }
0x58: {  	v1 =	vsel vm11, $0xFFFFFFFF, v0;
	v25 =	vsel vm1, $0xFFFFFFFF, v0;
	v11 =	vmul.u32 $0x204, v11  }
0x59: {  	v15 =	vmul.f32 $5.120000000e+02, v15;
	v21 =	vadd.s32 v21, v25;
	v19 =	vsub.f32 v3, v19  }
0x5a: {  	v3 =	vadd.s32 v22, v1;
	v1 =	vadd.f32 v16, v17;
	v22 =	vtrunc.f32 v14  }
0x5b: {  	v16 =	vcvt.s32.f32 v3;
	vm2 =	vlt.f32 v14, v22;
	v22 =	vcvt.f32.s32 v22  }
0x5c: {  	v27 =	vtrunc.f32 v15;
	v17 =	vmul.f32 v19, v4;
	v1 =	vadd.f32 $-1.953125000e-03, v1  }
0x5d: {  	v19 =	vtrunc.f32 v9;
	v26 =	vsel vm2, $0xFFFFFFFF, v0;
	v25 =	vcvt.f32.s32 v27  }
0x5e: {  	vm15 =	vlt.f32 v15, v27;
	v27 =	vcvt.s32.f32 v21;
	v21 =	vmul.u32 $0x204, v21  }
0x5f: {  	v8 =	vsub.f32 v8, v16;
	vm12 =	vlt.f32 v9, v19;
	v19 =	vcvt.f32.s32 v19  }
0x60: {  	v22 =	vadd.s32 v22, v26;
	v30 =	vsel vm15, $0xFFFFFFFF, v0;
	v16 =	vsub.f32 v4, v17  }
0x61: {  	v1 =	vmul.f32 $5.120000000e+02, v1;
	v23 =	vsel vm12, $0xFFFFFFFF, v0;
	v29 =	vcvt.s32.f32 v22  }
0x62: {  	v10 =	vsub.f32 v10, v27;
	v22 =	vmul.u32 $0x204, v22;
	v44 =	vadd.s32 $0x204, v21  }
0x63: {  	v45 =	vadd.s32 $0x408, v21;
	v19 =	vadd.s32 v19, v23;
	v23 =	vtrunc.f32 v18  }
0x64: {  	v46 =	vadd.s32 $0x60C, v21;
	v20 =	vmul.f32 v16, v8;
	v24 =	vtrunc.f32 v1  }
0x65: {  	vm14 =	vlt.f32 v18, v23;
	v12 =	vsub.f32 v14, v29;
	v10 =	vmul.f32 v10, v5  }
0x66: {  	[tilespmem:s12+$0xF010] =	vst v5;
	v28 =	vcvt.f32.s32 v24;
	vm13 =	vlt.f32 v1, v24;
	v24 =	vcvt.f32.s32 v23  }
0x67: {  	[tilespmem:s12+$0xF030] =	vst v4;
	v23 =	vcvt.s32.f32 v19;
	v7 =	vsel vm14, $0xFFFFFFFF, v0;
	v19 =	vmul.u32 $0x204, v19  }
0x68: {  	v26 =	vsel vm13, $0xFFFFFFFF, v0;
	[tilespmem:s12+$0xE030] =	vst v20;
	v20 =	vmul.f32 $2.500000000e-01, v2;
	v27 =	vsub.f32 v5, v10  }
0x69: {  	[tilespmem:s12+$0x10830] =	vst v17;
	v26 =	vadd.s32 v28, v26;
	v9 =	vsub.f32 v9, v23;
	v13 =	vadd.s32 v24, v7  }
0x6a: {  	[tilespmem:s12+$0xD830] =	vst v16;
	v23 =	vadd.s32 v25, v30;
	v25 =	vsub.f32 $1.000000000e+00, v8;
	v7 =	vcvt.s32.f32 v26  }
0x6b: {  	[tilespmem:s12+$0x10810] =	vst v10;
	v30 =	vadd.s32 $0x204, v19;
	v14 =	vcvt.s32.f32 v13;
	v24 =	vcvt.s32.f32 v23  }
0x6c: {  	v32 =	vadd.s32 $0x408, v19;
	[tilespmem:s12+$0xF000] =	vst v20;
	v9 =	vmul.f32 v9, v20;
	v16 =	vmul.f32 v25, v16  }
0x6d: {  	[tilespmem:s12+$0xD810] =	vst v27;
	v49 =	vmul.f32 v25, v4;
	v25 =	vmul.f32 v25, v17;
	v7 =	vsub.f32 v1, v7  }
0x6e: {  	v14 =	vsub.f32 v18, v14;
	v1 =	vmul.f32 $2.500000000e-01, v6;
	v6 =	vsub.f32 v15, v24;
	[tilespmem:s12+$0x10800] =	vst v9  }
0x6f: {  	v17 =	vmul.f32 v8, v17;
	v24 =	vsub.f32 v20, v9;
	[tilespmem:s12+$0xD030] =	vst v16;
	v15 =	vsub.f32 $1.000000000e+00, v7  }
0x70: {  	[tilespmem:s12+$0xE830] =	vst v49;
	v18 =	vsub.f32 $1.000000000e+00, v14;
	v2 =	vmul.f32 v12, v1;
	v21 =	vmul.f32 v14, v10  }
0x71: {  	v34 =	vadd.s32 $0x60C, v19;
	[tilespmem:s12+$0xD800] =	vst v24;
	v29 =	vmul.f32 v15, v24;
	v24 =	vmul.f32 v24, v7  }
0x72: {  	[tilespmem:s12+$0x10030] =	vst v25;
	v12 =	vsub.f32 $1.000000000e+00, v6;
	v31 =	vmul.f32 v18, v27;
	v27 =	vmul.f32 v27, v14  }
0x73: {  	[tilespmem:s12+$0x11030] =	vst v17;
	v28 =	vsub.f32 v1, v2;
	v19 =	vmul.f32 v15, v20;
	v15 =	vmul.f32 v15, v9  }
0x74: {  	v47 =	vadd.s32 $0x204, v22;
	v63 =	vmul.f32 v12, v2;
	v35 =	vmul.f32 v6, v2;
	[tilespmem:s12+$0x11010] =	vst v21  }
0x75: {  	v48 =	vadd.s32 $0x408, v22;
	v20 =	vmul.f32 v7, v20;
	[tilespmem:s12+$0xD000] =	vst v29;
	v29 =	vmul.f32 v12, v28  }
0x76: {  	v16 =	vadd.s32 $0x1, v3;
	v33 =	vmul.f32 v28, v6;
	[tilespmem:s12+$0xE000] =	vst v24;
	v24 =	vmul.f32 v7, v9  }
0x77: {  	[tilespmem:s12+$0xE010] =	vst v27;
	v27 =	vmul.f32 v18, v5;
	v18 =	vmul.f32 v18, v10;
	v10 =	vadd.s32 $0x60C, v22  }
0x78: {  	[tilespmem:s12+$0xD010] =	vst v31;
	v22 =	vmul.f32 v14, v5;
	v9 =	vadd.s32 $0x204, v11;
	v7 =	vadd.s32 $0x408, v11  }
0x79: {  	[tilespmem:s12+$0xE800] =	vst v19;
	v5 =	vadd.s32 $0x60C, v11;
	v19 =	vmul.f32 v8, v4;
	v8 =	vadd.s32 $0x2, v26  }
0x7a: {  	[tilespmem:s12+$0x10000] =	vst v15;
	v11 =	vadd.s32 $0x3, v26;
	v15 =	vadd.s32 $0x1, v23;
	v14 =	vadd.s32 $0x2, v23  }
0x7b: {  	[tilespmem:s12+$0xD820] =	vst v28;
	v4 =	vadd.s32 $0x2, v3;
	v3 =	vadd.s32 $0x3, v3;
	v42 =	vadd.s32 v8, v30  }
0x7c: {  	[tilespmem:s12+$0x10020] =	vst v63;
	v40 =	vadd.s32 v11, v30;
	v39 =	vadd.s32 v8, v32;
	v31 =	vadd.s32 v11, v32  }
0x7d: {  	v37 =	vadd.s32 v11, v34;
	v17 =	vadd.s32 v15, v48;
	v11 =	vadd.s32 v14, v48;
	[tilespmem:s12+$0xD020] =	vst v29  }
0x7e: {  	v29 =	vmul.f32 v12, v1;
	v12 =	vmul.f32 v6, v1;
	[tilespmem:s12+$0x11000] =	vst v24;
	v6 =	vadd.s32 $0x1, v26  }
0x7f: {  	[tilespmem:s12+$0xE810] =	vst v27;
	v24 =	vadd.s32 $0x1, v13;
	v26 =	vadd.s32 $0x2, v13;
	v27 =	vadd.s32 $0x3, v13  }
0x80: {  	[tilespmem:s12+$0x11020] =	vst v35;
	v13 =	vadd.s32 $0x3, v23;
	v23 =	vadd.s32 v14, v47;
	v43 =	vadd.s32 v6, v30  }
0x81: {  	[tilespmem:s12+$0xF800] =	vst v20;
	v41 =	vadd.s32 v6, v32;
	v38 =	vadd.s32 v6, v34;
	v32 =	vadd.s32 v8, v34  }
0x82: {  	[tilespmem:s12+$0xE020] =	vst v33;
	v36 =	vadd.s32 v24, v44;
	v35 =	vadd.s32 v26, v44;
	v34 =	vadd.s32 v27, v44  }
0x83: {  	[tilespmem:s12+$0x10010] =	vst v18;
	v33 =	vadd.s32 v24, v45;
	v21 =	vadd.s32 v26, v45;
	v30 =	vadd.s32 v27, v45  }
0x84: {  	[tilespmem:s12+$0xF810] =	vst v22;
	v28 =	vadd.s32 v26, v46;
	v25 =	vadd.s32 v27, v46;
	v26 =	vadd.s32 v15, v47  }
0x85: {  	s13 =	simm.s32 $0x0;
	s15 =	simm.s32 $0x100;
	v8 =	vadd.s32 v13, v47;
	v6 =	vadd.s32 v13, v48;
	[tilespmem:s12+$0xE820] =	vst v29;
	v29 =	vadd.s32 v24, v46  }
.LBB2_3:
0x86: {  	s16 =	sshra.s32 s15, $0x2;
	s13 =	sadd.s32 $0x4, s13;
	[tilespmem:s12+$0xF820] =	vst v12;
	v27 =	vadd.s32 v15, v10;
	v24 =	vadd.s32 v14, v10;
	v20 =	vadd.s32 v13, v10  }
0x87: {  	v22 =	vadd.s32 v16, v9;
	v18 =	vadd.s32 v4, v9;
	v15 =	vadd.s32 v3, v9;
	v44 =	vld [tilespmem:s16+$0x2030];
	p1 =	slt.u32 s13, $0x7C;
	[tilespmem:s12+$0x10820] =	vst v2  }
0x88: {  	v14 =	vadd.s32 v16, v7;
	v12 =	vadd.s32 v4, v7;
	v9 =	vadd.s32 v3, v7;
	v13 =	vld [tilespmem:s16+$0x2000];
	[tilespmem:s12+$0xF830] =	vst v19  }
0x89: {  	v10 =	vadd.s32 v16, v5;
	v7 =	vadd.s32 v4, v5;
	v2 =	vadd.s32 v3, v5;
	v45 =	vld [tilespmem:s16+$0x30];
	[tilespmem:s12+$0x4000] =	vst v43  }
0x8a: {  	v16 =	vld [tilespmem:s16+$0x2010];
	[tilespmem:s12+$0x4800] =	vst v42  }
0x8b: {  	v3 =	vld [tilespmem:s16+$0x3030];
	[tilespmem:s12+$0x5000] =	vst v40  }
0x8c: {  	v19 =	vld [tilespmem:s16+$0x2020];
	v4 =	vmul.f32 $5.000000000e-01, v44;
	[tilespmem:s12+$0x5800] =	vst v41  }
0x8d: {  	v5 =	vmul.f32 $5.000000000e-01, v13;
	v40 =	vld [tilespmem:s16+$0x1030];
	[tilespmem:s12+$0x6000] =	vst v39  }
0x8e: {  	v39 =	vld [tilespmem:s16+$0x0];
	v4 =	vadd.f32 v4, v45;
	[tilespmem:s12+$0x6800] =	vst v31  }
0x8f: {  	v31 =	vld [tilespmem:s16+$0x3000];
	v41 =	vmul.f32 $5.000000000e-01, v16;
	[tilespmem:s12+$0x7000] =	vst v38  }
0x90: {  	v38 =	vld [tilespmem:s16+$0x10];
	v42 =	vmul.f32 $5.000000000e-01, v3;
	v4 =	vadd.f32 $-1.953125000e-03, v4;
	[tilespmem:s12+$0x7800] =	vst v32  }
0x91: {  	v32 =	vld [tilespmem:s16+$0x3010];
	v43 =	vmul.f32 $5.000000000e-01, v19;
	[tilespmem:s12+$0x8000] =	vst v37  }
0x92: {  	v37 =	vld [tilespmem:s16+$0x20];
	v40 =	vadd.f32 v42, v40;
	v42 =	vmul.f32 $5.120000000e+02, v4;
	[tilespmem:s12+$0x4010] =	vst v36  }
0x93: {  	v4 =	vadd.f32 v5, v39;
	v36 =	vld [tilespmem:s16+$0x3020];
	[tilespmem:s12+$0x4810] =	vst v35  }
0x94: {  	v5 =	vld [tilespmem:s16+$0x1000];
	v35 =	vmul.f32 $5.000000000e-01, v31;
	v39 =	vadd.f32 $-1.953125000e-03, v40;
	v40 =	vtrunc.f32 v42;
	[tilespmem:s12+$0x5010] =	vst v34  }
0x95: {  	v34 =	vld [tilespmem:s16+$0x1010];
	v38 =	vadd.f32 v41, v38;
	v41 =	vcvt.f32.s32 v40;
	vm0 =	vlt.f32 v42, v40;
	[tilespmem:s12+$0x5810] =	vst v33  }
0x96: {  	v33 =	vmul.f32 $5.000000000e-01, v32;
	v40 =	vld [tilespmem:s16+$0x1020];
	v39 =	vmul.f32 $5.120000000e+02, v39;
	v45 =	vsel vm0, $0xFFFFFFFF, v0;
	[tilespmem:s12+$0x6010] =	vst v21  }
0x97: {  	v3 =	vmul.f32 v3, v44;
	v37 =	vadd.f32 v43, v37;
	v21 =	vadd.s32 v41, v45;
	[tilespmem:s12+$0x6810] =	vst v30  }
0x98: {  	v30 =	vadd.f32 $-1.953125000e-03, v4;
	v4 =	vtrunc.f32 v39;
	v41 =	vcvt.s32.f32 v21;
	[tilespmem:s12+$0x7010] =	vst v29  }
0x99: {  	v29 =	vmul.f32 $5.000000000e-01, v36;
	v43 =	vcvt.f32.s32 v4;
	vm0 =	vlt.f32 v39, v4;
	[tilespmem:s12+$0x7810] =	vst v28  }
0x9a: {  	v4 =	vmul.f32 $2.500000000e-01, v3;
	v3 =	vsel vm0, $0xFFFFFFFF, v0;
	v28 =	vsub.f32 v42, v41;
	[tilespmem:s12+$0x8010] =	vst v25  }
0x9b: {  	v37 =	vadd.f32 $-1.953125000e-03, v37;
	v25 =	vadd.f32 $-1.953125000e-03, v38;
	v3 =	vadd.s32 v43, v3;
	[tilespmem:s12+$0x4020] =	vst v26  }
0x9c: {  	v26 =	vadd.f32 v35, v5;
	v35 =	vcvt.s32.f32 v3;
	v5 =	vmul.f32 v28, v4;
	[tilespmem:s12+$0x4820] =	vst v23  }
0x9d: {  	v29 =	vadd.f32 v29, v40;
	v28 =	vmul.f32 $5.120000000e+02, v30;
	v30 =	vadd.f32 v33, v34;
	[tilespmem:s12+$0x5020] =	vst v8  }
0x9e: {  	v25 =	vmul.f32 $5.120000000e+02, v25;
	v8 =	vsub.f32 v39, v35;
	v23 =	vsub.f32 v4, v5;
	[tilespmem:s16+$0x10830] =	vst v5  }
0x9f: {  	v33 =	vmul.f32 $5.120000000e+02, v37;
	v26 =	vadd.f32 $-1.953125000e-03, v26;
	v30 =	vadd.f32 $-1.953125000e-03, v30;
	[tilespmem:s12+$0x5820] =	vst v17  }
0xa0: {  	v29 =	vadd.f32 $-1.953125000e-03, v29;
	v17 =	vtrunc.f32 v28;
	[tilespmem:s16+$0xD830] =	vst v23;
	v34 =	vmul.f32 v23, v8  }
0xa1: {  	v35 =	vtrunc.f32 v25;
	v37 =	vtrunc.f32 v33;
	vm0 =	vlt.f32 v28, v17;
	[tilespmem:s12+$0x6020] =	vst v11  }
0xa2: {  	vm1 =	vlt.f32 v25, v35;
	v11 =	vmul.f32 $5.120000000e+02, v26;
	v26 =	vmul.f32 $5.120000000e+02, v30;
	[tilespmem:s16+$0xE030] =	vst v34  }
0xa3: {  	v29 =	vmul.f32 $5.120000000e+02, v29;
	vm2 =	vlt.f32 v33, v37;
	v17 =	vcvt.f32.s32 v17;
	[tilespmem:s12+$0x6820] =	vst v6  }
0xa4: {  	v30 =	vcvt.f32.s32 v35;
	v34 =	vcvt.f32.s32 v37;
	v6 =	vsel vm0, $0xFFFFFFFF, v0;
	[tilespmem:s12+$0x7020] =	vst v27  }
0xa5: {  	v35 =	vsel vm1, $0xFFFFFFFF, v0;
	v37 =	vsel vm2, $0xFFFFFFFF, v0;
	v27 =	vtrunc.f32 v11;
	[tilespmem:s12+$0x7820] =	vst v24  }
0xa6: {  	v6 =	vadd.s32 v17, v6;
	v17 =	vtrunc.f32 v26;
	v24 =	vtrunc.f32 v29;
	[tilespmem:s12+$0x8020] =	vst v20  }
0xa7: {  	v30 =	vadd.s32 v30, v35;
	v34 =	vadd.s32 v34, v37;
	v20 =	vcvt.f32.s32 v27;
	[tilespmem:s12+$0x4030] =	vst v22  }
0xa8: {  	vm0 =	vlt.f32 v11, v27;
	vm1 =	vlt.f32 v26, v17;
	v22 =	vcvt.f32.s32 v17;
	[tilespmem:s12+$0x4830] =	vst v18  }
0xa9: {  	vm2 =	vlt.f32 v29, v24;
	v17 =	vcvt.s32.f32 v6;
	v18 =	vcvt.f32.s32 v24;
	[tilespmem:s12+$0x5030] =	vst v15  }
0xaa: {  	v27 =	vcvt.s32.f32 v34;
	v24 =	vcvt.s32.f32 v30;
	v15 =	vsel vm0, $0xFFFFFFFF, v0;
	[tilespmem:s12+$0x5830] =	vst v14  }
0xab: {  	v13 =	vmul.f32 v31, v13;
	v31 =	vsel vm2, $0xFFFFFFFF, v0;
	v14 =	vsel vm1, $0xFFFFFFFF, v0;
	[tilespmem:s12+$0x6030] =	vst v12  }
0xac: {  	v15 =	vadd.s32 v20, v15;
	v12 =	vmul.f32 v32, v16;
	v16 =	vmul.f32 v36, v19;
	[tilespmem:s12+$0x6830] =	vst v9  }
0xad: {  	v14 =	vadd.s32 v22, v14;
	v9 =	vsub.f32 v28, v17;
	v17 =	vadd.s32 v18, v31;
	[tilespmem:s12+$0x7030] =	vst v10  }
0xae: {  	v19 =	vsub.f32 v33, v27;
	v18 =	vsub.f32 v25, v24;
	v10 =	vcvt.s32.f32 v15;
	[tilespmem:s12+$0x7830] =	vst v7  }
0xaf: {  	v22 =	vsub.f32 $1.000000000e+00, v8;
	v20 =	vcvt.s32.f32 v17;
	v7 =	vcvt.s32.f32 v14;
	[tilespmem:s12+$0x8030] =	vst v2  }
0xb0: {  	v13 =	vmul.f32 $2.500000000e-01, v13;
	v10 =	vsub.f32 v11, v10;
	v11 =	vmul.f32 $2.500000000e-01, v12;
	[tilespmem:s12+$0xF020] =	vst v1;
	s12 =	smov.u32 s16  }
0xb1: {  	v12 =	vsub.f32 v29, v20;
	v7 =	vsub.f32 v26, v7;
	v1 =	vmul.f32 $2.500000000e-01, v16;
	[tilespmem:s12+$0xF030] =	vst v4  }
0xb2: {  	v9 =	vmul.f32 v9, v13;
	v16 =	vsub.f32 $1.000000000e+00, v10;
	v18 =	vmul.f32 v18, v11;
	[tilespmem:s12+$0xF000] =	vst v13  }
0xb3: {  	v20 =	vsub.f32 $1.000000000e+00, v7;
	v2 =	vmul.f32 v19, v1;
	v19 =	vsub.f32 $1.000000000e+00, v12;
	[tilespmem:s12+$0xF010] =	vst v11  }
0xb4: {  	v6 =	vmul.u32 $0x204, v6;
	v24 =	vsub.f32 v13, v9;
	v25 =	vsub.f32 v11, v18;
	[tilespmem:s12+$0x10800] =	vst v9  }
0xb5: {  	v28 =	vmul.u32 $0x204, v34;
	v26 =	vmul.u32 $0x204, v30;
	v27 =	vsub.f32 v1, v2;
	[tilespmem:s12+$0x10810] =	vst v18  }
0xb6: {  	v21 =	vmul.u32 $0x204, v21;
	v29 =	vmul.f32 v16, v24;
	[tilespmem:s12+$0xD800] =	vst v24;
	v24 =	vmul.f32 v24, v10  }
0xb7: {  	v30 =	vadd.s32 $0x204, v6;
	v31 =	vmul.f32 v20, v25;
	[tilespmem:s12+$0xD810] =	vst v25;
	v25 =	vmul.f32 v25, v7  }
0xb8: {  	v32 =	vadd.s32 $0x408, v6;
	v33 =	vmul.f32 v27, v12;
	[tilespmem:s12+$0xD000] =	vst v29;
	v29 =	vmul.f32 v19, v27  }
0xb9: {  	v23 =	vmul.f32 v22, v23;
	v6 =	vadd.s32 $0x60C, v6;
	[tilespmem:s12+$0xE000] =	vst v24;
	v24 =	vmul.f32 v16, v13  }
0xba: {  	v34 =	vmul.f32 v10, v9;
	v44 =	vadd.s32 $0x204, v26;
	v16 =	vmul.f32 v16, v9;
	[tilespmem:s12+$0xD010] =	vst v31  }
0xbb: {  	v45 =	vadd.s32 $0x408, v26;
	[tilespmem:s12+$0xE010] =	vst v25;
	v25 =	vmul.f32 v20, v11;
	v20 =	vmul.f32 v20, v18  }
0xbc: {  	v26 =	vadd.s32 $0x60C, v26;
	v18 =	vmul.f32 v7, v18;
	[tilespmem:s12+$0xD020] =	vst v29;
	v29 =	vmul.f32 v19, v1  }
0xbd: {  	v46 =	vadd.s32 $0x204, v28;
	v35 =	vmul.f32 v12, v2;
	[tilespmem:s12+$0xE020] =	vst v33;
	v33 =	vmul.f32 v19, v2  }
0xbe: {  	v47 =	vadd.s32 $0x408, v28;
	[tilespmem:s12+$0xD030] =	vst v23;
	v23 =	vmul.f32 v22, v4;
	v22 =	vmul.f32 v22, v5  }
0xbf: {  	v48 =	vmul.f32 v8, v5;
	[tilespmem:s12+$0xE800] =	vst v24;
	v24 =	vmul.f32 v10, v13;
	v10 =	vadd.s32 $0x60C, v28  }
0xc0: {  	v12 =	vmul.f32 v12, v1;
	v9 =	vadd.s32 $0x204, v21;
	v11 =	vmul.f32 v7, v11;
	[tilespmem:s12+$0x10000] =	vst v16  }
0xc1: {  	v7 =	vadd.s32 $0x408, v21;
	v19 =	vmul.f32 v8, v4;
	v5 =	vadd.s32 $0x60C, v21;
	[tilespmem:s12+$0x11000] =	vst v34  }
0xc2: {  	v8 =	vadd.s32 $0x1, v15;
	v21 =	vadd.s32 $0x2, v15;
	v28 =	vadd.s32 $0x3, v15;
	[tilespmem:s12+$0xE810] =	vst v25  }
0xc3: {  	v49 =	vadd.s32 $0x2, v14;
	v50 =	vadd.s32 $0x3, v14;
	v25 =	vadd.s32 $0x1, v14;
	[tilespmem:s12+$0x10010] =	vst v20  }
0xc4: {  	v15 =	vadd.s32 $0x1, v17;
	v13 =	vadd.s32 $0x3, v17;
	v14 =	vadd.s32 $0x2, v17;
	[tilespmem:s12+$0x11010] =	vst v18  }
0xc5: {  	v4 =	vadd.s32 $0x2, v3;
	v16 =	vadd.s32 $0x1, v3;
	v3 =	vadd.s32 $0x3, v3;
	[tilespmem:s12+$0xD820] =	vst v27  }
0xc6: {  	v43 =	vadd.s32 v8, v30;
	v42 =	vadd.s32 v21, v30;
	v40 =	vadd.s32 v28, v30;
	[tilespmem:s12+$0xE820] =	vst v29  }
0xc7: {  	v41 =	vadd.s32 v8, v32;
	v39 =	vadd.s32 v21, v32;
	v31 =	vadd.s32 v28, v32;
	[tilespmem:s12+$0x10020] =	vst v33  }
0xc8: {  	v38 =	vadd.s32 v8, v6;
	v32 =	vadd.s32 v21, v6;
	v37 =	vadd.s32 v28, v6;
	[tilespmem:s12+$0x11020] =	vst v35  }
.Ltmp0:
0xc9: {  	v34 =	vadd.s32 v50, v44;
	v36 =	vadd.s32 v25, v44;
	v35 =	vadd.s32 v49, v44;
	[tilespmem:s12+$0xE830] =	vst v23;
	(pc) =	sbr.rel @p1 .LBB2_3-.Ltmp0, $4  }
0xca: {  	v21 =	vadd.s32 v49, v45;
	v30 =	vadd.s32 v50, v45;
	v33 =	vadd.s32 v25, v45;
	[tilespmem:s12+$0x10030] =	vst v22  }
0xcb: {  	v28 =	vadd.s32 v49, v26;
	v29 =	vadd.s32 v25, v26;
	v25 =	vadd.s32 v50, v26;
	[tilespmem:s12+$0x11030] =	vst v48  }
0xcc: {  	v8 =	vadd.s32 v13, v46;
	v26 =	vadd.s32 v15, v46;
	v23 =	vadd.s32 v14, v46;
	[tilespmem:s12+$0xF800] =	vst v24  }
0xcd: {  	s15 =	sadd.s32 $0x100, s15;
	v6 =	vadd.s32 v13, v47;
	v17 =	vadd.s32 v15, v47;
	[tilespmem:s12+$0xF810] =	vst v11;
	v11 =	vadd.s32 v14, v47  }
0xce: {  	[tilespmem:s12+$0xF820] =	vst v12  }
0xcf: {  	[tilespmem:s12+$0x10820] =	vst v2  }
0xd0: {  	[tilespmem:s12+$0xF830] =	vst v19  }
0xd1: {  	[tilespmem:s12+$0x4000] =	vst v43  }
0xd2: {  	[tilespmem:s12+$0x4800] =	vst v42  }
0xd3: {  	[tilespmem:s12+$0x5000] =	vst v40  }
0xd4: {  	[tilespmem:s12+$0x5800] =	vst v41  }
0xd5: {  	[tilespmem:s12+$0x6000] =	vst v39  }
0xd6: {  	[tilespmem:s12+$0x6800] =	vst v31  }
0xd7: {  	[tilespmem:s12+$0x7000] =	vst v38  }
0xd8: {  	[tilespmem:s12+$0x7800] =	vst v32  }
0xd9: {  	[tilespmem:s12+$0x8000] =	vst v37  }
0xda: {  	[tilespmem:s12+$0x4010] =	vst v36  }
0xdb: {  	[tilespmem:s12+$0x4810] =	vst v35  }
0xdc: {  	[tilespmem:s12+$0x5010] =	vst v34  }
0xdd: {  	[tilespmem:s12+$0x5810] =	vst v33  }
0xde: {  	[tilespmem:s12+$0x6010] =	vst v21  }
0xdf: {  	[tilespmem:s12+$0x6810] =	vst v30  }
0xe0: {  	[tilespmem:s12+$0x7010] =	vst v29  }
0xe1: {  	[tilespmem:s12+$0x7810] =	vst v28  }
0xe2: {  	[tilespmem:s12+$0x8010] =	vst v25  }
0xe3: {  	[tilespmem:s12+$0x4020] =	vst v26  }
0xe4: {  	[tilespmem:s12+$0x4820] =	vst v23  }
0xe5: {  	[tilespmem:s12+$0x5020] =	vst v8  }
0xe6: {  	[tilespmem:s12+$0x5820] =	vst v17  }
0xe7: {  	[tilespmem:s12+$0x6020] =	vst v11  }
0xe8: {  	[tilespmem:s12+$0x6820] =	vst v6  }
0xe9: {  	v2 =	vadd.s32 v15, v10;
	[tilespmem:s12+$0xF020] =	vst v1  }
0xea: {  	v6 =	vadd.s32 v14, v10;
	[tilespmem:s12+$0x7020] =	vst v2  }
0xeb: {  	v2 =	vadd.s32 v13, v10;
	[tilespmem:s12+$0x7820] =	vst v6  }
0xec: {  	v6 =	vadd.s32 v16, v9;
	[tilespmem:s12+$0x8020] =	vst v2  }
0xed: {  	v2 =	vadd.s32 v4, v9;
	[tilespmem:s12+$0x4030] =	vst v6  }
0xee: {  	v6 =	vadd.s32 v3, v9;
	[tilespmem:s12+$0x4830] =	vst v2  }
0xef: {  	v2 =	vadd.s32 v16, v7;
	[tilespmem:s12+$0x5030] =	vst v6  }
0xf0: {  	v6 =	vadd.s32 v4, v7;
	[tilespmem:s12+$0x5830] =	vst v2  }
0xf1: {  	v2 =	vadd.s32 v3, v7;
	[tilespmem:s12+$0x6030] =	vst v6  }
0xf2: {  	v6 =	vadd.s32 v16, v5;
	[tilespmem:s12+$0x6830] =	vst v2  }
0xf3: {  	v3 =	vadd.s32 v3, v5;
	[tilespmem:s12+$0x7030] =	vst v6  }
0xf4: {  	v2 =	vadd.s32 v4, v5;
	[tilespmem:s12+$0x8030] =	vst v3  }
0xf5: {  	[tilespmem:s12+$0x7830] =	vst v2  }
0xf6: {  	[spmem:s1] =	stream.indirect.scatter.add.f32 [tilespmem:s30], [sflag:$0x3], $0x1, s29, s28, $0xb8;
	[tilespmem:$0x1A800] =	vst v63  }
0xf7: {  	_ =	swait.ge [sflag:s31], $0x800  }
0xf8: {  	[sflag:s31] =	ssyncset.done $0x0  }
0xf9: {  	[sflag:s31] =	ssyncadd.s32 $0xFFFFF800  }
0xfa: {  	_ =	swait.ge [sflag:s31], $0x800  }
0xfb: {  	[sflag:s31] =	ssyncset.done $0x0  }
0xfc: {  	[sflag:s31] =	ssyncadd.s32 $0xFFFFF800  }
0xfd: {  	_ =	swait.ge [sflag:s31], $0x800  }
0xfe: {  	[sflag:s31] =	ssyncset.done $0x0  }
0xff: {  	p1 =	seq.s32 s10, $0x7;
	[sflag:s31] =	ssyncadd.s32 $0xFFFFF800  }
0x100: {  	s11 =	sadd.s32 @!p1 s11, s14;
	_ =	swait.ge [sflag:s31], $0x800  }
0x101: {  	s11 =	sshrl.u32 @!p1 s11, $0x3;
	[sflag:s31] =	ssyncset.done $0x0  }
0x102: {  	s13 =	simm.s32 @!p1 $0x0;
	s12 =	sadd.s32 @!p1 s3, s11;
	[sflag:s31] =	ssyncadd.s32 $0xFFFFF800  }
0x103: {  	[tilespmem:s13], [sflag:$0x1] =	stream.linear.gather @!p1 [hbm4b:s12+s13], $0x800, $0x38;
	[tilespmem:$0x1A800] =	vst v63  }
0x104: {  	s15 =	simm.s32 @!p1 $0x1000;
	s12 =	sadd.s32 @!p1 s4, s11  }
0x105: {  	[tilespmem:s15], [sflag:$0x1] =	stream.linear.gather @!p1 [hbm4b:s12+s13], $0x800, $0x38;
	[tilespmem:$0x1A800] =	vst v63  }
0x106: {  	s12 =	sadd.s32 @!p1 s5, s11;
	s15 =	simm.s32 @!p1 $0x2000  }
0x107: {  	[tilespmem:s15], [sflag:$0x1] =	stream.linear.gather @!p1 [hbm4b:s12+s13], $0x800, $0x38;
	[tilespmem:$0x1A800] =	vst v63  }
0x108: {  	p2 =	seq.s32 @!p1 s10, $0x0;
	s11 =	sadd.s32 @!p1 s6, s11;
	s12 =	simm.s32 @!p1 $0x3000  }
0x109: {  	[tilespmem:s12], [sflag:$0x1] =	stream.linear.gather @!p1 [hbm4b:s11+s13], $0x800, $0x38;
	[tilespmem:$0x1A800] =	vst v63  }
0x10a: {  	p1 =	por p1, !p2  }
0x10b: {  	_ =	swait.ge @p1 [sflag:s21], $0x4800  }
0x10c: {  	[sflag:s21] =	ssyncset.done @p1 $0x0  }
0x10d: {  	s11 =	simm.s32 $0x0;
	[sflag:s21] =	ssyncadd.s32 @p1 $0xFFFFB800  }
0x10e: {  	v1 =	vld [tilespmem:s11+$0x2830]  }
0x10f: {  	v2 =	vld [tilespmem:s11+$0x2800]  }
0x110: {  	v3 =	vld [tilespmem:s11+$0x830]  }
0x111: {  	v5 =	vld [tilespmem:s11+$0x2810]  }
0x112: {  	v4 =	vld [tilespmem:s11+$0x3830]  }
0x113: {  	v6 =	vld [tilespmem:s11+$0x2820]  }
0x114: {  	v8 =	vld [tilespmem:s11+$0x1830]  }
0x115: {  	v9 =	vld [tilespmem:s11+$0x800]  }
0x116: {  	v13 =	vld [tilespmem:s11+$0x3810]  }
0x117: {  	v14 =	vld [tilespmem:s11+$0x820]  }
0x118: {  	v20 =	vld [tilespmem:s11+$0x1810]  }
0x119: {  	v7 =	vmul.f32 $5.000000000e-01, v1  }
0x11a: {  	v11 =	vmul.f32 $5.000000000e-01, v4;
	v12 =	vmul.f32 $5.000000000e-01, v2  }
0x11b: {  	v15 =	vmul.f32 $5.000000000e-01, v6;
	v18 =	vmul.f32 $5.000000000e-01, v13;
	v3 =	vadd.f32 v7, v3  }
0x11c: {  	v10 =	vld [tilespmem:s11+$0x810];
	v8 =	vadd.f32 v11, v8;
	v9 =	vadd.f32 v12, v9  }
0x11d: {  	v7 =	vld [tilespmem:s11+$0x3800];
	v11 =	vmul.f32 $5.000000000e-01, v5;
	v14 =	vadd.f32 v15, v14;
	v18 =	vadd.f32 v18, v20  }
0x11e: {  	v12 =	vld [tilespmem:s11+$0x3820];
	v5 =	vmul.f32 v13, v5;
	v3 =	vadd.f32 $-1.953125000e-03, v3;
	v8 =	vadd.f32 $-1.953125000e-03, v8  }
0x11f: {  	v1 =	vmul.f32 v4, v1;
	v9 =	vadd.f32 $-1.953125000e-03, v9;
	v14 =	vadd.f32 $-1.953125000e-03, v14  }
0x120: {  	v18 =	vadd.f32 $-1.953125000e-03, v18;
	v5 =	vmul.f32 $2.500000000e-01, v5;
	v3 =	vmul.f32 $5.120000000e+02, v3  }
0x121: {  	v8 =	vmul.f32 $5.120000000e+02, v8;
	v9 =	vmul.f32 $5.120000000e+02, v9  }
0x122: {  	v15 =	vld [tilespmem:s11+$0x1820];
	v10 =	vadd.f32 v11, v10;
	v14 =	vmul.f32 $5.120000000e+02, v14;
	v18 =	vmul.f32 $5.120000000e+02, v18  }
0x123: {  	v16 =	vmul.f32 $5.000000000e-01, v7;
	v21 =	vmul.f32 $5.000000000e-01, v12  }
0x124: {  	v10 =	vadd.f32 $-1.953125000e-03, v10;
	v2 =	vmul.f32 v7, v2;
	v6 =	vmul.f32 v12, v6  }
0x125: {  	v17 =	vtrunc.f32 v3;
	v4 =	vtrunc.f32 v8  }
0x126: {  	v10 =	vmul.f32 $5.120000000e+02, v10;
	v11 =	vcvt.f32.s32 v17  }
0x127: {  	vm0 =	vlt.f32 v3, v17;
	v22 =	vcvt.f32.s32 v4;
	v15 =	vadd.f32 v21, v15  }
0x128: {  	v17 =	vld [tilespmem:s11+$0x1800];
	vm11 =	vlt.f32 v8, v4;
	v4 =	vmul.f32 $2.500000000e-01, v1;
	v19 =	vsel vm0, $0xFFFFFFFF, v0  }
0x129: {  	v21 =	vtrunc.f32 v10;
	v11 =	vadd.s32 v11, v19;
	v15 =	vadd.f32 $-1.953125000e-03, v15  }
0x12a: {  	vm1 =	vlt.f32 v10, v21;
	v21 =	vcvt.f32.s32 v21;
	v19 =	vcvt.s32.f32 v11  }
0x12b: {  	v1 =	vsel vm11, $0xFFFFFFFF, v0;
	v25 =	vsel vm1, $0xFFFFFFFF, v0;
	v11 =	vmul.u32 $0x204, v11  }
0x12c: {  	v15 =	vmul.f32 $5.120000000e+02, v15;
	v21 =	vadd.s32 v21, v25;
	v19 =	vsub.f32 v3, v19  }
0x12d: {  	v3 =	vadd.s32 v22, v1;
	v1 =	vadd.f32 v16, v17;
	v22 =	vtrunc.f32 v14  }
0x12e: {  	v16 =	vcvt.s32.f32 v3;
	vm2 =	vlt.f32 v14, v22;
	v22 =	vcvt.f32.s32 v22  }
0x12f: {  	v27 =	vtrunc.f32 v15;
	v17 =	vmul.f32 v19, v4;
	v1 =	vadd.f32 $-1.953125000e-03, v1  }
0x130: {  	v19 =	vtrunc.f32 v9;
	v26 =	vsel vm2, $0xFFFFFFFF, v0;
	v25 =	vcvt.f32.s32 v27  }
0x131: {  	vm15 =	vlt.f32 v15, v27;
	v27 =	vcvt.s32.f32 v21;
	v21 =	vmul.u32 $0x204, v21  }
0x132: {  	v8 =	vsub.f32 v8, v16;
	vm12 =	vlt.f32 v9, v19;
	v19 =	vcvt.f32.s32 v19  }
0x133: {  	v22 =	vadd.s32 v22, v26;
	v30 =	vsel vm15, $0xFFFFFFFF, v0;
	v16 =	vsub.f32 v4, v17  }
0x134: {  	v1 =	vmul.f32 $5.120000000e+02, v1;
	v23 =	vsel vm12, $0xFFFFFFFF, v0;
	v29 =	vcvt.s32.f32 v22  }
0x135: {  	v10 =	vsub.f32 v10, v27;
	v22 =	vmul.u32 $0x204, v22;
	v44 =	vadd.s32 $0x204, v21  }
0x136: {  	v45 =	vadd.s32 $0x408, v21;
	v19 =	vadd.s32 v19, v23;
	v23 =	vtrunc.f32 v18  }
0x137: {  	v46 =	vadd.s32 $0x60C, v21;
	v20 =	vmul.f32 v16, v8;
	v24 =	vtrunc.f32 v1  }
0x138: {  	vm14 =	vlt.f32 v18, v23;
	v12 =	vsub.f32 v14, v29;
	v10 =	vmul.f32 v10, v5  }
0x139: {  	[tilespmem:s11+$0x13810] =	vst v5;
	v28 =	vcvt.f32.s32 v24;
	vm13 =	vlt.f32 v1, v24;
	v24 =	vcvt.f32.s32 v23  }
0x13a: {  	[tilespmem:s11+$0x13830] =	vst v4;
	v23 =	vcvt.s32.f32 v19;
	v7 =	vsel vm14, $0xFFFFFFFF, v0;
	v19 =	vmul.u32 $0x204, v19  }
0x13b: {  	v26 =	vsel vm13, $0xFFFFFFFF, v0;
	[tilespmem:s11+$0x12830] =	vst v20;
	v20 =	vmul.f32 $2.500000000e-01, v2;
	v27 =	vsub.f32 v5, v10  }
0x13c: {  	[tilespmem:s11+$0x15030] =	vst v17;
	v26 =	vadd.s32 v28, v26;
	v9 =	vsub.f32 v9, v23;
	v13 =	vadd.s32 v24, v7  }
0x13d: {  	[tilespmem:s11+$0x12030] =	vst v16;
	v23 =	vadd.s32 v25, v30;
	v25 =	vsub.f32 $1.000000000e+00, v8;
	v7 =	vcvt.s32.f32 v26  }
0x13e: {  	[tilespmem:s11+$0x15010] =	vst v10;
	v30 =	vadd.s32 $0x204, v19;
	v14 =	vcvt.s32.f32 v13;
	v24 =	vcvt.s32.f32 v23  }
0x13f: {  	v59 =	vadd.s32 $0x408, v19;
	[tilespmem:s11+$0x13800] =	vst v20;
	v9 =	vmul.f32 v9, v20;
	v16 =	vmul.f32 v25, v16  }
0x140: {  	[tilespmem:s11+$0x12010] =	vst v27;
	v49 =	vmul.f32 v25, v4;
	v25 =	vmul.f32 v25, v17;
	v7 =	vsub.f32 v1, v7  }
0x141: {  	v14 =	vsub.f32 v18, v14;
	v1 =	vmul.f32 $2.500000000e-01, v6;
	v6 =	vsub.f32 v15, v24;
	[tilespmem:s11+$0x15000] =	vst v9  }
0x142: {  	v17 =	vmul.f32 v8, v17;
	v24 =	vsub.f32 v20, v9;
	[tilespmem:s11+$0x11830] =	vst v16;
	v15 =	vsub.f32 $1.000000000e+00, v7  }
0x143: {  	[tilespmem:s11+$0x13030] =	vst v49;
	v18 =	vsub.f32 $1.000000000e+00, v14;
	v2 =	vmul.f32 v12, v1;
	v21 =	vmul.f32 v14, v10  }
0x144: {  	v61 =	vadd.s32 $0x60C, v19;
	[tilespmem:s11+$0x12000] =	vst v24;
	v29 =	vmul.f32 v15, v24;
	v24 =	vmul.f32 v24, v7  }
0x145: {  	[tilespmem:s11+$0x14830] =	vst v25;
	v12 =	vsub.f32 $1.000000000e+00, v6;
	v31 =	vmul.f32 v18, v27;
	v27 =	vmul.f32 v27, v14  }
0x146: {  	[tilespmem:s11+$0x15830] =	vst v17;
	v28 =	vsub.f32 v1, v2;
	v19 =	vmul.f32 v15, v20;
	v15 =	vmul.f32 v15, v9  }
0x147: {  	v47 =	vadd.s32 $0x204, v22;
	v62 =	vmul.f32 v12, v2;
	v63 =	vmul.f32 v6, v2;
	[tilespmem:s11+$0x15810] =	vst v21  }
0x148: {  	v48 =	vadd.s32 $0x408, v22;
	v20 =	vmul.f32 v7, v20;
	[tilespmem:s11+$0x11800] =	vst v29;
	v29 =	vmul.f32 v12, v28  }
0x149: {  	v16 =	vadd.s32 $0x1, v3;
	v60 =	vmul.f32 v28, v6;
	[tilespmem:s11+$0x12800] =	vst v24;
	v24 =	vmul.f32 v7, v9  }
0x14a: {  	[tilespmem:s11+$0x12810] =	vst v27;
	v27 =	vmul.f32 v18, v5;
	v18 =	vmul.f32 v18, v10;
	v10 =	vadd.s32 $0x60C, v22  }
0x14b: {  	[tilespmem:s11+$0x11810] =	vst v31;
	v22 =	vmul.f32 v14, v5;
	v9 =	vadd.s32 $0x204, v11;
	v7 =	vadd.s32 $0x408, v11  }
0x14c: {  	[tilespmem:s11+$0x13000] =	vst v19;
	v5 =	vadd.s32 $0x60C, v11;
	v19 =	vmul.f32 v8, v4;
	v8 =	vadd.s32 $0x2, v26  }
0x14d: {  	[tilespmem:s11+$0x14800] =	vst v15;
	v11 =	vadd.s32 $0x3, v26;
	v15 =	vadd.s32 $0x1, v23;
	v14 =	vadd.s32 $0x2, v23  }
0x14e: {  	[tilespmem:s11+$0x12020] =	vst v28;
	v4 =	vadd.s32 $0x2, v3;
	v3 =	vadd.s32 $0x3, v3;
	v42 =	vadd.s32 v8, v30  }
0x14f: {  	[tilespmem:s11+$0x14820] =	vst v62;
	v40 =	vadd.s32 v11, v30;
	v39 =	vadd.s32 v8, v59;
	v31 =	vadd.s32 v11, v59  }
0x150: {  	[tilespmem:s11+$0x15820] =	vst v63;
	v32 =	vadd.s32 v8, v61;
	v37 =	vadd.s32 v11, v61;
	v17 =	vadd.s32 v15, v48  }
0x151: {  	v11 =	vadd.s32 v14, v48;
	[tilespmem:s11+$0x11820] =	vst v29;
	v29 =	vmul.f32 v12, v1;
	v12 =	vmul.f32 v6, v1  }
0x152: {  	[tilespmem:s11+$0x15800] =	vst v24;
	v6 =	vadd.s32 $0x1, v26;
	v24 =	vadd.s32 $0x1, v13;
	v26 =	vadd.s32 $0x2, v13  }
0x153: {  	[tilespmem:s11+$0x13010] =	vst v27;
	v27 =	vadd.s32 $0x3, v13;
	v13 =	vadd.s32 $0x3, v23;
	v23 =	vadd.s32 v14, v47  }
0x154: {  	[tilespmem:s11+$0x14000] =	vst v20;
	v43 =	vadd.s32 v6, v30;
	v41 =	vadd.s32 v6, v59;
	v38 =	vadd.s32 v6, v61  }
0x155: {  	[tilespmem:s11+$0x12820] =	vst v60;
	v36 =	vadd.s32 v24, v44;
	v35 =	vadd.s32 v26, v44;
	v34 =	vadd.s32 v27, v44  }
0x156: {  	[tilespmem:s11+$0x14810] =	vst v18;
	v33 =	vadd.s32 v24, v45;
	v21 =	vadd.s32 v26, v45;
	v30 =	vadd.s32 v27, v45  }
0x157: {  	[tilespmem:s11+$0x14010] =	vst v22;
	v28 =	vadd.s32 v26, v46;
	v25 =	vadd.s32 v27, v46;
	v26 =	vadd.s32 v15, v47  }
0x158: {  	s12 =	simm.s32 $0x0;
	s13 =	simm.s32 $0x100;
	v8 =	vadd.s32 v13, v47;
	v6 =	vadd.s32 v13, v48;
	[tilespmem:s11+$0x13020] =	vst v29;
	v29 =	vadd.s32 v24, v46  }
.LBB2_5:
0x159: {  	s15 =	sshra.s32 s13, $0x2;
	s12 =	sadd.s32 $0x4, s12;
	[tilespmem:s11+$0x14020] =	vst v12;
	v27 =	vadd.s32 v15, v10;
	v24 =	vadd.s32 v14, v10;
	v20 =	vadd.s32 v13, v10  }
0x15a: {  	v22 =	vadd.s32 v16, v9;
	v18 =	vadd.s32 v4, v9;
	v15 =	vadd.s32 v3, v9;
	v44 =	vld [tilespmem:s15+$0x2830];
	p1 =	slt.u32 s12, $0x7C;
	[tilespmem:s11+$0x15020] =	vst v2  }
0x15b: {  	v14 =	vadd.s32 v16, v7;
	v12 =	vadd.s32 v4, v7;
	v9 =	vadd.s32 v3, v7;
	v13 =	vld [tilespmem:s15+$0x2800];
	[tilespmem:s11+$0x14030] =	vst v19  }
0x15c: {  	v10 =	vadd.s32 v16, v5;
	v7 =	vadd.s32 v4, v5;
	v2 =	vadd.s32 v3, v5;
	v45 =	vld [tilespmem:s15+$0x830];
	[tilespmem:s11+$0x8800] =	vst v43  }
0x15d: {  	v16 =	vld [tilespmem:s15+$0x2810];
	[tilespmem:s11+$0x9000] =	vst v42  }
0x15e: {  	v3 =	vld [tilespmem:s15+$0x3830];
	[tilespmem:s11+$0x9800] =	vst v40  }
0x15f: {  	v19 =	vld [tilespmem:s15+$0x2820];
	v4 =	vmul.f32 $5.000000000e-01, v44;
	[tilespmem:s11+$0xA000] =	vst v41  }
0x160: {  	v5 =	vmul.f32 $5.000000000e-01, v13;
	v40 =	vld [tilespmem:s15+$0x1830];
	[tilespmem:s11+$0xA800] =	vst v39  }
0x161: {  	v39 =	vld [tilespmem:s15+$0x800];
	v4 =	vadd.f32 v4, v45;
	[tilespmem:s11+$0xB000] =	vst v31  }
0x162: {  	v31 =	vld [tilespmem:s15+$0x3800];
	v41 =	vmul.f32 $5.000000000e-01, v16;
	[tilespmem:s11+$0xB800] =	vst v38  }
0x163: {  	v38 =	vld [tilespmem:s15+$0x810];
	v42 =	vmul.f32 $5.000000000e-01, v3;
	v4 =	vadd.f32 $-1.953125000e-03, v4;
	[tilespmem:s11+$0xC000] =	vst v32  }
0x164: {  	v32 =	vld [tilespmem:s15+$0x3810];
	v43 =	vmul.f32 $5.000000000e-01, v19;
	[tilespmem:s11+$0xC800] =	vst v37  }
0x165: {  	v37 =	vld [tilespmem:s15+$0x820];
	v40 =	vadd.f32 v42, v40;
	v42 =	vmul.f32 $5.120000000e+02, v4;
	[tilespmem:s11+$0x8810] =	vst v36  }
0x166: {  	v4 =	vadd.f32 v5, v39;
	v36 =	vld [tilespmem:s15+$0x3820];
	[tilespmem:s11+$0x9010] =	vst v35  }
0x167: {  	v5 =	vld [tilespmem:s15+$0x1800];
	v35 =	vmul.f32 $5.000000000e-01, v31;
	v39 =	vadd.f32 $-1.953125000e-03, v40;
	v40 =	vtrunc.f32 v42;
	[tilespmem:s11+$0x9810] =	vst v34  }
0x168: {  	v34 =	vld [tilespmem:s15+$0x1810];
	v38 =	vadd.f32 v41, v38;
	v41 =	vcvt.f32.s32 v40;
	vm0 =	vlt.f32 v42, v40;
	[tilespmem:s11+$0xA010] =	vst v33  }
0x169: {  	v33 =	vmul.f32 $5.000000000e-01, v32;
	v40 =	vld [tilespmem:s15+$0x1820];
	v39 =	vmul.f32 $5.120000000e+02, v39;
	v45 =	vsel vm0, $0xFFFFFFFF, v0;
	[tilespmem:s11+$0xA810] =	vst v21  }
0x16a: {  	v3 =	vmul.f32 v3, v44;
	v37 =	vadd.f32 v43, v37;
	v21 =	vadd.s32 v41, v45;
	[tilespmem:s11+$0xB010] =	vst v30  }
0x16b: {  	v30 =	vadd.f32 $-1.953125000e-03, v4;
	v4 =	vtrunc.f32 v39;
	v41 =	vcvt.s32.f32 v21;
	[tilespmem:s11+$0xB810] =	vst v29  }
0x16c: {  	v29 =	vmul.f32 $5.000000000e-01, v36;
	v43 =	vcvt.f32.s32 v4;
	vm0 =	vlt.f32 v39, v4;
	[tilespmem:s11+$0xC010] =	vst v28  }
0x16d: {  	v4 =	vmul.f32 $2.500000000e-01, v3;
	v3 =	vsel vm0, $0xFFFFFFFF, v0;
	v28 =	vsub.f32 v42, v41;
	[tilespmem:s11+$0xC810] =	vst v25  }
0x16e: {  	v37 =	vadd.f32 $-1.953125000e-03, v37;
	v25 =	vadd.f32 $-1.953125000e-03, v38;
	v3 =	vadd.s32 v43, v3;
	[tilespmem:s11+$0x8820] =	vst v26  }
0x16f: {  	v26 =	vadd.f32 v35, v5;
	v35 =	vcvt.s32.f32 v3;
	v5 =	vmul.f32 v28, v4;
	[tilespmem:s11+$0x9020] =	vst v23  }
0x170: {  	v29 =	vadd.f32 v29, v40;
	v28 =	vmul.f32 $5.120000000e+02, v30;
	v30 =	vadd.f32 v33, v34;
	[tilespmem:s11+$0x9820] =	vst v8  }
0x171: {  	v25 =	vmul.f32 $5.120000000e+02, v25;
	v8 =	vsub.f32 v39, v35;
	v23 =	vsub.f32 v4, v5;
	[tilespmem:s15+$0x15030] =	vst v5  }
0x172: {  	v33 =	vmul.f32 $5.120000000e+02, v37;
	v26 =	vadd.f32 $-1.953125000e-03, v26;
	v30 =	vadd.f32 $-1.953125000e-03, v30;
	[tilespmem:s11+$0xA020] =	vst v17  }
0x173: {  	v29 =	vadd.f32 $-1.953125000e-03, v29;
	v17 =	vtrunc.f32 v28;
	[tilespmem:s15+$0x12030] =	vst v23;
	v34 =	vmul.f32 v23, v8  }
0x174: {  	v35 =	vtrunc.f32 v25;
	v37 =	vtrunc.f32 v33;
	vm0 =	vlt.f32 v28, v17;
	[tilespmem:s11+$0xA820] =	vst v11  }
0x175: {  	vm1 =	vlt.f32 v25, v35;
	v11 =	vmul.f32 $5.120000000e+02, v26;
	v26 =	vmul.f32 $5.120000000e+02, v30;
	[tilespmem:s15+$0x12830] =	vst v34  }
0x176: {  	v29 =	vmul.f32 $5.120000000e+02, v29;
	vm2 =	vlt.f32 v33, v37;
	v17 =	vcvt.f32.s32 v17;
	[tilespmem:s11+$0xB020] =	vst v6  }
0x177: {  	v30 =	vcvt.f32.s32 v35;
	v34 =	vcvt.f32.s32 v37;
	v6 =	vsel vm0, $0xFFFFFFFF, v0;
	[tilespmem:s11+$0xB820] =	vst v27  }
0x178: {  	v35 =	vsel vm1, $0xFFFFFFFF, v0;
	v37 =	vsel vm2, $0xFFFFFFFF, v0;
	v27 =	vtrunc.f32 v11;
	[tilespmem:s11+$0xC020] =	vst v24  }
0x179: {  	v6 =	vadd.s32 v17, v6;
	v17 =	vtrunc.f32 v26;
	v24 =	vtrunc.f32 v29;
	[tilespmem:s11+$0xC820] =	vst v20  }
0x17a: {  	v30 =	vadd.s32 v30, v35;
	v34 =	vadd.s32 v34, v37;
	v20 =	vcvt.f32.s32 v27;
	[tilespmem:s11+$0x8830] =	vst v22  }
0x17b: {  	vm0 =	vlt.f32 v11, v27;
	vm1 =	vlt.f32 v26, v17;
	v22 =	vcvt.f32.s32 v17;
	[tilespmem:s11+$0x9030] =	vst v18  }
0x17c: {  	vm2 =	vlt.f32 v29, v24;
	v17 =	vcvt.s32.f32 v6;
	v18 =	vcvt.f32.s32 v24;
	[tilespmem:s11+$0x9830] =	vst v15  }
0x17d: {  	v27 =	vcvt.s32.f32 v34;
	v24 =	vcvt.s32.f32 v30;
	v15 =	vsel vm0, $0xFFFFFFFF, v0;
	[tilespmem:s11+$0xA030] =	vst v14  }
0x17e: {  	v13 =	vmul.f32 v31, v13;
	v31 =	vsel vm2, $0xFFFFFFFF, v0;
	v14 =	vsel vm1, $0xFFFFFFFF, v0;
	[tilespmem:s11+$0xA830] =	vst v12  }
0x17f: {  	v15 =	vadd.s32 v20, v15;
	v12 =	vmul.f32 v32, v16;
	v16 =	vmul.f32 v36, v19;
	[tilespmem:s11+$0xB030] =	vst v9  }
0x180: {  	v14 =	vadd.s32 v22, v14;
	v9 =	vsub.f32 v28, v17;
	v17 =	vadd.s32 v18, v31;
	[tilespmem:s11+$0xB830] =	vst v10  }
0x181: {  	v19 =	vsub.f32 v33, v27;
	v18 =	vsub.f32 v25, v24;
	v10 =	vcvt.s32.f32 v15;
	[tilespmem:s11+$0xC030] =	vst v7  }
0x182: {  	v22 =	vsub.f32 $1.000000000e+00, v8;
	v20 =	vcvt.s32.f32 v17;
	v7 =	vcvt.s32.f32 v14;
	[tilespmem:s11+$0xC830] =	vst v2  }
0x183: {  	v13 =	vmul.f32 $2.500000000e-01, v13;
	v10 =	vsub.f32 v11, v10;
	v11 =	vmul.f32 $2.500000000e-01, v12;
	[tilespmem:s11+$0x13820] =	vst v1;
	s11 =	smov.u32 s15  }
0x184: {  	v12 =	vsub.f32 v29, v20;
	v7 =	vsub.f32 v26, v7;
	v1 =	vmul.f32 $2.500000000e-01, v16;
	[tilespmem:s11+$0x13830] =	vst v4  }
0x185: {  	v9 =	vmul.f32 v9, v13;
	v16 =	vsub.f32 $1.000000000e+00, v10;
	v18 =	vmul.f32 v18, v11;
	[tilespmem:s11+$0x13800] =	vst v13  }
0x186: {  	v20 =	vsub.f32 $1.000000000e+00, v7;
	v2 =	vmul.f32 v19, v1;
	v19 =	vsub.f32 $1.000000000e+00, v12;
	[tilespmem:s11+$0x13810] =	vst v11  }
0x187: {  	v6 =	vmul.u32 $0x204, v6;
	v24 =	vsub.f32 v13, v9;
	v25 =	vsub.f32 v11, v18;
	[tilespmem:s11+$0x15000] =	vst v9  }
0x188: {  	v28 =	vmul.u32 $0x204, v34;
	v26 =	vmul.u32 $0x204, v30;
	v27 =	vsub.f32 v1, v2;
	[tilespmem:s11+$0x15010] =	vst v18  }
0x189: {  	v21 =	vmul.u32 $0x204, v21;
	v29 =	vmul.f32 v16, v24;
	[tilespmem:s11+$0x12000] =	vst v24;
	v24 =	vmul.f32 v24, v10  }
0x18a: {  	v30 =	vadd.s32 $0x204, v6;
	v31 =	vmul.f32 v20, v25;
	[tilespmem:s11+$0x12010] =	vst v25;
	v25 =	vmul.f32 v25, v7  }
0x18b: {  	v32 =	vadd.s32 $0x408, v6;
	v33 =	vmul.f32 v27, v12;
	[tilespmem:s11+$0x11800] =	vst v29;
	v29 =	vmul.f32 v19, v27  }
0x18c: {  	v23 =	vmul.f32 v22, v23;
	v6 =	vadd.s32 $0x60C, v6;
	[tilespmem:s11+$0x12800] =	vst v24;
	v24 =	vmul.f32 v16, v13  }
0x18d: {  	v34 =	vmul.f32 v10, v9;
	v44 =	vadd.s32 $0x204, v26;
	v16 =	vmul.f32 v16, v9;
	[tilespmem:s11+$0x11810] =	vst v31  }
0x18e: {  	v45 =	vadd.s32 $0x408, v26;
	[tilespmem:s11+$0x12810] =	vst v25;
	v25 =	vmul.f32 v20, v11;
	v20 =	vmul.f32 v20, v18  }
0x18f: {  	v26 =	vadd.s32 $0x60C, v26;
	v18 =	vmul.f32 v7, v18;
	[tilespmem:s11+$0x11820] =	vst v29;
	v29 =	vmul.f32 v19, v1  }
0x190: {  	v46 =	vadd.s32 $0x204, v28;
	v35 =	vmul.f32 v12, v2;
	[tilespmem:s11+$0x12820] =	vst v33;
	v33 =	vmul.f32 v19, v2  }
0x191: {  	v47 =	vadd.s32 $0x408, v28;
	[tilespmem:s11+$0x11830] =	vst v23;
	v23 =	vmul.f32 v22, v4;
	v22 =	vmul.f32 v22, v5  }
0x192: {  	v48 =	vmul.f32 v8, v5;
	[tilespmem:s11+$0x13000] =	vst v24;
	v24 =	vmul.f32 v10, v13;
	v10 =	vadd.s32 $0x60C, v28  }
0x193: {  	v12 =	vmul.f32 v12, v1;
	v9 =	vadd.s32 $0x204, v21;
	v11 =	vmul.f32 v7, v11;
	[tilespmem:s11+$0x14800] =	vst v16  }
0x194: {  	v7 =	vadd.s32 $0x408, v21;
	v19 =	vmul.f32 v8, v4;
	v5 =	vadd.s32 $0x60C, v21;
	[tilespmem:s11+$0x15800] =	vst v34  }
0x195: {  	v8 =	vadd.s32 $0x1, v15;
	v21 =	vadd.s32 $0x2, v15;
	v28 =	vadd.s32 $0x3, v15;
	[tilespmem:s11+$0x13010] =	vst v25  }
0x196: {  	v49 =	vadd.s32 $0x2, v14;
	v50 =	vadd.s32 $0x3, v14;
	v25 =	vadd.s32 $0x1, v14;
	[tilespmem:s11+$0x14810] =	vst v20  }
0x197: {  	v15 =	vadd.s32 $0x1, v17;
	v13 =	vadd.s32 $0x3, v17;
	v14 =	vadd.s32 $0x2, v17;
	[tilespmem:s11+$0x15810] =	vst v18  }
0x198: {  	v4 =	vadd.s32 $0x2, v3;
	v16 =	vadd.s32 $0x1, v3;
	v3 =	vadd.s32 $0x3, v3;
	[tilespmem:s11+$0x12020] =	vst v27  }
0x199: {  	v43 =	vadd.s32 v8, v30;
	v42 =	vadd.s32 v21, v30;
	v40 =	vadd.s32 v28, v30;
	[tilespmem:s11+$0x13020] =	vst v29  }
0x19a: {  	v41 =	vadd.s32 v8, v32;
	v39 =	vadd.s32 v21, v32;
	v31 =	vadd.s32 v28, v32;
	[tilespmem:s11+$0x14820] =	vst v33  }
0x19b: {  	v38 =	vadd.s32 v8, v6;
	v32 =	vadd.s32 v21, v6;
	v37 =	vadd.s32 v28, v6;
	[tilespmem:s11+$0x15820] =	vst v35  }
.Ltmp1:
0x19c: {  	v34 =	vadd.s32 v50, v44;
	v36 =	vadd.s32 v25, v44;
	v35 =	vadd.s32 v49, v44;
	[tilespmem:s11+$0x13030] =	vst v23;
	(pc) =	sbr.rel @p1 .LBB2_5-.Ltmp1, $4  }
0x19d: {  	v21 =	vadd.s32 v49, v45;
	v30 =	vadd.s32 v50, v45;
	v33 =	vadd.s32 v25, v45;
	[tilespmem:s11+$0x14830] =	vst v22  }
0x19e: {  	v28 =	vadd.s32 v49, v26;
	v29 =	vadd.s32 v25, v26;
	v25 =	vadd.s32 v50, v26;
	[tilespmem:s11+$0x15830] =	vst v48  }
0x19f: {  	v8 =	vadd.s32 v13, v46;
	v26 =	vadd.s32 v15, v46;
	v23 =	vadd.s32 v14, v46;
	[tilespmem:s11+$0x14000] =	vst v24  }
0x1a0: {  	s13 =	sadd.s32 $0x100, s13;
	v6 =	vadd.s32 v13, v47;
	v17 =	vadd.s32 v15, v47;
	[tilespmem:s11+$0x14010] =	vst v11;
	v11 =	vadd.s32 v14, v47  }
0x1a1: {  	[tilespmem:s11+$0x14020] =	vst v12  }
0x1a2: {  	[tilespmem:s11+$0x15020] =	vst v2  }
0x1a3: {  	[tilespmem:s11+$0x14030] =	vst v19  }
0x1a4: {  	[tilespmem:s11+$0x8800] =	vst v43  }
0x1a5: {  	[tilespmem:s11+$0x9000] =	vst v42  }
0x1a6: {  	[tilespmem:s11+$0x9800] =	vst v40  }
0x1a7: {  	[tilespmem:s11+$0xA000] =	vst v41  }
0x1a8: {  	[tilespmem:s11+$0xA800] =	vst v39  }
0x1a9: {  	[tilespmem:s11+$0xB000] =	vst v31  }
0x1aa: {  	[tilespmem:s11+$0xB800] =	vst v38  }
0x1ab: {  	[tilespmem:s11+$0xC000] =	vst v32  }
0x1ac: {  	[tilespmem:s11+$0xC800] =	vst v37  }
0x1ad: {  	[tilespmem:s11+$0x8810] =	vst v36  }
0x1ae: {  	[tilespmem:s11+$0x9010] =	vst v35  }
0x1af: {  	[tilespmem:s11+$0x9810] =	vst v34  }
0x1b0: {  	[tilespmem:s11+$0xA010] =	vst v33  }
0x1b1: {  	[tilespmem:s11+$0xA810] =	vst v21  }
0x1b2: {  	[tilespmem:s11+$0xB010] =	vst v30  }
0x1b3: {  	[tilespmem:s11+$0xB810] =	vst v29  }
0x1b4: {  	[tilespmem:s11+$0xC010] =	vst v28  }
0x1b5: {  	[tilespmem:s11+$0xC810] =	vst v25  }
0x1b6: {  	[tilespmem:s11+$0x8820] =	vst v26  }
0x1b7: {  	[tilespmem:s11+$0x9020] =	vst v23  }
0x1b8: {  	[tilespmem:s11+$0x9820] =	vst v8  }
0x1b9: {  	[tilespmem:s11+$0xA020] =	vst v17  }
0x1ba: {  	[tilespmem:s11+$0xA820] =	vst v11  }
0x1bb: {  	[tilespmem:s11+$0xB020] =	vst v6  }
0x1bc: {  	v2 =	vadd.s32 v15, v10;
	[tilespmem:s11+$0x13820] =	vst v1  }
0x1bd: {  	v59 =	vadd.s32 v14, v10;
	[tilespmem:s11+$0xB820] =	vst v2  }
0x1be: {  	v60 =	vadd.s32 v16, v9;
	[tilespmem:s11+$0xC020] =	vst v59  }
0x1bf: {  	v61 =	vadd.s32 v3, v9;
	[tilespmem:s11+$0x8830] =	vst v60  }
0x1c0: {  	v62 =	vadd.s32 v4, v7;
	[tilespmem:s11+$0x9830] =	vst v61  }
0x1c1: {  	v63 =	vadd.s32 v16, v5;
	[tilespmem:s11+$0xA830] =	vst v62  }
0x1c2: {  	v2 =	vadd.s32 v13, v10;
	[tilespmem:s11+$0xB830] =	vst v63  }
0x1c3: {  	s10 =	sadd.s32 $0x1, s10;
	[tilespmem:s11+$0xC820] =	vst v2;
	v2 =	vadd.s32 v4, v9  }
0x1c4: {  	p1 =	sne.s32 s10, $0x8;
	[tilespmem:s11+$0x9030] =	vst v2;
	v2 =	vadd.s32 v16, v7  }
.Ltmp2:
0x1c5: {  	[tilespmem:s11+$0xA030] =	vst v2;
	v2 =	vadd.s32 v3, v7;
	(pc) =	sbr.rel @p1 .LBB2_2-.Ltmp2, $4  }
0x1c6: {  	v3 =	vadd.s32 v3, v5;
	[tilespmem:s11+$0xB030] =	vst v2  }
0x1c7: {  	v2 =	vadd.s32 v4, v5;
	[tilespmem:s11+$0xC830] =	vst v3  }
0x1c8: {  	[tilespmem:s11+$0xC030] =	vst v2  }
0x1c9: {  	[spmem:s1] =	stream.indirect.scatter.add.f32 [tilespmem:s19], [sflag:$0x4], $0x1, s0, s28, $0xb8;
	[tilespmem:$0x1A800] =	vst v63  }
0x1ca: {  	_ =	swait.ge [sflag:s20], $0x4800  }
0x1cb: {  	[sflag:s20] =	ssyncset.done $0x0  }
0x1cc: {  	[sflag:s20] =	ssyncadd.s32 $0xFFFFB800  }
0x1cd: {  	_ =	swait.ge [sflag:s21], $0x4800  }
0x1ce: {  	[sflag:s21] =	ssyncset.done $0x0  }
0x1cf: {  	[sflag:s21] =	ssyncadd.s32 $0xFFFFB800  }
0x1d0: {  	s10 =	sshrl.u32 @!p0 s1, $0x3;
	s11 =	simm.s32 @!p0 $0x1;
	[bflag:$0x0] =	sbarrier.arrive $0xFFFF  }
0x1d1: {  	s12 =	simm.s32 @!p0 $0x20;
	s13 =	simm.s32 @!p0 $0x10;
	s15 =	rddreg [dreg:$0x8]  }
0x1d2: {  	[hbm:s15@s12], [sflag:s9] =	dma.strided @!p0 [spmem:s10@s13], $0x9000, s11, $0x10   }
0x1d3: {  	s10 =	simm.s32 @!p0 $0x5  }
0x1d4: {  	_ =	swait.ge @!p0 [sflag:s10], $0x9000  }
0x1d5: {  	s8 =	sadd.s32 $0x1, s8;
	s16 =	rddreg [dreg:$0x9]  }
0x1d6: {  	p1 =	sne.s32 s8, s16  }
.Ltmp3:
0x1d7: {  	_ = 	snop;
	(pc) =	sbr.rel @p1 .LBB2_1-.Ltmp3, $3  }
0x1d8: {  	_ =	sdelay $0x1  }
0x1d9: {  	[sflag:s10] =	ssyncset.done @!p0 $0x0  }
0x1da: {  	[sflag:s10] =	ssyncadd.s32 @!p0 $0xFFFF7000  }
0x1db: {  	_ =	sfence.sel $0x180000  }
0x1dc: {  	[bflag:$0x0] =	sbarrier.arrive $0xFFFF  }
0x1dd: {  	_ =	strace $0x90000047  }
0x1de: {  	[bflag:$0x2] =	sbarrier.arrive $0xFFFF  }
0x1df: {  	s0 =	rddreg [dreg:$0x2]  }
0x1e0: {  	s0 =	sadd.s32 @!p0 $0x100000, s0  }
0x1e1: {  	[sflag:s0] =	ssyncadd.tile.s32 @!p0 $0x1;
	_ =	shalt  }
.Lfunc_end2:
_tile_overlayer_lowered:
.L_overlay_start_2:
0x1e2: {  	(tag) =	ssettag $0x2  }
0x1e3: {  	s0 =	rddreg [dreg:$0x0];
	s2 =	stileid.u32  }
0x1e4: {  	s1 =	rddreg [dreg:$0x1];
	p0 =	sne.s32 s2, $0x0  }
0x1e5: {  	s3 =	rddreg [dreg:$0x2];
	[bflag:$0x3] =	sbarrier.arrive $0xFFFF;
	s2 =	simm.s32 @!p0 $0x1C05  }
0x1e6: {  	[timem:s3], [sflag:s2] =	dma.local @!p0 [hbm:s0], s1  }
0x1e7: {  	s0 =	simm.s32 @!p0 $0x5  }
0x1e8: {  	_ =	swait.ge @!p0 [sflag:s0], s1  }
0x1e9: {  	s1 =	ssub.s32 @!p0 $0x0, s1;
	[sflag:s0] =	ssyncset.done @!p0 $0x0  }
0x1ea: {  	[sflag:s0] =	ssyncadd.s32 @!p0 s1  }
0x1eb: {  	[bflag:$0x3] =	sbarrier.arrive $0xFFFF  }
0x1ec: {  	_ =	shalt  }

</sc_bundles>
